<compile_context>
chip_gen: v7x
topology: tpu7x:2x2x1
jax: 0.10.2.dev20260603
libtpu: 0.0.44.dev20260713+nightly
codegen_flags: <defaults>
</compile_context>

<pallas_src>
import functools

import jax
from jax import lax
import jax.numpy as jnp
from jax.experimental import pallas as pl
from jax.experimental.pallas import tpu as pltpu
from jax.experimental.pallas import tpu_sc as plsc

N = 10000
E = 320000
D = 128
NG = 64
DT = 10
EPS = 1e-5

NC = 2
NS = 16
NW = NC * NS
CH = 128
CPW = 80
EPW = CH * CPW
EPAD = EPW * NW
NCHUNK = EPAD // CH
NPAD = 10112
RPS = NPAD // NS

_mesh = plsc.VectorSubcoreMesh(core_axis_name="c", subcore_axis_name="s")


HCPW = CPW // 2


@functools.partial(
    pl.kernel,
    out_type=jax.ShapeDtypeStruct((NC, NPAD, D), jnp.float32),
    mesh=_mesh,
    scratch_types=[
        pltpu.VMEM((HCPW, CH), jnp.int32),
        pltpu.VMEM((CH, D), jnp.float32),
        pltpu.VMEM_SHARED((NPAD, D), jnp.float32),
    ],
)
def _sc_count(dst_hbm, ones_hbm, zero_hbm, out_hbm, didx, ones_v, cnt):
    c = lax.axis_index("c")
    s = lax.axis_index("s")
    wid = s * NC + c
    pltpu.sync_copy(zero_hbm.at[pl.ds(s * RPS, RPS)], cnt.at[pl.ds(s * RPS, RPS)])
    pltpu.sync_copy(ones_hbm, ones_v)
    plsc.subcore_barrier()

    for half in range(2):
        cbase = wid * CPW + half * HCPW
        pltpu.sync_copy(dst_hbm.at[pl.ds(cbase, HCPW)], didx)

        @pl.loop(0, HCPW)
        def _(j):
            pltpu.sync_copy(ones_v, cnt.at[didx.at[j]], add=True)

    plsc.subcore_barrier()
    pltpu.sync_copy(cnt.at[pl.ds(s * RPS, RPS)], out_hbm.at[c, pl.ds(s * RPS, RPS)])


@functools.partial(
    pl.kernel,
    out_type=jax.ShapeDtypeStruct((NC, NPAD, D), jnp.float32),
    mesh=_mesh,
    scratch_types=[
        pltpu.VMEM((HCPW, CH), jnp.int32),
        pltpu.VMEM((HCPW, CH), jnp.int32),
        pltpu.VMEM((CH, D), jnp.float32),
        pltpu.VMEM((CH, D), jnp.float32),
        pltpu.VMEM_SHARED((NPAD, D), jnp.float32),
        pltpu.SemaphoreType.DMA,
        pltpu.SemaphoreType.DMA,
    ],
)
def _sc_scatter(hp_hbm, src_hbm, dst_hbm, zero_hbm, out_hbm,
                sidx, didx, rows0, rows1, acc, sem0, sem1):
    c = lax.axis_index("c")
    s = lax.axis_index("s")
    wid = s * NC + c
    pltpu.sync_copy(zero_hbm.at[pl.ds(s * RPS, RPS)], acc.at[pl.ds(s * RPS, RPS)])
    plsc.subcore_barrier()

    for half in range(2):
        cbase = wid * CPW + half * HCPW
        pltpu.sync_copy(src_hbm.at[pl.ds(cbase, HCPW)], sidx)
        pltpu.sync_copy(dst_hbm.at[pl.ds(cbase, HCPW)], didx)
        pltpu.async_copy(hp_hbm.at[sidx.at[0]], rows0, sem0)

        @pl.loop(0, HCPW, step=2)
        def _(j):
            pltpu.async_copy(hp_hbm.at[sidx.at[j + 1]], rows1, sem1)
            pltpu.make_async_copy(hp_hbm.at[sidx.at[j]], rows0, sem0).wait()
            pltpu.sync_copy(rows0, acc.at[didx.at[j]], add=True)

            @pl.when(j + 2 < HCPW)
            def _():
                pltpu.async_copy(hp_hbm.at[sidx.at[j + 2]], rows0, sem0)

            pltpu.make_async_copy(hp_hbm.at[sidx.at[j + 1]], rows1, sem1).wait()
            pltpu.sync_copy(rows1, acc.at[didx.at[j + 1]], add=True)

    plsc.subcore_barrier()
    pltpu.sync_copy(acc.at[pl.ds(s * RPS, RPS)], out_hbm.at[c, pl.ds(s * RPS, RPS)])


_BLK = 1000


def _embed_mms_body(x_ref, we_ref, be_ref, w0_ref, c_ref, h_ref, hp_ref):
    h = (
        jnp.dot(x_ref[...], we_ref[...], preferred_element_type=jnp.float32)
        + be_ref[...]
    )
    h_ref[...] = h
    dinv = lax.rsqrt(c_ref[0, :, 0:1] + c_ref[1, :, 0:1] + 1.0)
    hp_ref[...] = (
        jnp.dot(h, w0_ref[...], preferred_element_type=jnp.float32) * dinv
    )


def _tc_embed_mms(x, We, be, W0, cnt):
    return pl.pallas_call(
        _embed_mms_body,
        grid=(N // _BLK,),
        in_specs=[
            pl.BlockSpec((_BLK, D), lambda i: (i, 0)),
            pl.BlockSpec((D, D), lambda i: (0, 0)),
            pl.BlockSpec((1, D), lambda i: (0, 0)),
            pl.BlockSpec((D, D), lambda i: (0, 0)),
            pl.BlockSpec((NC, _BLK, D), lambda i: (0, i, 0)),
        ],
        out_specs=[
            pl.BlockSpec((_BLK, D), lambda i: (i, 0)),
            pl.BlockSpec((_BLK, D), lambda i: (i, 0)),
        ],
        out_shape=[
            jax.ShapeDtypeStruct((N, D), jnp.float32),
            jax.ShapeDtypeStruct((N, D), jnp.float32),
        ],
    )(x, We, be, W0, cnt)


def _post_core(h_ref, hp_ref, acc_ref, c_ref, b_ref, g_ref, be_ref):
    dinv = lax.rsqrt(c_ref[0, :N, 0:1] + c_ref[1, :N, 0:1] + 1.0)
    t = (acc_ref[0, :N, :] + acc_ref[1, :N, :] + hp_ref[...]) * dinv + b_ref[...]
    mu = jnp.mean(t, axis=0, keepdims=True)
    var = jnp.mean((t - mu) ** 2, axis=0, keepdims=True)
    t = (t - mu) * lax.rsqrt(var + EPS) * g_ref[...] + be_ref[...]
    return h_ref[...] + jnp.maximum(t, 0.0), dinv


def _post_mms_body(h_ref, hp_ref, acc_ref, c_ref, b_ref, g_ref, be_ref,
                   wn_ref, o_ref, hpn_ref):
    h_new, dinv = _post_core(h_ref, hp_ref, acc_ref, c_ref, b_ref, g_ref, be_ref)
    o_ref[...] = h_new
    hpn_ref[...] = (
        jnp.dot(h_new, wn_ref[...], preferred_element_type=jnp.float32) * dinv
    )


def _tc_post_mms(h, hp, accp, cnt, b, g, be, Wn):
    return pl.pallas_call(
        _post_mms_body,
        out_shape=[
            jax.ShapeDtypeStruct((N, D), jnp.float32),
            jax.ShapeDtypeStruct((N, D), jnp.float32),
        ],
    )(h, hp, accp, cnt, b, g, be, Wn)


def _post_pool_body(h_ref, hp_ref, acc_ref, c_ref, b_ref, g_ref, be_ref,
                    batch_ref, w1_ref, b1_ref, w2_ref, b2_ref, w3_ref,
                    b3_ref, o_ref):
    h_new = _post_core(h_ref, hp_ref, acc_ref, c_ref, b_ref, g_ref, be_ref)[0]
    gids = lax.broadcasted_iota(jnp.int32, (NG, N), 0)
    mask = (batch_ref[...] == gids).astype(jnp.float32)
    sums = jnp.dot(mask, h_new, preferred_element_type=jnp.float32)
    cnt = jnp.sum(mask, axis=1, keepdims=True)
    pooled = sums / jnp.maximum(cnt, 1.0)
    z = jnp.maximum(
        jnp.dot(pooled, w1_ref[...], preferred_element_type=jnp.float32)
        + b1_ref[...], 0.0)
    z = jnp.maximum(
        jnp.dot(z, w2_ref[...], preferred_element_type=jnp.float32)
        + b2_ref[...], 0.0)
    o_ref[...] = (
        jnp.dot(z, w3_ref[...], preferred_element_type=jnp.float32) + b3_ref[...]
    )


def _tc_post_pool(h, hp, accp, cnt, b, g, be, batch2d, W1, b1, W2, b2, W3p,
                  b3p):
    return pl.pallas_call(
        _post_pool_body,
        out_shape=jax.ShapeDtypeStruct((NG, D), jnp.float32),
    )(h, hp, accp, cnt, b, g, be, batch2d, W1, b1, W2, b2, W3p, b3p)


def kernel(x, edge_index, batch, W_emb, b_emb, W_conv0, b_conv0, gamma0,
           beta0, W_conv1, b_conv1, gamma1, beta1, W_conv2, b_conv2, gamma2,
           beta2, W_fc1, b_fc1, W_fc2, b_fc2, W_fc3, b_fc3):
    f32 = jnp.float32
    src = edge_index[0]
    dst = edge_index[1]
    pad = EPAD - E
    dump = N + (jnp.arange(pad, dtype=jnp.int32) % (NPAD - N))
    spread = jnp.arange(pad, dtype=jnp.int32) % N
    src2 = jnp.concatenate([src, spread]).reshape(NCHUNK, CH)
    dst2 = jnp.concatenate([dst, dump]).reshape(NCHUNK, CH)
    zeroD = jnp.zeros((NPAD, D), f32)
    onesD = jnp.ones((CH, D), f32)

    cnt = _sc_count(dst2, onesD, zeroD)
    h, hp = _tc_embed_mms(x, W_emb, b_emb.reshape(1, D), W_conv0, cnt)

    for (b, g, be, Wn) in (
        (b_conv0, gamma0, beta0, W_conv1),
        (b_conv1, gamma1, beta1, W_conv2),
    ):
        accp = _sc_scatter(hp, src2, dst2, zeroD)
        h, hp = _tc_post_mms(h, hp, accp, cnt, b.reshape(1, D),
                             g.reshape(1, D), be.reshape(1, D), Wn)

    accp = _sc_scatter(hp, src2, dst2, zeroD)
    W3p = jnp.pad(W_fc3, ((0, 0), (0, D - DT)))
    b3p = jnp.pad(b_fc3, (0, D - DT)).reshape(1, D)
    zp = _tc_post_pool(h, hp, accp, cnt, b_conv2.reshape(1, D),
                       gamma2.reshape(1, D), beta2.reshape(1, D),
                       batch.reshape(1, N), W_fc1, b_fc1.reshape(1, D // 2),
                       W_fc2, b_fc2.reshape(1, D // 4), W3p, b3p)
    return zp[:, :DT]

# --- scband reference (transcript-rebuilt; emitter-appended) ---
"""Pipeline reference for scband-qgcn-22239340659451 (READ-ONLY COPY).

The authoritative reference and input builder live on the scoring server;
editing this copy changes nothing except your own understanding.
"""

import jax, jax.numpy as jnp
import numpy as np

N = 10000
E = 320000
DF = 128
DE = 128
DT = 10
NG = 64
NUM_LAYERS = 3


def _glorot(k, shape):
    lim = np.sqrt(6.0 / (shape[0] + shape[1]))
    return jax.random.uniform(k, shape, minval=-lim, maxval=lim, dtype=jnp.float32)


def setup_inputs(seed: int = 0) -> dict:
    key = jax.random.key(seed)
    ks = jax.random.split(key, 16)
    inp = {}
    inp["x"] = jax.random.normal(ks[0], (N, DF), dtype=jnp.float32)
    inp["edge_index"] = jax.random.randint(ks[1], (2, E), 0, N, dtype=jnp.int32)
    inp["batch"] = jnp.sort(jax.random.randint(ks[2], (N,), 0, NG, dtype=jnp.int32))
    inp["W_emb"] = _glorot(ks[3], (DF, DE))
    inp["b_emb"] = jnp.zeros((DE,), dtype=jnp.float32)
    for i in range(NUM_LAYERS):
        inp[f"W_conv{i}"] = _glorot(ks[4 + i], (DE, DE))
        inp[f"b_conv{i}"] = jnp.zeros((DE,), dtype=jnp.float32)
        inp[f"gamma{i}"] = jnp.ones((DE,), dtype=jnp.float32)
        inp[f"beta{i}"] = jnp.zeros((DE,), dtype=jnp.float32)
    inp["W_fc1"] = _glorot(ks[10], (DE, DE // 2))
    inp["b_fc1"] = jnp.zeros((DE // 2,), dtype=jnp.float32)
    inp["W_fc2"] = _glorot(ks[11], (DE // 2, DE // 4))
    inp["b_fc2"] = jnp.zeros((DE // 4,), dtype=jnp.float32)
    inp["W_fc3"] = _glorot(ks[12], (DE // 4, DT))
    inp["b_fc3"] = jnp.zeros((DT,), dtype=jnp.float32)
    return inp


def _gcn_conv(x, src, dst, W, b):
    n = x.shape[0]
    h = x @ W
    loop = jnp.arange(n, dtype=src.dtype)
    s = jnp.concatenate([src, loop])
    d = jnp.concatenate([dst, loop])
    deg = jax.ops.segment_sum(jnp.ones(s.shape[0], dtype=x.dtype), d, num_segments=n)
    dinv = jnp.where(deg > 0, 1.0 / jnp.sqrt(jnp.where(deg > 0, deg, 1.0)), 0.0)
    norm = dinv[s] * dinv[d]
    msg = h[s] * norm[:, None]
    out = jax.ops.segment_sum(msg, d, num_segments=n)
    return out + b


def _batchnorm(x, gamma, beta, eps=1e-5):
    mu = x.mean(axis=0)
    var = x.var(axis=0)
    return (x - mu) / jnp.sqrt(var + eps) * gamma + beta


def reference(x, edge_index, batch, W_emb, b_emb,
              W_conv0, b_conv0, gamma0, beta0,
              W_conv1, b_conv1, gamma1, beta1,
              W_conv2, b_conv2, gamma2, beta2,
              W_fc1, b_fc1, W_fc2, b_fc2, W_fc3, b_fc3):
    src = edge_index[0]
    dst = edge_index[1]
    h = x @ W_emb + b_emb
    layers = [
        (W_conv0, b_conv0, gamma0, beta0),
        (W_conv1, b_conv1, gamma1, beta1),
        (W_conv2, b_conv2, gamma2, beta2),
    ]
    for (W, b, g, be) in layers:
        h_in = h
        h = _gcn_conv(h, src, dst, W, b)
        h = _batchnorm(h, g, be)
        h = jnp.maximum(h, 0.0)
        h = h_in + h
    sums = jax.ops.segment_sum(h, batch, num_segments=NG)
    cnt = jax.ops.segment_sum(jnp.ones((h.shape[0], 1), dtype=h.dtype), batch, num_segments=NG)
    pooled = sums / jnp.clip(cnt, 1.0)
    z = jnp.maximum(pooled @ W_fc1 + b_fc1, 0.0)
    z = jnp.maximum(z @ W_fc2 + b_fc2, 0.0)
    z = z @ W_fc3 + b_fc3
    return z

if __name__ == "__main__":
    import jax
    _d = setup_inputs()
    print(jax.jit(kernel)(*tuple(_d.values())))

</pallas_src>

<mosaic_0001>
#map = affine_map<(d0, d1) -> (0, 0)>
#map1 = affine_map<(d0, d1) -> (0, 0, 0)>
module attributes {stable_mosaic.version = 14 : i64} {
  func.func @_sc_count(%arg0: i32, %arg1: i32, %arg2: memref<2560x128xi32, #tpu.memory_space<hbm>>, %arg3: memref<128x128xf32, #tpu.memory_space<hbm>>, %arg4: memref<10112x128xf32, #tpu.memory_space<hbm>>, %arg5: memref<2x10112x128xf32, #tpu.memory_space<hbm>>, %arg6: memref<40x128xi32, #tpu.memory_space<vmem>>, %arg7: memref<128x128xf32, #tpu.memory_space<vmem>>, %arg8: memref<10112x128xf32, #tpu.memory_space<vmem_shared>>) attributes {dimension_semantics = [#tpu.dimension_semantics<core_parallel>, #tpu.dimension_semantics<subcore_parallel>], iteration_bounds = array<i64: 2, 16>, scalar_prefetch = 0 : i64, scratch_operands = 3 : i64, tpu.core_type = #tpu.core_type<sc_vector_subcore>, window_params = [{transform_indices = #map}, {transform_indices = #map}, {transform_indices = #map}, {transform_indices = #map1}]} {
    %mul3A = arith.constant 2 : i32
    %mul3A_0 = arith.muli %arg1, %mul3A : i32
    %add3A = arith.addi %mul3A_0, %arg0 : i32
    %mul3A_1 = arith.constant 632 : i32
    %mul3A_2 = arith.muli %arg1, %mul3A_1 : i32
    %mul3A_3 = arith.constant 632 : i32
    %mul3A_4 = arith.muli %arg1, %mul3A_3 : i32
    "tpu.region"() ({
      %run_scoped3A = tpu.sem_alloc : memref<!tpu.dma_semaphore, #tpu.memory_space<semaphore_mem>>
      %dma_start3A = arith.constant 0 : i32
      %dma_start3A_27 = tpu.memref_slice %arg8[%mul3A_4, %dma_start3A] : memref<10112x128xf32, #tpu.memory_space<vmem_shared>> -> memref<632x128xf32, #tpu.memory_space<vmem_shared>>
      %dma_start3A_28 = arith.constant 0 : i32
      %dma_start3A_29 = tpu.memref_slice %arg4[%mul3A_2, %dma_start3A_28] : memref<10112x128xf32, #tpu.memory_space<hbm>> -> memref<632x128xf32, #tpu.memory_space<hbm>>
      tpu.enqueue_dma source(%dma_start3A_29 : memref<632x128xf32, #tpu.memory_space<hbm>>) target(%dma_start3A_27 : memref<632x128xf32, #tpu.memory_space<vmem_shared>>) target_semaphore(%run_scoped3A : memref<!tpu.dma_semaphore, #tpu.memory_space<semaphore_mem>>)
      %dma_wait3A = arith.constant 0 : i32
      %dma_wait3A_30 = tpu.memref_slice %arg8[%mul3A_4, %dma_wait3A] : memref<10112x128xf32, #tpu.memory_space<vmem_shared>> -> memref<632x128xf32, #tpu.memory_space<vmem_shared>>
      %dma_wait3A_31 = arith.constant 0 : i32
      %dma_wait3A_32 = tpu.memref_slice %arg4[%mul3A_2, %dma_wait3A_31] : memref<10112x128xf32, #tpu.memory_space<hbm>> -> memref<632x128xf32, #tpu.memory_space<hbm>>
      tpu.wait_dma2 semaphore(%run_scoped3A : memref<!tpu.dma_semaphore, #tpu.memory_space<semaphore_mem>>) src(%dma_wait3A_32 : memref<632x128xf32, #tpu.memory_space<hbm>>) dst(%dma_wait3A_30 : memref<632x128xf32, #tpu.memory_space<vmem_shared>>)
      tpu.yield
    }) : () -> ()
    "tpu.region"() ({
      %run_scoped3A = tpu.sem_alloc : memref<!tpu.dma_semaphore, #tpu.memory_space<semaphore_mem>>
      tpu.enqueue_dma source(%arg3 : memref<128x128xf32, #tpu.memory_space<hbm>>) target(%arg7 : memref<128x128xf32, #tpu.memory_space<vmem>>) target_semaphore(%run_scoped3A : memref<!tpu.dma_semaphore, #tpu.memory_space<semaphore_mem>>)
      tpu.wait_dma2 semaphore(%run_scoped3A : memref<!tpu.dma_semaphore, #tpu.memory_space<semaphore_mem>>) src(%arg3 : memref<128x128xf32, #tpu.memory_space<hbm>>) dst(%arg7 : memref<128x128xf32, #tpu.memory_space<vmem>>)
      tpu.yield
    }) : () -> ()
    %barrier3A = arith.constant 0 : index
    tpu.barrier barrier_id(%barrier3A)
    %mul3A_5 = arith.constant 80 : i32
    %mul3A_6 = arith.muli %add3A, %mul3A_5 : i32
    %add3A_7 = arith.constant 0 : i32
    %add3A_8 = arith.addi %mul3A_6, %add3A_7 : i32
    "tpu.region"() ({
      %run_scoped3A = tpu.sem_alloc : memref<!tpu.dma_semaphore, #tpu.memory_space<semaphore_mem>>
      %dma_start3A = arith.constant 0 : i32
      %dma_start3A_27 = tpu.memref_slice %arg2[%add3A_8, %dma_start3A] : memref<2560x128xi32, #tpu.memory_space<hbm>> -> memref<40x128xi32, #tpu.memory_space<hbm>>
      %dma_start3A_28 = arith.constant 0 : i32
      %dma_start3A_29 = tpu.memref_slice %arg2[%add3A_8, %dma_start3A_28] : memref<2560x128xi32, #tpu.memory_space<hbm>> -> memref<40x128xi32, #tpu.memory_space<hbm>>
      tpu.enqueue_dma source(%dma_start3A_29 : memref<40x128xi32, #tpu.memory_space<hbm>>) target(%arg6 : memref<40x128xi32, #tpu.memory_space<vmem>>) target_semaphore(%run_scoped3A : memref<!tpu.dma_semaphore, #tpu.memory_space<semaphore_mem>>)
      %dma_wait3A = arith.constant 0 : i32
      %dma_wait3A_30 = tpu.memref_slice %arg2[%add3A_8, %dma_wait3A] : memref<2560x128xi32, #tpu.memory_space<hbm>> -> memref<40x128xi32, #tpu.memory_space<hbm>>
      %dma_wait3A_31 = arith.constant 0 : i32
      %dma_wait3A_32 = tpu.memref_slice %arg2[%add3A_8, %dma_wait3A_31] : memref<2560x128xi32, #tpu.memory_space<hbm>> -> memref<40x128xi32, #tpu.memory_space<hbm>>
      tpu.wait_dma2 semaphore(%run_scoped3A : memref<!tpu.dma_semaphore, #tpu.memory_space<semaphore_mem>>) src(%dma_wait3A_32 : memref<40x128xi32, #tpu.memory_space<hbm>>) dst(%arg6 : memref<40x128xi32, #tpu.memory_space<vmem>>)
      tpu.yield
    }) : () -> ()
    %scan3A = arith.constant 0 : i32
    %scan3A_9 = arith.constant 40 : i32
    %scan3A_10 = arith.addi %scan3A, %scan3A_9 : i32
    %scan3A_11 = arith.constant 1 : i32
    scf.for %scan3A_27 = %scan3A to %scan3A_10 step %scan3A_11  : i32 {
      %mul3A_28 = arith.constant 1 : i32
      %mul3A_29 = arith.muli %scan3A_27, %mul3A_28 : i32
      %add3A_30 = arith.constant 0 : i32
      %add3A_31 = arith.addi %add3A_30, %mul3A_29 : i32
      "tpu.region"() ({
        %run_scoped3A = tpu.sem_alloc : memref<!tpu.dma_semaphore, #tpu.memory_space<semaphore_mem>>
        %dma_start3A = arith.constant 0 : i32
        %dma_start3A_32 = tpu.memref_slice %arg6[%add3A_31, %dma_start3A] : memref<40x128xi32, #tpu.memory_space<vmem>> -> memref<1x128xi32, #tpu.memory_space<vmem>>
        %dma_start3A_33 = tpu.memref_squeeze %dma_start3A_32 : memref<1x128xi32, #tpu.memory_space<vmem>> -> memref<128xi32, #tpu.memory_space<vmem>>
        %dma_start3A_34 = arith.constant 0 : i32
        %dma_start3A_35 = arith.constant 0 : i32
        %dma_start3A_36 = tpu.memref_slice %arg8[%dma_start3A_34, %dma_start3A_35] : memref<10112x128xf32, #tpu.memory_space<vmem_shared>> -> memref<10112x128xf32, #tpu.memory_space<vmem_shared>>
        tpu.enqueue_indirect_dma source(%arg7 : memref<128x128xf32, #tpu.memory_space<vmem>>) target(%dma_start3A_36 : memref<10112x128xf32, #tpu.memory_space<vmem_shared>>) offsets(%dma_start3A_33 : memref<128xi32, #tpu.memory_space<vmem>>) semaphore(%run_scoped3A : memref<!tpu.dma_semaphore, #tpu.memory_space<semaphore_mem>>) {add = true}
        %dma_wait3A = arith.constant 0 : i32
        %dma_wait3A_37 = tpu.memref_slice %arg6[%add3A_31, %dma_wait3A] : memref<40x128xi32, #tpu.memory_space<vmem>> -> memref<1x128xi32, #tpu.memory_space<vmem>>
        %dma_wait3A_38 = tpu.memref_squeeze %dma_wait3A_37 : memref<1x128xi32, #tpu.memory_space<vmem>> -> memref<128xi32, #tpu.memory_space<vmem>>
        %dma_wait3A_39 = arith.constant 0 : i32
        %dma_wait3A_40 = arith.constant 0 : i32
        %dma_wait3A_41 = tpu.memref_slice %arg8[%dma_wait3A_39, %dma_wait3A_40] : memref<10112x128xf32, #tpu.memory_space<vmem_shared>> -> memref<10112x128xf32, #tpu.memory_space<vmem_shared>>
        tpu.wait_indirect_dma semaphore(%run_scoped3A : memref<!tpu.dma_semaphore, #tpu.memory_space<semaphore_mem>>) src(%arg7 : memref<128x128xf32, #tpu.memory_space<vmem>>) dst(%dma_wait3A_41 : memref<10112x128xf32, #tpu.memory_space<vmem_shared>>)
        tpu.yield
      }) : () -> ()
    }
    %scan3A_12 = arith.constant 40 : i32
    %mul3A_13 = arith.constant 80 : i32
    %mul3A_14 = arith.muli %add3A, %mul3A_13 : i32
    %add3A_15 = arith.constant 40 : i32
    %add3A_16 = arith.addi %mul3A_14, %add3A_15 : i32
    "tpu.region"() ({
      %run_scoped3A = tpu.sem_alloc : memref<!tpu.dma_semaphore, #tpu.memory_space<semaphore_mem>>
      %dma_start3A = arith.constant 0 : i32
      %dma_start3A_27 = tpu.memref_slice %arg2[%add3A_16, %dma_start3A] : memref<2560x128xi32, #tpu.memory_space<hbm>> -> memref<40x128xi32, #tpu.memory_space<hbm>>
      %dma_start3A_28 = arith.constant 0 : i32
      %dma_start3A_29 = tpu.memref_slice %arg2[%add3A_16, %dma_start3A_28] : memref<2560x128xi32, #tpu.memory_space<hbm>> -> memref<40x128xi32, #tpu.memory_space<hbm>>
      tpu.enqueue_dma source(%dma_start3A_29 : memref<40x128xi32, #tpu.memory_space<hbm>>) target(%arg6 : memref<40x128xi32, #tpu.memory_space<vmem>>) target_semaphore(%run_scoped3A : memref<!tpu.dma_semaphore, #tpu.memory_space<semaphore_mem>>)
      %dma_wait3A = arith.constant 0 : i32
      %dma_wait3A_30 = tpu.memref_slice %arg2[%add3A_16, %dma_wait3A] : memref<2560x128xi32, #tpu.memory_space<hbm>> -> memref<40x128xi32, #tpu.memory_space<hbm>>
      %dma_wait3A_31 = arith.constant 0 : i32
      %dma_wait3A_32 = tpu.memref_slice %arg2[%add3A_16, %dma_wait3A_31] : memref<2560x128xi32, #tpu.memory_space<hbm>> -> memref<40x128xi32, #tpu.memory_space<hbm>>
      tpu.wait_dma2 semaphore(%run_scoped3A : memref<!tpu.dma_semaphore, #tpu.memory_space<semaphore_mem>>) src(%dma_wait3A_32 : memref<40x128xi32, #tpu.memory_space<hbm>>) dst(%arg6 : memref<40x128xi32, #tpu.memory_space<vmem>>)
      tpu.yield
    }) : () -> ()
    %scan3A_17 = arith.constant 0 : i32
    %scan3A_18 = arith.constant 40 : i32
    %scan3A_19 = arith.addi %scan3A_17, %scan3A_18 : i32
    %scan3A_20 = arith.constant 1 : i32
    scf.for %scan3A_27 = %scan3A_17 to %scan3A_19 step %scan3A_20  : i32 {
      %mul3A_28 = arith.constant 1 : i32
      %mul3A_29 = arith.muli %scan3A_27, %mul3A_28 : i32
      %add3A_30 = arith.constant 0 : i32
      %add3A_31 = arith.addi %add3A_30, %mul3A_29 : i32
      "tpu.region"() ({
        %run_scoped3A = tpu.sem_alloc : memref<!tpu.dma_semaphore, #tpu.memory_space<semaphore_mem>>
        %dma_start3A = arith.constant 0 : i32
        %dma_start3A_32 = tpu.memref_slice %arg6[%add3A_31, %dma_start3A] : memref<40x128xi32, #tpu.memory_space<vmem>> -> memref<1x128xi32, #tpu.memory_space<vmem>>
        %dma_start3A_33 = tpu.memref_squeeze %dma_start3A_32 : memref<1x128xi32, #tpu.memory_space<vmem>> -> memref<128xi32, #tpu.memory_space<vmem>>
        %dma_start3A_34 = arith.constant 0 : i32
        %dma_start3A_35 = arith.constant 0 : i32
        %dma_start3A_36 = tpu.memref_slice %arg8[%dma_start3A_34, %dma_start3A_35] : memref<10112x128xf32, #tpu.memory_space<vmem_shared>> -> memref<10112x128xf32, #tpu.memory_space<vmem_shared>>
        tpu.enqueue_indirect_dma source(%arg7 : memref<128x128xf32, #tpu.memory_space<vmem>>) target(%dma_start3A_36 : memref<10112x128xf32, #tpu.memory_space<vmem_shared>>) offsets(%dma_start3A_33 : memref<128xi32, #tpu.memory_space<vmem>>) semaphore(%run_scoped3A : memref<!tpu.dma_semaphore, #tpu.memory_space<semaphore_mem>>) {add = true}
        %dma_wait3A = arith.constant 0 : i32
        %dma_wait3A_37 = tpu.memref_slice %arg6[%add3A_31, %dma_wait3A] : memref<40x128xi32, #tpu.memory_space<vmem>> -> memref<1x128xi32, #tpu.memory_space<vmem>>
        %dma_wait3A_38 = tpu.memref_squeeze %dma_wait3A_37 : memref<1x128xi32, #tpu.memory_space<vmem>> -> memref<128xi32, #tpu.memory_space<vmem>>
        %dma_wait3A_39 = arith.constant 0 : i32
        %dma_wait3A_40 = arith.constant 0 : i32
        %dma_wait3A_41 = tpu.memref_slice %arg8[%dma_wait3A_39, %dma_wait3A_40] : memref<10112x128xf32, #tpu.memory_space<vmem_shared>> -> memref<10112x128xf32, #tpu.memory_space<vmem_shared>>
        tpu.wait_indirect_dma semaphore(%run_scoped3A : memref<!tpu.dma_semaphore, #tpu.memory_space<semaphore_mem>>) src(%arg7 : memref<128x128xf32, #tpu.memory_space<vmem>>) dst(%dma_wait3A_41 : memref<10112x128xf32, #tpu.memory_space<vmem_shared>>)
        tpu.yield
      }) : () -> ()
    }
    %scan3A_21 = arith.constant 40 : i32
    %barrier3A_22 = arith.constant 0 : index
    tpu.barrier barrier_id(%barrier3A_22)
    %mul3A_23 = arith.constant 632 : i32
    %mul3A_24 = arith.muli %arg1, %mul3A_23 : i32
    %mul3A_25 = arith.constant 632 : i32
    %mul3A_26 = arith.muli %arg1, %mul3A_25 : i32
    "tpu.region"() ({
      %run_scoped3A = tpu.sem_alloc : memref<!tpu.dma_semaphore, #tpu.memory_space<semaphore_mem>>
      %dma_start3A = arith.constant 0 : i32
      %dma_start3A_27 = tpu.memref_slice %arg5[%arg0, %mul3A_26, %dma_start3A] : memref<2x10112x128xf32, #tpu.memory_space<hbm>> -> memref<1x632x128xf32, #tpu.memory_space<hbm>>
      %dma_start3A_28 = tpu.memref_squeeze %dma_start3A_27 : memref<1x632x128xf32, #tpu.memory_space<hbm>> -> memref<632x128xf32, #tpu.memory_space<hbm>>
      %dma_start3A_29 = arith.constant 0 : i32
      %dma_start3A_30 = tpu.memref_slice %arg8[%mul3A_24, %dma_start3A_29] : memref<10112x128xf32, #tpu.memory_space<vmem_shared>> -> memref<632x128xf32, #tpu.memory_space<vmem_shared>>
      tpu.enqueue_dma source(%dma_start3A_30 : memref<632x128xf32, #tpu.memory_space<vmem_shared>>) target(%dma_start3A_28 : memref<632x128xf32, #tpu.memory_space<hbm>>) target_semaphore(%run_scoped3A : memref<!tpu.dma_semaphore, #tpu.memory_space<semaphore_mem>>)
      %dma_wait3A = arith.constant 0 : i32
      %dma_wait3A_31 = tpu.memref_slice %arg5[%arg0, %mul3A_26, %dma_wait3A] : memref<2x10112x128xf32, #tpu.memory_space<hbm>> -> memref<1x632x128xf32, #tpu.memory_space<hbm>>
      %dma_wait3A_32 = tpu.memref_squeeze %dma_wait3A_31 : memref<1x632x128xf32, #tpu.memory_space<hbm>> -> memref<632x128xf32, #tpu.memory_space<hbm>>
      %dma_wait3A_33 = arith.constant 0 : i32
      %dma_wait3A_34 = tpu.memref_slice %arg8[%mul3A_24, %dma_wait3A_33] : memref<10112x128xf32, #tpu.memory_space<vmem_shared>> -> memref<632x128xf32, #tpu.memory_space<vmem_shared>>
      tpu.wait_dma2 semaphore(%run_scoped3A : memref<!tpu.dma_semaphore, #tpu.memory_space<semaphore_mem>>) src(%dma_wait3A_34 : memref<632x128xf32, #tpu.memory_space<vmem_shared>>) dst(%dma_wait3A_32 : memref<632x128xf32, #tpu.memory_space<hbm>>)
      tpu.yield
    }) : () -> ()
    return
  }
}

#map = affine_map<(d0, d1) -> (0, 0)>
#map1 = affine_map<(d0, d1) -> (0, 0, 0)>
module attributes {stable_mosaic.version = 14 : i64} {
  func.func @_sc_scatter(%arg0: i32, %arg1: i32, %arg2: memref<10000x128xf32, #tpu.memory_space<hbm>>, %arg3: memref<2560x128xi32, #tpu.memory_space<hbm>>, %arg4: memref<2560x128xi32, #tpu.memory_space<hbm>>, %arg5: memref<10112x128xf32, #tpu.memory_space<hbm>>, %arg6: memref<2x10112x128xf32, #tpu.memory_space<hbm>>, %arg7: memref<40x128xi32, #tpu.memory_space<vmem>>, %arg8: memref<40x128xi32, #tpu.memory_space<vmem>>, %arg9: memref<128x128xf32, #tpu.memory_space<vmem>>, %arg10: memref<128x128xf32, #tpu.memory_space<vmem>>, %arg11: memref<10112x128xf32, #tpu.memory_space<vmem_shared>>, %arg12: memref<!tpu.dma_semaphore, #tpu.memory_space<semaphore_mem>>, %arg13: memref<!tpu.dma_semaphore, #tpu.memory_space<semaphore_mem>>) attributes {dimension_semantics = [#tpu.dimension_semantics<core_parallel>, #tpu.dimension_semantics<subcore_parallel>], iteration_bounds = array<i64: 2, 16>, scalar_prefetch = 0 : i64, scratch_operands = 7 : i64, tpu.core_type = #tpu.core_type<sc_vector_subcore>, window_params = [{transform_indices = #map}, {transform_indices = #map}, {transform_indices = #map}, {transform_indices = #map}, {transform_indices = #map1}]} {
    %mul3A = arith.constant 2 : i32
    %mul3A_0 = arith.muli %arg1, %mul3A : i32
    %add3A = arith.addi %mul3A_0, %arg0 : i32
    %mul3A_1 = arith.constant 632 : i32
    %mul3A_2 = arith.muli %arg1, %mul3A_1 : i32
    %mul3A_3 = arith.constant 632 : i32
    %mul3A_4 = arith.muli %arg1, %mul3A_3 : i32
    "tpu.region"() ({
      %run_scoped3A = tpu.sem_alloc : memref<!tpu.dma_semaphore, #tpu.memory_space<semaphore_mem>>
      %dma_start3A_40 = arith.constant 0 : i32
      %dma_start3A_41 = tpu.memref_slice %arg11[%mul3A_4, %dma_start3A_40] : memref<10112x128xf32, #tpu.memory_space<vmem_shared>> -> memref<632x128xf32, #tpu.memory_space<vmem_shared>>
      %dma_start3A_42 = arith.constant 0 : i32
      %dma_start3A_43 = tpu.memref_slice %arg5[%mul3A_2, %dma_start3A_42] : memref<10112x128xf32, #tpu.memory_space<hbm>> -> memref<632x128xf32, #tpu.memory_space<hbm>>
      tpu.enqueue_dma source(%dma_start3A_43 : memref<632x128xf32, #tpu.memory_space<hbm>>) target(%dma_start3A_41 : memref<632x128xf32, #tpu.memory_space<vmem_shared>>) target_semaphore(%run_scoped3A : memref<!tpu.dma_semaphore, #tpu.memory_space<semaphore_mem>>)
      %dma_wait3A = arith.constant 0 : i32
      %dma_wait3A_44 = tpu.memref_slice %arg11[%mul3A_4, %dma_wait3A] : memref<10112x128xf32, #tpu.memory_space<vmem_shared>> -> memref<632x128xf32, #tpu.memory_space<vmem_shared>>
      %dma_wait3A_45 = arith.constant 0 : i32
      %dma_wait3A_46 = tpu.memref_slice %arg5[%mul3A_2, %dma_wait3A_45] : memref<10112x128xf32, #tpu.memory_space<hbm>> -> memref<632x128xf32, #tpu.memory_space<hbm>>
      tpu.wait_dma2 semaphore(%run_scoped3A : memref<!tpu.dma_semaphore, #tpu.memory_space<semaphore_mem>>) src(%dma_wait3A_46 : memref<632x128xf32, #tpu.memory_space<hbm>>) dst(%dma_wait3A_44 : memref<632x128xf32, #tpu.memory_space<vmem_shared>>)
      tpu.yield
    }) : () -> ()
    %barrier3A = arith.constant 0 : index
    tpu.barrier barrier_id(%barrier3A)
    %mul3A_5 = arith.constant 80 : i32
    %mul3A_6 = arith.muli %add3A, %mul3A_5 : i32
    %add3A_7 = arith.constant 0 : i32
    %add3A_8 = arith.addi %mul3A_6, %add3A_7 : i32
    "tpu.region"() ({
      %run_scoped3A = tpu.sem_alloc : memref<!tpu.dma_semaphore, #tpu.memory_space<semaphore_mem>>
      %dma_start3A_40 = arith.constant 0 : i32
      %dma_start3A_41 = tpu.memref_slice %arg3[%add3A_8, %dma_start3A_40] : memref<2560x128xi32, #tpu.memory_space<hbm>> -> memref<40x128xi32, #tpu.memory_space<hbm>>
      %dma_start3A_42 = arith.constant 0 : i32
      %dma_start3A_43 = tpu.memref_slice %arg3[%add3A_8, %dma_start3A_42] : memref<2560x128xi32, #tpu.memory_space<hbm>> -> memref<40x128xi32, #tpu.memory_space<hbm>>
      tpu.enqueue_dma source(%dma_start3A_43 : memref<40x128xi32, #tpu.memory_space<hbm>>) target(%arg7 : memref<40x128xi32, #tpu.memory_space<vmem>>) target_semaphore(%run_scoped3A : memref<!tpu.dma_semaphore, #tpu.memory_space<semaphore_mem>>)
      %dma_wait3A = arith.constant 0 : i32
      %dma_wait3A_44 = tpu.memref_slice %arg3[%add3A_8, %dma_wait3A] : memref<2560x128xi32, #tpu.memory_space<hbm>> -> memref<40x128xi32, #tpu.memory_space<hbm>>
      %dma_wait3A_45 = arith.constant 0 : i32
      %dma_wait3A_46 = tpu.memref_slice %arg3[%add3A_8, %dma_wait3A_45] : memref<2560x128xi32, #tpu.memory_space<hbm>> -> memref<40x128xi32, #tpu.memory_space<hbm>>
      tpu.wait_dma2 semaphore(%run_scoped3A : memref<!tpu.dma_semaphore, #tpu.memory_space<semaphore_mem>>) src(%dma_wait3A_46 : memref<40x128xi32, #tpu.memory_space<hbm>>) dst(%arg7 : memref<40x128xi32, #tpu.memory_space<vmem>>)
      tpu.yield
    }) : () -> ()
    "tpu.region"() ({
      %run_scoped3A = tpu.sem_alloc : memref<!tpu.dma_semaphore, #tpu.memory_space<semaphore_mem>>
      %dma_start3A_40 = arith.constant 0 : i32
      %dma_start3A_41 = tpu.memref_slice %arg4[%add3A_8, %dma_start3A_40] : memref<2560x128xi32, #tpu.memory_space<hbm>> -> memref<40x128xi32, #tpu.memory_space<hbm>>
      %dma_start3A_42 = arith.constant 0 : i32
      %dma_start3A_43 = tpu.memref_slice %arg4[%add3A_8, %dma_start3A_42] : memref<2560x128xi32, #tpu.memory_space<hbm>> -> memref<40x128xi32, #tpu.memory_space<hbm>>
      tpu.enqueue_dma source(%dma_start3A_43 : memref<40x128xi32, #tpu.memory_space<hbm>>) target(%arg8 : memref<40x128xi32, #tpu.memory_space<vmem>>) target_semaphore(%run_scoped3A : memref<!tpu.dma_semaphore, #tpu.memory_space<semaphore_mem>>)
      %dma_wait3A = arith.constant 0 : i32
      %dma_wait3A_44 = tpu.memref_slice %arg4[%add3A_8, %dma_wait3A] : memref<2560x128xi32, #tpu.memory_space<hbm>> -> memref<40x128xi32, #tpu.memory_space<hbm>>
      %dma_wait3A_45 = arith.constant 0 : i32
      %dma_wait3A_46 = tpu.memref_slice %arg4[%add3A_8, %dma_wait3A_45] : memref<2560x128xi32, #tpu.memory_space<hbm>> -> memref<40x128xi32, #tpu.memory_space<hbm>>
      tpu.wait_dma2 semaphore(%run_scoped3A : memref<!tpu.dma_semaphore, #tpu.memory_space<semaphore_mem>>) src(%dma_wait3A_46 : memref<40x128xi32, #tpu.memory_space<hbm>>) dst(%arg8 : memref<40x128xi32, #tpu.memory_space<vmem>>)
      tpu.yield
    }) : () -> ()
    %dma_start3A = arith.constant 0 : i32
    %dma_start3A_9 = arith.constant 0 : i32
    %dma_start3A_10 = tpu.memref_slice %arg7[%dma_start3A, %dma_start3A_9] : memref<40x128xi32, #tpu.memory_space<vmem>> -> memref<1x128xi32, #tpu.memory_space<vmem>>
    %dma_start3A_11 = tpu.memref_squeeze %dma_start3A_10 : memref<1x128xi32, #tpu.memory_space<vmem>> -> memref<128xi32, #tpu.memory_space<vmem>>
    %dma_start3A_12 = arith.constant 0 : i32
    %dma_start3A_13 = arith.constant 0 : i32
    %dma_start3A_14 = tpu.memref_slice %arg2[%dma_start3A_12, %dma_start3A_13] : memref<10000x128xf32, #tpu.memory_space<hbm>> -> memref<10000x128xf32, #tpu.memory_space<hbm>>
    tpu.enqueue_indirect_dma source(%dma_start3A_14 : memref<10000x128xf32, #tpu.memory_space<hbm>>) target(%arg9 : memref<128x128xf32, #tpu.memory_space<vmem>>) offsets(%dma_start3A_11 : memref<128xi32, #tpu.memory_space<vmem>>) semaphore(%arg12 : memref<!tpu.dma_semaphore, #tpu.memory_space<semaphore_mem>>)
    %scan3A = arith.constant 0 : i32
    %scan3A_15 = arith.constant 20 : i32
    %scan3A_16 = arith.addi %scan3A, %scan3A_15 : i32
    %scan3A_17 = arith.constant 1 : i32
    scf.for %scan3A_40 = %scan3A to %scan3A_16 step %scan3A_17  : i32 {
      %mul3A_41 = arith.constant 2 : i32
      %mul3A_42 = arith.muli %scan3A_40, %mul3A_41 : i32
      %add3A_43 = arith.constant 0 : i32
      %add3A_44 = arith.addi %add3A_43, %mul3A_42 : i32
      %add3A_45 = arith.constant 1 : i32
      %add3A_46 = arith.addi %add3A_44, %add3A_45 : i32
      %dma_start3A_47 = arith.constant 0 : i32
      %dma_start3A_48 = tpu.memref_slice %arg7[%add3A_46, %dma_start3A_47] : memref<40x128xi32, #tpu.memory_space<vmem>> -> memref<1x128xi32, #tpu.memory_space<vmem>>
      %dma_start3A_49 = tpu.memref_squeeze %dma_start3A_48 : memref<1x128xi32, #tpu.memory_space<vmem>> -> memref<128xi32, #tpu.memory_space<vmem>>
      %dma_start3A_50 = arith.constant 0 : i32
      %dma_start3A_51 = arith.constant 0 : i32
      %dma_start3A_52 = tpu.memref_slice %arg2[%dma_start3A_50, %dma_start3A_51] : memref<10000x128xf32, #tpu.memory_space<hbm>> -> memref<10000x128xf32, #tpu.memory_space<hbm>>
      tpu.enqueue_indirect_dma source(%dma_start3A_52 : memref<10000x128xf32, #tpu.memory_space<hbm>>) target(%arg10 : memref<128x128xf32, #tpu.memory_space<vmem>>) offsets(%dma_start3A_49 : memref<128xi32, #tpu.memory_space<vmem>>) semaphore(%arg13 : memref<!tpu.dma_semaphore, #tpu.memory_space<semaphore_mem>>)
      %dma_wait3A = arith.constant 0 : i32
      %dma_wait3A_53 = tpu.memref_slice %arg7[%add3A_44, %dma_wait3A] : memref<40x128xi32, #tpu.memory_space<vmem>> -> memref<1x128xi32, #tpu.memory_space<vmem>>
      %dma_wait3A_54 = tpu.memref_squeeze %dma_wait3A_53 : memref<1x128xi32, #tpu.memory_space<vmem>> -> memref<128xi32, #tpu.memory_space<vmem>>
      %dma_wait3A_55 = arith.constant 0 : i32
      %dma_wait3A_56 = arith.constant 0 : i32
      %dma_wait3A_57 = tpu.memref_slice %arg2[%dma_wait3A_55, %dma_wait3A_56] : memref<10000x128xf32, #tpu.memory_space<hbm>> -> memref<10000x128xf32, #tpu.memory_space<hbm>>
      tpu.wait_indirect_dma semaphore(%arg12 : memref<!tpu.dma_semaphore, #tpu.memory_space<semaphore_mem>>) src(%dma_wait3A_57 : memref<10000x128xf32, #tpu.memory_space<hbm>>) dst(%arg9 : memref<128x128xf32, #tpu.memory_space<vmem>>)
      "tpu.region"() ({
        %run_scoped3A = tpu.sem_alloc : memref<!tpu.dma_semaphore, #tpu.memory_space<semaphore_mem>>
        %dma_start3A_72 = arith.constant 0 : i32
        %dma_start3A_73 = tpu.memref_slice %arg8[%add3A_44, %dma_start3A_72] : memref<40x128xi32, #tpu.memory_space<vmem>> -> memref<1x128xi32, #tpu.memory_space<vmem>>
        %dma_start3A_74 = tpu.memref_squeeze %dma_start3A_73 : memref<1x128xi32, #tpu.memory_space<vmem>> -> memref<128xi32, #tpu.memory_space<vmem>>
        %dma_start3A_75 = arith.constant 0 : i32
        %dma_start3A_76 = arith.constant 0 : i32
        %dma_start3A_77 = tpu.memref_slice %arg11[%dma_start3A_75, %dma_start3A_76] : memref<10112x128xf32, #tpu.memory_space<vmem_shared>> -> memref<10112x128xf32, #tpu.memory_space<vmem_shared>>
        tpu.enqueue_indirect_dma source(%arg9 : memref<128x128xf32, #tpu.memory_space<vmem>>) target(%dma_start3A_77 : memref<10112x128xf32, #tpu.memory_space<vmem_shared>>) offsets(%dma_start3A_74 : memref<128xi32, #tpu.memory_space<vmem>>) semaphore(%run_scoped3A : memref<!tpu.dma_semaphore, #tpu.memory_space<semaphore_mem>>) {add = true}
        %dma_wait3A_78 = arith.constant 0 : i32
        %dma_wait3A_79 = tpu.memref_slice %arg8[%add3A_44, %dma_wait3A_78] : memref<40x128xi32, #tpu.memory_space<vmem>> -> memref<1x128xi32, #tpu.memory_space<vmem>>
        %dma_wait3A_80 = tpu.memref_squeeze %dma_wait3A_79 : memref<1x128xi32, #tpu.memory_space<vmem>> -> memref<128xi32, #tpu.memory_space<vmem>>
        %dma_wait3A_81 = arith.constant 0 : i32
        %dma_wait3A_82 = arith.constant 0 : i32
        %dma_wait3A_83 = tpu.memref_slice %arg11[%dma_wait3A_81, %dma_wait3A_82] : memref<10112x128xf32, #tpu.memory_space<vmem_shared>> -> memref<10112x128xf32, #tpu.memory_space<vmem_shared>>
        tpu.wait_indirect_dma semaphore(%run_scoped3A : memref<!tpu.dma_semaphore, #tpu.memory_space<semaphore_mem>>) src(%arg9 : memref<128x128xf32, #tpu.memory_space<vmem>>) dst(%dma_wait3A_83 : memref<10112x128xf32, #tpu.memory_space<vmem_shared>>)
        tpu.yield
      }) : () -> ()
      %add3A_58 = arith.constant 2 : i32
      %add3A_59 = arith.addi %add3A_44, %add3A_58 : i32
      %lt3A = arith.constant 40 : i32
      %lt3A_60 = arith.cmpi slt, %add3A_59, %lt3A : i32
      %convert_element_type3A = arith.extui %lt3A_60 : i1 to i32
      %cond3A = arith.constant 0 : i32
      %cond3A_61 = arith.cmpi ne, %convert_element_type3A, %cond3A : i32
      scf.if %cond3A_61 {
        %add3A_72 = arith.constant 2 : i32
        %add3A_73 = arith.addi %add3A_44, %add3A_72 : i32
        %dma_start3A_74 = arith.constant 0 : i32
        %dma_start3A_75 = tpu.memref_slice %arg7[%add3A_73, %dma_start3A_74] : memref<40x128xi32, #tpu.memory_space<vmem>> -> memref<1x128xi32, #tpu.memory_space<vmem>>
        %dma_start3A_76 = tpu.memref_squeeze %dma_start3A_75 : memref<1x128xi32, #tpu.memory_space<vmem>> -> memref<128xi32, #tpu.memory_space<vmem>>
        %dma_start3A_77 = arith.constant 0 : i32
        %dma_start3A_78 = arith.constant 0 : i32
        %dma_start3A_79 = tpu.memref_slice %arg2[%dma_start3A_77, %dma_start3A_78] : memref<10000x128xf32, #tpu.memory_space<hbm>> -> memref<10000x128xf32, #tpu.memory_space<hbm>>
        tpu.enqueue_indirect_dma source(%dma_start3A_79 : memref<10000x128xf32, #tpu.memory_space<hbm>>) target(%arg9 : memref<128x128xf32, #tpu.memory_space<vmem>>) offsets(%dma_start3A_76 : memref<128xi32, #tpu.memory_space<vmem>>) semaphore(%arg12 : memref<!tpu.dma_semaphore, #tpu.memory_space<semaphore_mem>>)
      } else {
      }
      %add3A_62 = arith.constant 1 : i32
      %add3A_63 = arith.addi %add3A_44, %add3A_62 : i32
      %dma_wait3A_64 = arith.constant 0 : i32
      %dma_wait3A_65 = tpu.memref_slice %arg7[%add3A_63, %dma_wait3A_64] : memref<40x128xi32, #tpu.memory_space<vmem>> -> memref<1x128xi32, #tpu.memory_space<vmem>>
      %dma_wait3A_66 = tpu.memref_squeeze %dma_wait3A_65 : memref<1x128xi32, #tpu.memory_space<vmem>> -> memref<128xi32, #tpu.memory_space<vmem>>
      %dma_wait3A_67 = arith.constant 0 : i32
      %dma_wait3A_68 = arith.constant 0 : i32
      %dma_wait3A_69 = tpu.memref_slice %arg2[%dma_wait3A_67, %dma_wait3A_68] : memref<10000x128xf32, #tpu.memory_space<hbm>> -> memref<10000x128xf32, #tpu.memory_space<hbm>>
      tpu.wait_indirect_dma semaphore(%arg13 : memref<!tpu.dma_semaphore, #tpu.memory_space<semaphore_mem>>) src(%dma_wait3A_69 : memref<10000x128xf32, #tpu.memory_space<hbm>>) dst(%arg10 : memref<128x128xf32, #tpu.memory_space<vmem>>)
      %add3A_70 = arith.constant 1 : i32
      %add3A_71 = arith.addi %add3A_44, %add3A_70 : i32
      "tpu.region"() ({
        %run_scoped3A = tpu.sem_alloc : memref<!tpu.dma_semaphore, #tpu.memory_space<semaphore_mem>>
        %dma_start3A_72 = arith.constant 0 : i32
        %dma_start3A_73 = tpu.memref_slice %arg8[%add3A_71, %dma_start3A_72] : memref<40x128xi32, #tpu.memory_space<vmem>> -> memref<1x128xi32, #tpu.memory_space<vmem>>
        %dma_start3A_74 = tpu.memref_squeeze %dma_start3A_73 : memref<1x128xi32, #tpu.memory_space<vmem>> -> memref<128xi32, #tpu.memory_space<vmem>>
        %dma_start3A_75 = arith.constant 0 : i32
        %dma_start3A_76 = arith.constant 0 : i32
        %dma_start3A_77 = tpu.memref_slice %arg11[%dma_start3A_75, %dma_start3A_76] : memref<10112x128xf32, #tpu.memory_space<vmem_shared>> -> memref<10112x128xf32, #tpu.memory_space<vmem_shared>>
        tpu.enqueue_indirect_dma source(%arg10 : memref<128x128xf32, #tpu.memory_space<vmem>>) target(%dma_start3A_77 : memref<10112x128xf32, #tpu.memory_space<vmem_shared>>) offsets(%dma_start3A_74 : memref<128xi32, #tpu.memory_space<vmem>>) semaphore(%run_scoped3A : memref<!tpu.dma_semaphore, #tpu.memory_space<semaphore_mem>>) {add = true}
        %dma_wait3A_78 = arith.constant 0 : i32
        %dma_wait3A_79 = tpu.memref_slice %arg8[%add3A_71, %dma_wait3A_78] : memref<40x128xi32, #tpu.memory_space<vmem>> -> memref<1x128xi32, #tpu.memory_space<vmem>>
        %dma_wait3A_80 = tpu.memref_squeeze %dma_wait3A_79 : memref<1x128xi32, #tpu.memory_space<vmem>> -> memref<128xi32, #tpu.memory_space<vmem>>
        %dma_wait3A_81 = arith.constant 0 : i32
        %dma_wait3A_82 = arith.constant 0 : i32
        %dma_wait3A_83 = tpu.memref_slice %arg11[%dma_wait3A_81, %dma_wait3A_82] : memref<10112x128xf32, #tpu.memory_space<vmem_shared>> -> memref<10112x128xf32, #tpu.memory_space<vmem_shared>>
        tpu.wait_indirect_dma semaphore(%run_scoped3A : memref<!tpu.dma_semaphore, #tpu.memory_space<semaphore_mem>>) src(%arg10 : memref<128x128xf32, #tpu.memory_space<vmem>>) dst(%dma_wait3A_83 : memref<10112x128xf32, #tpu.memory_space<vmem_shared>>)
        tpu.yield
      }) : () -> ()
    }
    %scan3A_18 = arith.constant 20 : i32
    %mul3A_19 = arith.constant 80 : i32
    %mul3A_20 = arith.muli %add3A, %mul3A_19 : i32
    %add3A_21 = arith.constant 40 : i32
    %add3A_22 = arith.addi %mul3A_20, %add3A_21 : i32
    "tpu.region"() ({
      %run_scoped3A = tpu.sem_alloc : memref<!tpu.dma_semaphore, #tpu.memory_space<semaphore_mem>>
      %dma_start3A_40 = arith.constant 0 : i32
      %dma_start3A_41 = tpu.memref_slice %arg3[%add3A_22, %dma_start3A_40] : memref<2560x128xi32, #tpu.memory_space<hbm>> -> memref<40x128xi32, #tpu.memory_space<hbm>>
      %dma_start3A_42 = arith.constant 0 : i32
      %dma_start3A_43 = tpu.memref_slice %arg3[%add3A_22, %dma_start3A_42] : memref<2560x128xi32, #tpu.memory_space<hbm>> -> memref<40x128xi32, #tpu.memory_space<hbm>>
      tpu.enqueue_dma source(%dma_start3A_43 : memref<40x128xi32, #tpu.memory_space<hbm>>) target(%arg7 : memref<40x128xi32, #tpu.memory_space<vmem>>) target_semaphore(%run_scoped3A : memref<!tpu.dma_semaphore, #tpu.memory_space<semaphore_mem>>)
      %dma_wait3A = arith.constant 0 : i32
      %dma_wait3A_44 = tpu.memref_slice %arg3[%add3A_22, %dma_wait3A] : memref<2560x128xi32, #tpu.memory_space<hbm>> -> memref<40x128xi32, #tpu.memory_space<hbm>>
      %dma_wait3A_45 = arith.constant 0 : i32
      %dma_wait3A_46 = tpu.memref_slice %arg3[%add3A_22, %dma_wait3A_45] : memref<2560x128xi32, #tpu.memory_space<hbm>> -> memref<40x128xi32, #tpu.memory_space<hbm>>
      tpu.wait_dma2 semaphore(%run_scoped3A : memref<!tpu.dma_semaphore, #tpu.memory_space<semaphore_mem>>) src(%dma_wait3A_46 : memref<40x128xi32, #tpu.memory_space<hbm>>) dst(%arg7 : memref<40x128xi32, #tpu.memory_space<vmem>>)
      tpu.yield
    }) : () -> ()
    "tpu.region"() ({
      %run_scoped3A = tpu.sem_alloc : memref<!tpu.dma_semaphore, #tpu.memory_space<semaphore_mem>>
      %dma_start3A_40 = arith.constant 0 : i32
      %dma_start3A_41 = tpu.memref_slice %arg4[%add3A_22, %dma_start3A_40] : memref<2560x128xi32, #tpu.memory_space<hbm>> -> memref<40x128xi32, #tpu.memory_space<hbm>>
      %dma_start3A_42 = arith.constant 0 : i32
      %dma_start3A_43 = tpu.memref_slice %arg4[%add3A_22, %dma_start3A_42] : memref<2560x128xi32, #tpu.memory_space<hbm>> -> memref<40x128xi32, #tpu.memory_space<hbm>>
      tpu.enqueue_dma source(%dma_start3A_43 : memref<40x128xi32, #tpu.memory_space<hbm>>) target(%arg8 : memref<40x128xi32, #tpu.memory_space<vmem>>) target_semaphore(%run_scoped3A : memref<!tpu.dma_semaphore, #tpu.memory_space<semaphore_mem>>)
      %dma_wait3A = arith.constant 0 : i32
      %dma_wait3A_44 = tpu.memref_slice %arg4[%add3A_22, %dma_wait3A] : memref<2560x128xi32, #tpu.memory_space<hbm>> -> memref<40x128xi32, #tpu.memory_space<hbm>>
      %dma_wait3A_45 = arith.constant 0 : i32
      %dma_wait3A_46 = tpu.memref_slice %arg4[%add3A_22, %dma_wait3A_45] : memref<2560x128xi32, #tpu.memory_space<hbm>> -> memref<40x128xi32, #tpu.memory_space<hbm>>
      tpu.wait_dma2 semaphore(%run_scoped3A : memref<!tpu.dma_semaphore, #tpu.memory_space<semaphore_mem>>) src(%dma_wait3A_46 : memref<40x128xi32, #tpu.memory_space<hbm>>) dst(%arg8 : memref<40x128xi32, #tpu.memory_space<vmem>>)
      tpu.yield
    }) : () -> ()
    %dma_start3A_23 = arith.constant 0 : i32
    %dma_start3A_24 = arith.constant 0 : i32
    %dma_start3A_25 = tpu.memref_slice %arg7[%dma_start3A_23, %dma_start3A_24] : memref<40x128xi32, #tpu.memory_space<vmem>> -> memref<1x128xi32, #tpu.memory_space<vmem>>
    %dma_start3A_26 = tpu.memref_squeeze %dma_start3A_25 : memref<1x128xi32, #tpu.memory_space<vmem>> -> memref<128xi32, #tpu.memory_space<vmem>>
    %dma_start3A_27 = arith.constant 0 : i32
    %dma_start3A_28 = arith.constant 0 : i32
    %dma_start3A_29 = tpu.memref_slice %arg2[%dma_start3A_27, %dma_start3A_28] : memref<10000x128xf32, #tpu.memory_space<hbm>> -> memref<10000x128xf32, #tpu.memory_space<hbm>>
    tpu.enqueue_indirect_dma source(%dma_start3A_29 : memref<10000x128xf32, #tpu.memory_space<hbm>>) target(%arg9 : memref<128x128xf32, #tpu.memory_space<vmem>>) offsets(%dma_start3A_26 : memref<128xi32, #tpu.memory_space<vmem>>) semaphore(%arg12 : memref<!tpu.dma_semaphore, #tpu.memory_space<semaphore_mem>>)
    %scan3A_30 = arith.constant 0 : i32
    %scan3A_31 = arith.constant 20 : i32
    %scan3A_32 = arith.addi %scan3A_30, %scan3A_31 : i32
    %scan3A_33 = arith.constant 1 : i32
    scf.for %scan3A_40 = %scan3A_30 to %scan3A_32 step %scan3A_33  : i32 {
      %mul3A_41 = arith.constant 2 : i32
      %mul3A_42 = arith.muli %scan3A_40, %mul3A_41 : i32
      %add3A_43 = arith.constant 0 : i32
      %add3A_44 = arith.addi %add3A_43, %mul3A_42 : i32
      %add3A_45 = arith.constant 1 : i32
      %add3A_46 = arith.addi %add3A_44, %add3A_45 : i32
      %dma_start3A_47 = arith.constant 0 : i32
      %dma_start3A_48 = tpu.memref_slice %arg7[%add3A_46, %dma_start3A_47] : memref<40x128xi32, #tpu.memory_space<vmem>> -> memref<1x128xi32, #tpu.memory_space<vmem>>
      %dma_start3A_49 = tpu.memref_squeeze %dma_start3A_48 : memref<1x128xi32, #tpu.memory_space<vmem>> -> memref<128xi32, #tpu.memory_space<vmem>>
      %dma_start3A_50 = arith.constant 0 : i32
      %dma_start3A_51 = arith.constant 0 : i32
      %dma_start3A_52 = tpu.memref_slice %arg2[%dma_start3A_50, %dma_start3A_51] : memref<10000x128xf32, #tpu.memory_space<hbm>> -> memref<10000x128xf32, #tpu.memory_space<hbm>>
      tpu.enqueue_indirect_dma source(%dma_start3A_52 : memref<10000x128xf32, #tpu.memory_space<hbm>>) target(%arg10 : memref<128x128xf32, #tpu.memory_space<vmem>>) offsets(%dma_start3A_49 : memref<128xi32, #tpu.memory_space<vmem>>) semaphore(%arg13 : memref<!tpu.dma_semaphore, #tpu.memory_space<semaphore_mem>>)
      %dma_wait3A = arith.constant 0 : i32
      %dma_wait3A_53 = tpu.memref_slice %arg7[%add3A_44, %dma_wait3A] : memref<40x128xi32, #tpu.memory_space<vmem>> -> memref<1x128xi32, #tpu.memory_space<vmem>>
      %dma_wait3A_54 = tpu.memref_squeeze %dma_wait3A_53 : memref<1x128xi32, #tpu.memory_space<vmem>> -> memref<128xi32, #tpu.memory_space<vmem>>
      %dma_wait3A_55 = arith.constant 0 : i32
      %dma_wait3A_56 = arith.constant 0 : i32
      %dma_wait3A_57 = tpu.memref_slice %arg2[%dma_wait3A_55, %dma_wait3A_56] : memref<10000x128xf32, #tpu.memory_space<hbm>> -> memref<10000x128xf32, #tpu.memory_space<hbm>>
      tpu.wait_indirect_dma semaphore(%arg12 : memref<!tpu.dma_semaphore, #tpu.memory_space<semaphore_mem>>) src(%dma_wait3A_57 : memref<10000x128xf32, #tpu.memory_space<hbm>>) dst(%arg9 : memref<128x128xf32, #tpu.memory_space<vmem>>)
      "tpu.region"() ({
        %run_scoped3A = tpu.sem_alloc : memref<!tpu.dma_semaphore, #tpu.memory_space<semaphore_mem>>
        %dma_start3A_72 = arith.constant 0 : i32
        %dma_start3A_73 = tpu.memref_slice %arg8[%add3A_44, %dma_start3A_72] : memref<40x128xi32, #tpu.memory_space<vmem>> -> memref<1x128xi32, #tpu.memory_space<vmem>>
        %dma_start3A_74 = tpu.memref_squeeze %dma_start3A_73 : memref<1x128xi32, #tpu.memory_space<vmem>> -> memref<128xi32, #tpu.memory_space<vmem>>
        %dma_start3A_75 = arith.constant 0 : i32
        %dma_start3A_76 = arith.constant 0 : i32
        %dma_start3A_77 = tpu.memref_slice %arg11[%dma_start3A_75, %dma_start3A_76] : memref<10112x128xf32, #tpu.memory_space<vmem_shared>> -> memref<10112x128xf32, #tpu.memory_space<vmem_shared>>
        tpu.enqueue_indirect_dma source(%arg9 : memref<128x128xf32, #tpu.memory_space<vmem>>) target(%dma_start3A_77 : memref<10112x128xf32, #tpu.memory_space<vmem_shared>>) offsets(%dma_start3A_74 : memref<128xi32, #tpu.memory_space<vmem>>) semaphore(%run_scoped3A : memref<!tpu.dma_semaphore, #tpu.memory_space<semaphore_mem>>) {add = true}
        %dma_wait3A_78 = arith.constant 0 : i32
        %dma_wait3A_79 = tpu.memref_slice %arg8[%add3A_44, %dma_wait3A_78] : memref<40x128xi32, #tpu.memory_space<vmem>> -> memref<1x128xi32, #tpu.memory_space<vmem>>
        %dma_wait3A_80 = tpu.memref_squeeze %dma_wait3A_79 : memref<1x128xi32, #tpu.memory_space<vmem>> -> memref<128xi32, #tpu.memory_space<vmem>>
        %dma_wait3A_81 = arith.constant 0 : i32
        %dma_wait3A_82 = arith.constant 0 : i32
        %dma_wait3A_83 = tpu.memref_slice %arg11[%dma_wait3A_81, %dma_wait3A_82] : memref<10112x128xf32, #tpu.memory_space<vmem_shared>> -> memref<10112x128xf32, #tpu.memory_space<vmem_shared>>
        tpu.wait_indirect_dma semaphore(%run_scoped3A : memref<!tpu.dma_semaphore, #tpu.memory_space<semaphore_mem>>) src(%arg9 : memref<128x128xf32, #tpu.memory_space<vmem>>) dst(%dma_wait3A_83 : memref<10112x128xf32, #tpu.memory_space<vmem_shared>>)
        tpu.yield
      }) : () -> ()
      %add3A_58 = arith.constant 2 : i32
      %add3A_59 = arith.addi %add3A_44, %add3A_58 : i32
      %lt3A = arith.constant 40 : i32
      %lt3A_60 = arith.cmpi slt, %add3A_59, %lt3A : i32
      %convert_element_type3A = arith.extui %lt3A_60 : i1 to i32
      %cond3A = arith.constant 0 : i32
      %cond3A_61 = arith.cmpi ne, %convert_element_type3A, %cond3A : i32
      scf.if %cond3A_61 {
        %add3A_72 = arith.constant 2 : i32
        %add3A_73 = arith.addi %add3A_44, %add3A_72 : i32
        %dma_start3A_74 = arith.constant 0 : i32
        %dma_start3A_75 = tpu.memref_slice %arg7[%add3A_73, %dma_start3A_74] : memref<40x128xi32, #tpu.memory_space<vmem>> -> memref<1x128xi32, #tpu.memory_space<vmem>>
        %dma_start3A_76 = tpu.memref_squeeze %dma_start3A_75 : memref<1x128xi32, #tpu.memory_space<vmem>> -> memref<128xi32, #tpu.memory_space<vmem>>
        %dma_start3A_77 = arith.constant 0 : i32
        %dma_start3A_78 = arith.constant 0 : i32
        %dma_start3A_79 = tpu.memref_slice %arg2[%dma_start3A_77, %dma_start3A_78] : memref<10000x128xf32, #tpu.memory_space<hbm>> -> memref<10000x128xf32, #tpu.memory_space<hbm>>
        tpu.enqueue_indirect_dma source(%dma_start3A_79 : memref<10000x128xf32, #tpu.memory_space<hbm>>) target(%arg9 : memref<128x128xf32, #tpu.memory_space<vmem>>) offsets(%dma_start3A_76 : memref<128xi32, #tpu.memory_space<vmem>>) semaphore(%arg12 : memref<!tpu.dma_semaphore, #tpu.memory_space<semaphore_mem>>)
      } else {
      }
      %add3A_62 = arith.constant 1 : i32
      %add3A_63 = arith.addi %add3A_44, %add3A_62 : i32
      %dma_wait3A_64 = arith.constant 0 : i32
      %dma_wait3A_65 = tpu.memref_slice %arg7[%add3A_63, %dma_wait3A_64] : memref<40x128xi32, #tpu.memory_space<vmem>> -> memref<1x128xi32, #tpu.memory_space<vmem>>
      %dma_wait3A_66 = tpu.memref_squeeze %dma_wait3A_65 : memref<1x128xi32, #tpu.memory_space<vmem>> -> memref<128xi32, #tpu.memory_space<vmem>>
      %dma_wait3A_67 = arith.constant 0 : i32
      %dma_wait3A_68 = arith.constant 0 : i32
      %dma_wait3A_69 = tpu.memref_slice %arg2[%dma_wait3A_67, %dma_wait3A_68] : memref<10000x128xf32, #tpu.memory_space<hbm>> -> memref<10000x128xf32, #tpu.memory_space<hbm>>
      tpu.wait_indirect_dma semaphore(%arg13 : memref<!tpu.dma_semaphore, #tpu.memory_space<semaphore_mem>>) src(%dma_wait3A_69 : memref<10000x128xf32, #tpu.memory_space<hbm>>) dst(%arg10 : memref<128x128xf32, #tpu.memory_space<vmem>>)
      %add3A_70 = arith.constant 1 : i32
      %add3A_71 = arith.addi %add3A_44, %add3A_70 : i32
      "tpu.region"() ({
        %run_scoped3A = tpu.sem_alloc : memref<!tpu.dma_semaphore, #tpu.memory_space<semaphore_mem>>
        %dma_start3A_72 = arith.constant 0 : i32
        %dma_start3A_73 = tpu.memref_slice %arg8[%add3A_71, %dma_start3A_72] : memref<40x128xi32, #tpu.memory_space<vmem>> -> memref<1x128xi32, #tpu.memory_space<vmem>>
        %dma_start3A_74 = tpu.memref_squeeze %dma_start3A_73 : memref<1x128xi32, #tpu.memory_space<vmem>> -> memref<128xi32, #tpu.memory_space<vmem>>
        %dma_start3A_75 = arith.constant 0 : i32
        %dma_start3A_76 = arith.constant 0 : i32
        %dma_start3A_77 = tpu.memref_slice %arg11[%dma_start3A_75, %dma_start3A_76] : memref<10112x128xf32, #tpu.memory_space<vmem_shared>> -> memref<10112x128xf32, #tpu.memory_space<vmem_shared>>
        tpu.enqueue_indirect_dma source(%arg10 : memref<128x128xf32, #tpu.memory_space<vmem>>) target(%dma_start3A_77 : memref<10112x128xf32, #tpu.memory_space<vmem_shared>>) offsets(%dma_start3A_74 : memref<128xi32, #tpu.memory_space<vmem>>) semaphore(%run_scoped3A : memref<!tpu.dma_semaphore, #tpu.memory_space<semaphore_mem>>) {add = true}
        %dma_wait3A_78 = arith.constant 0 : i32
        %dma_wait3A_79 = tpu.memref_slice %arg8[%add3A_71, %dma_wait3A_78] : memref<40x128xi32, #tpu.memory_space<vmem>> -> memref<1x128xi32, #tpu.memory_space<vmem>>
        %dma_wait3A_80 = tpu.memref_squeeze %dma_wait3A_79 : memref<1x128xi32, #tpu.memory_space<vmem>> -> memref<128xi32, #tpu.memory_space<vmem>>
        %dma_wait3A_81 = arith.constant 0 : i32
        %dma_wait3A_82 = arith.constant 0 : i32
        %dma_wait3A_83 = tpu.memref_slice %arg11[%dma_wait3A_81, %dma_wait3A_82] : memref<10112x128xf32, #tpu.memory_space<vmem_shared>> -> memref<10112x128xf32, #tpu.memory_space<vmem_shared>>
        tpu.wait_indirect_dma semaphore(%run_scoped3A : memref<!tpu.dma_semaphore, #tpu.memory_space<semaphore_mem>>) src(%arg10 : memref<128x128xf32, #tpu.memory_space<vmem>>) dst(%dma_wait3A_83 : memref<10112x128xf32, #tpu.memory_space<vmem_shared>>)
        tpu.yield
      }) : () -> ()
    }
    %scan3A_34 = arith.constant 20 : i32
    %barrier3A_35 = arith.constant 0 : index
    tpu.barrier barrier_id(%barrier3A_35)
    %mul3A_36 = arith.constant 632 : i32
    %mul3A_37 = arith.muli %arg1, %mul3A_36 : i32
    %mul3A_38 = arith.constant 632 : i32
    %mul3A_39 = arith.muli %arg1, %mul3A_38 : i32
    "tpu.region"() ({
      %run_scoped3A = tpu.sem_alloc : memref<!tpu.dma_semaphore, #tpu.memory_space<semaphore_mem>>
      %dma_start3A_40 = arith.constant 0 : i32
      %dma_start3A_41 = tpu.memref_slice %arg6[%arg0, %mul3A_39, %dma_start3A_40] : memref<2x10112x128xf32, #tpu.memory_space<hbm>> -> memref<1x632x128xf32, #tpu.memory_space<hbm>>
      %dma_start3A_42 = tpu.memref_squeeze %dma_start3A_41 : memref<1x632x128xf32, #tpu.memory_space<hbm>> -> memref<632x128xf32, #tpu.memory_space<hbm>>
      %dma_start3A_43 = arith.constant 0 : i32
      %dma_start3A_44 = tpu.memref_slice %arg11[%mul3A_37, %dma_start3A_43] : memref<10112x128xf32, #tpu.memory_space<vmem_shared>> -> memref<632x128xf32, #tpu.memory_space<vmem_shared>>
      tpu.enqueue_dma source(%dma_start3A_44 : memref<632x128xf32, #tpu.memory_space<vmem_shared>>) target(%dma_start3A_42 : memref<632x128xf32, #tpu.memory_space<hbm>>) target_semaphore(%run_scoped3A : memref<!tpu.dma_semaphore, #tpu.memory_space<semaphore_mem>>)
      %dma_wait3A = arith.constant 0 : i32
      %dma_wait3A_45 = tpu.memref_slice %arg6[%arg0, %mul3A_39, %dma_wait3A] : memref<2x10112x128xf32, #tpu.memory_space<hbm>> -> memref<1x632x128xf32, #tpu.memory_space<hbm>>
      %dma_wait3A_46 = tpu.memref_squeeze %dma_wait3A_45 : memref<1x632x128xf32, #tpu.memory_space<hbm>> -> memref<632x128xf32, #tpu.memory_space<hbm>>
      %dma_wait3A_47 = arith.constant 0 : i32
      %dma_wait3A_48 = tpu.memref_slice %arg11[%mul3A_37, %dma_wait3A_47] : memref<10112x128xf32, #tpu.memory_space<vmem_shared>> -> memref<632x128xf32, #tpu.memory_space<vmem_shared>>
      tpu.wait_dma2 semaphore(%run_scoped3A : memref<!tpu.dma_semaphore, #tpu.memory_space<semaphore_mem>>) src(%dma_wait3A_48 : memref<632x128xf32, #tpu.memory_space<vmem_shared>>) dst(%dma_wait3A_46 : memref<632x128xf32, #tpu.memory_space<hbm>>)
      tpu.yield
    }) : () -> ()
    return
  }
}

#map = affine_map<(d0, d1) -> (0, 0)>
#map1 = affine_map<(d0, d1) -> (0, 0, 0)>
module attributes {stable_mosaic.version = 14 : i64} {
  func.func @_sc_scatter(%arg0: i32, %arg1: i32, %arg2: memref<10000x128xf32, #tpu.memory_space<hbm>>, %arg3: memref<2560x128xi32, #tpu.memory_space<hbm>>, %arg4: memref<2560x128xi32, #tpu.memory_space<hbm>>, %arg5: memref<10112x128xf32, #tpu.memory_space<hbm>>, %arg6: memref<2x10112x128xf32, #tpu.memory_space<hbm>>, %arg7: memref<40x128xi32, #tpu.memory_space<vmem>>, %arg8: memref<40x128xi32, #tpu.memory_space<vmem>>, %arg9: memref<128x128xf32, #tpu.memory_space<vmem>>, %arg10: memref<128x128xf32, #tpu.memory_space<vmem>>, %arg11: memref<10112x128xf32, #tpu.memory_space<vmem_shared>>, %arg12: memref<!tpu.dma_semaphore, #tpu.memory_space<semaphore_mem>>, %arg13: memref<!tpu.dma_semaphore, #tpu.memory_space<semaphore_mem>>) attributes {dimension_semantics = [#tpu.dimension_semantics<core_parallel>, #tpu.dimension_semantics<subcore_parallel>], iteration_bounds = array<i64: 2, 16>, scalar_prefetch = 0 : i64, scratch_operands = 7 : i64, tpu.core_type = #tpu.core_type<sc_vector_subcore>, window_params = [{transform_indices = #map}, {transform_indices = #map}, {transform_indices = #map}, {transform_indices = #map}, {transform_indices = #map1}]} {
    %mul3A = arith.constant 2 : i32
    %mul3A_0 = arith.muli %arg1, %mul3A : i32
    %add3A = arith.addi %mul3A_0, %arg0 : i32
    %mul3A_1 = arith.constant 632 : i32
    %mul3A_2 = arith.muli %arg1, %mul3A_1 : i32
    %mul3A_3 = arith.constant 632 : i32
    %mul3A_4 = arith.muli %arg1, %mul3A_3 : i32
    "tpu.region"() ({
      %run_scoped3A = tpu.sem_alloc : memref<!tpu.dma_semaphore, #tpu.memory_space<semaphore_mem>>
      %dma_start3A_40 = arith.constant 0 : i32
      %dma_start3A_41 = tpu.memref_slice %arg11[%mul3A_4, %dma_start3A_40] : memref<10112x128xf32, #tpu.memory_space<vmem_shared>> -> memref<632x128xf32, #tpu.memory_space<vmem_shared>>
      %dma_start3A_42 = arith.constant 0 : i32
      %dma_start3A_43 = tpu.memref_slice %arg5[%mul3A_2, %dma_start3A_42] : memref<10112x128xf32, #tpu.memory_space<hbm>> -> memref<632x128xf32, #tpu.memory_space<hbm>>
      tpu.enqueue_dma source(%dma_start3A_43 : memref<632x128xf32, #tpu.memory_space<hbm>>) target(%dma_start3A_41 : memref<632x128xf32, #tpu.memory_space<vmem_shared>>) target_semaphore(%run_scoped3A : memref<!tpu.dma_semaphore, #tpu.memory_space<semaphore_mem>>)
      %dma_wait3A = arith.constant 0 : i32
      %dma_wait3A_44 = tpu.memref_slice %arg11[%mul3A_4, %dma_wait3A] : memref<10112x128xf32, #tpu.memory_space<vmem_shared>> -> memref<632x128xf32, #tpu.memory_space<vmem_shared>>
      %dma_wait3A_45 = arith.constant 0 : i32
      %dma_wait3A_46 = tpu.memref_slice %arg5[%mul3A_2, %dma_wait3A_45] : memref<10112x128xf32, #tpu.memory_space<hbm>> -> memref<632x128xf32, #tpu.memory_space<hbm>>
      tpu.wait_dma2 semaphore(%run_scoped3A : memref<!tpu.dma_semaphore, #tpu.memory_space<semaphore_mem>>) src(%dma_wait3A_46 : memref<632x128xf32, #tpu.memory_space<hbm>>) dst(%dma_wait3A_44 : memref<632x128xf32, #tpu.memory_space<vmem_shared>>)
      tpu.yield
    }) : () -> ()
    %barrier3A = arith.constant 0 : index
    tpu.barrier barrier_id(%barrier3A)
    %mul3A_5 = arith.constant 80 : i32
    %mul3A_6 = arith.muli %add3A, %mul3A_5 : i32
    %add3A_7 = arith.constant 0 : i32
    %add3A_8 = arith.addi %mul3A_6, %add3A_7 : i32
    "tpu.region"() ({
      %run_scoped3A = tpu.sem_alloc : memref<!tpu.dma_semaphore, #tpu.memory_space<semaphore_mem>>
      %dma_start3A_40 = arith.constant 0 : i32
      %dma_start3A_41 = tpu.memref_slice %arg3[%add3A_8, %dma_start3A_40] : memref<2560x128xi32, #tpu.memory_space<hbm>> -> memref<40x128xi32, #tpu.memory_space<hbm>>
      %dma_start3A_42 = arith.constant 0 : i32
      %dma_start3A_43 = tpu.memref_slice %arg3[%add3A_8, %dma_start3A_42] : memref<2560x128xi32, #tpu.memory_space<hbm>> -> memref<40x128xi32, #tpu.memory_space<hbm>>
      tpu.enqueue_dma source(%dma_start3A_43 : memref<40x128xi32, #tpu.memory_space<hbm>>) target(%arg7 : memref<40x128xi32, #tpu.memory_space<vmem>>) target_semaphore(%run_scoped3A : memref<!tpu.dma_semaphore, #tpu.memory_space<semaphore_mem>>)
      %dma_wait3A = arith.constant 0 : i32
      %dma_wait3A_44 = tpu.memref_slice %arg3[%add3A_8, %dma_wait3A] : memref<2560x128xi32, #tpu.memory_space<hbm>> -> memref<40x128xi32, #tpu.memory_space<hbm>>
      %dma_wait3A_45 = arith.constant 0 : i32
      %dma_wait3A_46 = tpu.memref_slice %arg3[%add3A_8, %dma_wait3A_45] : memref<2560x128xi32, #tpu.memory_space<hbm>> -> memref<40x128xi32, #tpu.memory_space<hbm>>
      tpu.wait_dma2 semaphore(%run_scoped3A : memref<!tpu.dma_semaphore, #tpu.memory_space<semaphore_mem>>) src(%dma_wait3A_46 : memref<40x128xi32, #tpu.memory_space<hbm>>) dst(%arg7 : memref<40x128xi32, #tpu.memory_space<vmem>>)
      tpu.yield
    }) : () -> ()
    "tpu.region"() ({
      %run_scoped3A = tpu.sem_alloc : memref<!tpu.dma_semaphore, #tpu.memory_space<semaphore_mem>>
      %dma_start3A_40 = arith.constant 0 : i32
      %dma_start3A_41 = tpu.memref_slice %arg4[%add3A_8, %dma_start3A_40] : memref<2560x128xi32, #tpu.memory_space<hbm>> -> memref<40x128xi32, #tpu.memory_space<hbm>>
      %dma_start3A_42 = arith.constant 0 : i32
      %dma_start3A_43 = tpu.memref_slice %arg4[%add3A_8, %dma_start3A_42] : memref<2560x128xi32, #tpu.memory_space<hbm>> -> memref<40x128xi32, #tpu.memory_space<hbm>>
      tpu.enqueue_dma source(%dma_start3A_43 : memref<40x128xi32, #tpu.memory_space<hbm>>) target(%arg8 : memref<40x128xi32, #tpu.memory_space<vmem>>) target_semaphore(%run_scoped3A : memref<!tpu.dma_semaphore, #tpu.memory_space<semaphore_mem>>)
      %dma_wait3A = arith.constant 0 : i32
      %dma_wait3A_44 = tpu.memref_slice %arg4[%add3A_8, %dma_wait3A] : memref<2560x128xi32, #tpu.memory_space<hbm>> -> memref<40x128xi32, #tpu.memory_space<hbm>>
      %dma_wait3A_45 = arith.constant 0 : i32
      %dma_wait3A_46 = tpu.memref_slice %arg4[%add3A_8, %dma_wait3A_45] : memref<2560x128xi32, #tpu.memory_space<hbm>> -> memref<40x128xi32, #tpu.memory_space<hbm>>
      tpu.wait_dma2 semaphore(%run_scoped3A : memref<!tpu.dma_semaphore, #tpu.memory_space<semaphore_mem>>) src(%dma_wait3A_46 : memref<40x128xi32, #tpu.memory_space<hbm>>) dst(%arg8 : memref<40x128xi32, #tpu.memory_space<vmem>>)
      tpu.yield
    }) : () -> ()
    %dma_start3A = arith.constant 0 : i32
    %dma_start3A_9 = arith.constant 0 : i32
    %dma_start3A_10 = tpu.memref_slice %arg7[%dma_start3A, %dma_start3A_9] : memref<40x128xi32, #tpu.memory_space<vmem>> -> memref<1x128xi32, #tpu.memory_space<vmem>>
    %dma_start3A_11 = tpu.memref_squeeze %dma_start3A_10 : memref<1x128xi32, #tpu.memory_space<vmem>> -> memref<128xi32, #tpu.memory_space<vmem>>
    %dma_start3A_12 = arith.constant 0 : i32
    %dma_start3A_13 = arith.constant 0 : i32
    %dma_start3A_14 = tpu.memref_slice %arg2[%dma_start3A_12, %dma_start3A_13] : memref<10000x128xf32, #tpu.memory_space<hbm>> -> memref<10000x128xf32, #tpu.memory_space<hbm>>
    tpu.enqueue_indirect_dma source(%dma_start3A_14 : memref<10000x128xf32, #tpu.memory_space<hbm>>) target(%arg9 : memref<128x128xf32, #tpu.memory_space<vmem>>) offsets(%dma_start3A_11 : memref<128xi32, #tpu.memory_space<vmem>>) semaphore(%arg12 : memref<!tpu.dma_semaphore, #tpu.memory_space<semaphore_mem>>)
    %scan3A = arith.constant 0 : i32
    %scan3A_15 = arith.constant 20 : i32
    %scan3A_16 = arith.addi %scan3A, %scan3A_15 : i32
    %scan3A_17 = arith.constant 1 : i32
    scf.for %scan3A_40 = %scan3A to %scan3A_16 step %scan3A_17  : i32 {
      %mul3A_41 = arith.constant 2 : i32
      %mul3A_42 = arith.muli %scan3A_40, %mul3A_41 : i32
      %add3A_43 = arith.constant 0 : i32
      %add3A_44 = arith.addi %add3A_43, %mul3A_42 : i32
      %add3A_45 = arith.constant 1 : i32
      %add3A_46 = arith.addi %add3A_44, %add3A_45 : i32
      %dma_start3A_47 = arith.constant 0 : i32
      %dma_start3A_48 = tpu.memref_slice %arg7[%add3A_46, %dma_start3A_47] : memref<40x128xi32, #tpu.memory_space<vmem>> -> memref<1x128xi32, #tpu.memory_space<vmem>>
      %dma_start3A_49 = tpu.memref_squeeze %dma_start3A_48 : memref<1x128xi32, #tpu.memory_space<vmem>> -> memref<128xi32, #tpu.memory_space<vmem>>
      %dma_start3A_50 = arith.constant 0 : i32
      %dma_start3A_51 = arith.constant 0 : i32
      %dma_start3A_52 = tpu.memref_slice %arg2[%dma_start3A_50, %dma_start3A_51] : memref<10000x128xf32, #tpu.memory_space<hbm>> -> memref<10000x128xf32, #tpu.memory_space<hbm>>
      tpu.enqueue_indirect_dma source(%dma_start3A_52 : memref<10000x128xf32, #tpu.memory_space<hbm>>) target(%arg10 : memref<128x128xf32, #tpu.memory_space<vmem>>) offsets(%dma_start3A_49 : memref<128xi32, #tpu.memory_space<vmem>>) semaphore(%arg13 : memref<!tpu.dma_semaphore, #tpu.memory_space<semaphore_mem>>)
      %dma_wait3A = arith.constant 0 : i32
      %dma_wait3A_53 = tpu.memref_slice %arg7[%add3A_44, %dma_wait3A] : memref<40x128xi32, #tpu.memory_space<vmem>> -> memref<1x128xi32, #tpu.memory_space<vmem>>
      %dma_wait3A_54 = tpu.memref_squeeze %dma_wait3A_53 : memref<1x128xi32, #tpu.memory_space<vmem>> -> memref<128xi32, #tpu.memory_space<vmem>>
      %dma_wait3A_55 = arith.constant 0 : i32
      %dma_wait3A_56 = arith.constant 0 : i32
      %dma_wait3A_57 = tpu.memref_slice %arg2[%dma_wait3A_55, %dma_wait3A_56] : memref<10000x128xf32, #tpu.memory_space<hbm>> -> memref<10000x128xf32, #tpu.memory_space<hbm>>
      tpu.wait_indirect_dma semaphore(%arg12 : memref<!tpu.dma_semaphore, #tpu.memory_space<semaphore_mem>>) src(%dma_wait3A_57 : memref<10000x128xf32, #tpu.memory_space<hbm>>) dst(%arg9 : memref<128x128xf32, #tpu.memory_space<vmem>>)
      "tpu.region"() ({
        %run_scoped3A = tpu.sem_alloc : memref<!tpu.dma_semaphore, #tpu.memory_space<semaphore_mem>>
        %dma_start3A_72 = arith.constant 0 : i32
        %dma_start3A_73 = tpu.memref_slice %arg8[%add3A_44, %dma_start3A_72] : memref<40x128xi32, #tpu.memory_space<vmem>> -> memref<1x128xi32, #tpu.memory_space<vmem>>
        %dma_start3A_74 = tpu.memref_squeeze %dma_start3A_73 : memref<1x128xi32, #tpu.memory_space<vmem>> -> memref<128xi32, #tpu.memory_space<vmem>>
        %dma_start3A_75 = arith.constant 0 : i32
        %dma_start3A_76 = arith.constant 0 : i32
        %dma_start3A_77 = tpu.memref_slice %arg11[%dma_start3A_75, %dma_start3A_76] : memref<10112x128xf32, #tpu.memory_space<vmem_shared>> -> memref<10112x128xf32, #tpu.memory_space<vmem_shared>>
        tpu.enqueue_indirect_dma source(%arg9 : memref<128x128xf32, #tpu.memory_space<vmem>>) target(%dma_start3A_77 : memref<10112x128xf32, #tpu.memory_space<vmem_shared>>) offsets(%dma_start3A_74 : memref<128xi32, #tpu.memory_space<vmem>>) semaphore(%run_scoped3A : memref<!tpu.dma_semaphore, #tpu.memory_space<semaphore_mem>>) {add = true}
        %dma_wait3A_78 = arith.constant 0 : i32
        %dma_wait3A_79 = tpu.memref_slice %arg8[%add3A_44, %dma_wait3A_78] : memref<40x128xi32, #tpu.memory_space<vmem>> -> memref<1x128xi32, #tpu.memory_space<vmem>>
        %dma_wait3A_80 = tpu.memref_squeeze %dma_wait3A_79 : memref<1x128xi32, #tpu.memory_space<vmem>> -> memref<128xi32, #tpu.memory_space<vmem>>
        %dma_wait3A_81 = arith.constant 0 : i32
        %dma_wait3A_82 = arith.constant 0 : i32
        %dma_wait3A_83 = tpu.memref_slice %arg11[%dma_wait3A_81, %dma_wait3A_82] : memref<10112x128xf32, #tpu.memory_space<vmem_shared>> -> memref<10112x128xf32, #tpu.memory_space<vmem_shared>>
        tpu.wait_indirect_dma semaphore(%run_scoped3A : memref<!tpu.dma_semaphore, #tpu.memory_space<semaphore_mem>>) src(%arg9 : memref<128x128xf32, #tpu.memory_space<vmem>>) dst(%dma_wait3A_83 : memref<10112x128xf32, #tpu.memory_space<vmem_shared>>)
        tpu.yield
      }) : () -> ()
      %add3A_58 = arith.constant 2 : i32
      %add3A_59 = arith.addi %add3A_44, %add3A_58 : i32
      %lt3A = arith.constant 40 : i32
      %lt3A_60 = arith.cmpi slt, %add3A_59, %lt3A : i32
      %convert_element_type3A = arith.extui %lt3A_60 : i1 to i32
      %cond3A = arith.constant 0 : i32
      %cond3A_61 = arith.cmpi ne, %convert_element_type3A, %cond3A : i32
      scf.if %cond3A_61 {
        %add3A_72 = arith.constant 2 : i32
        %add3A_73 = arith.addi %add3A_44, %add3A_72 : i32
        %dma_start3A_74 = arith.constant 0 : i32
        %dma_start3A_75 = tpu.memref_slice %arg7[%add3A_73, %dma_start3A_74] : memref<40x128xi32, #tpu.memory_space<vmem>> -> memref<1x128xi32, #tpu.memory_space<vmem>>
        %dma_start3A_76 = tpu.memref_squeeze %dma_start3A_75 : memref<1x128xi32, #tpu.memory_space<vmem>> -> memref<128xi32, #tpu.memory_space<vmem>>
        %dma_start3A_77 = arith.constant 0 : i32
        %dma_start3A_78 = arith.constant 0 : i32
        %dma_start3A_79 = tpu.memref_slice %arg2[%dma_start3A_77, %dma_start3A_78] : memref<10000x128xf32, #tpu.memory_space<hbm>> -> memref<10000x128xf32, #tpu.memory_space<hbm>>
        tpu.enqueue_indirect_dma source(%dma_start3A_79 : memref<10000x128xf32, #tpu.memory_space<hbm>>) target(%arg9 : memref<128x128xf32, #tpu.memory_space<vmem>>) offsets(%dma_start3A_76 : memref<128xi32, #tpu.memory_space<vmem>>) semaphore(%arg12 : memref<!tpu.dma_semaphore, #tpu.memory_space<semaphore_mem>>)
      } else {
      }
      %add3A_62 = arith.constant 1 : i32
      %add3A_63 = arith.addi %add3A_44, %add3A_62 : i32
      %dma_wait3A_64 = arith.constant 0 : i32
      %dma_wait3A_65 = tpu.memref_slice %arg7[%add3A_63, %dma_wait3A_64] : memref<40x128xi32, #tpu.memory_space<vmem>> -> memref<1x128xi32, #tpu.memory_space<vmem>>
      %dma_wait3A_66 = tpu.memref_squeeze %dma_wait3A_65 : memref<1x128xi32, #tpu.memory_space<vmem>> -> memref<128xi32, #tpu.memory_space<vmem>>
      %dma_wait3A_67 = arith.constant 0 : i32
      %dma_wait3A_68 = arith.constant 0 : i32
      %dma_wait3A_69 = tpu.memref_slice %arg2[%dma_wait3A_67, %dma_wait3A_68] : memref<10000x128xf32, #tpu.memory_space<hbm>> -> memref<10000x128xf32, #tpu.memory_space<hbm>>
      tpu.wait_indirect_dma semaphore(%arg13 : memref<!tpu.dma_semaphore, #tpu.memory_space<semaphore_mem>>) src(%dma_wait3A_69 : memref<10000x128xf32, #tpu.memory_space<hbm>>) dst(%arg10 : memref<128x128xf32, #tpu.memory_space<vmem>>)
      %add3A_70 = arith.constant 1 : i32
      %add3A_71 = arith.addi %add3A_44, %add3A_70 : i32
      "tpu.region"() ({
        %run_scoped3A = tpu.sem_alloc : memref<!tpu.dma_semaphore, #tpu.memory_space<semaphore_mem>>
        %dma_start3A_72 = arith.constant 0 : i32
        %dma_start3A_73 = tpu.memref_slice %arg8[%add3A_71, %dma_start3A_72] : memref<40x128xi32, #tpu.memory_space<vmem>> -> memref<1x128xi32, #tpu.memory_space<vmem>>
        %dma_start3A_74 = tpu.memref_squeeze %dma_start3A_73 : memref<1x128xi32, #tpu.memory_space<vmem>> -> memref<128xi32, #tpu.memory_space<vmem>>
        %dma_start3A_75 = arith.constant 0 : i32
        %dma_start3A_76 = arith.constant 0 : i32
        %dma_start3A_77 = tpu.memref_slice %arg11[%dma_start3A_75, %dma_start3A_76] : memref<10112x128xf32, #tpu.memory_space<vmem_shared>> -> memref<10112x128xf32, #tpu.memory_space<vmem_shared>>
        tpu.enqueue_indirect_dma source(%arg10 : memref<128x128xf32, #tpu.memory_space<vmem>>) target(%dma_start3A_77 : memref<10112x128xf32, #tpu.memory_space<vmem_shared>>) offsets(%dma_start3A_74 : memref<128xi32, #tpu.memory_space<vmem>>) semaphore(%run_scoped3A : memref<!tpu.dma_semaphore, #tpu.memory_space<semaphore_mem>>) {add = true}
        %dma_wait3A_78 = arith.constant 0 : i32
        %dma_wait3A_79 = tpu.memref_slice %arg8[%add3A_71, %dma_wait3A_78] : memref<40x128xi32, #tpu.memory_space<vmem>> -> memref<1x128xi32, #tpu.memory_space<vmem>>
        %dma_wait3A_80 = tpu.memref_squeeze %dma_wait3A_79 : memref<1x128xi32, #tpu.memory_space<vmem>> -> memref<128xi32, #tpu.memory_space<vmem>>
        %dma_wait3A_81 = arith.constant 0 : i32
        %dma_wait3A_82 = arith.constant 0 : i32
        %dma_wait3A_83 = tpu.memref_slice %arg11[%dma_wait3A_81, %dma_wait3A_82] : memref<10112x128xf32, #tpu.memory_space<vmem_shared>> -> memref<10112x128xf32, #tpu.memory_space<vmem_shared>>
        tpu.wait_indirect_dma semaphore(%run_scoped3A : memref<!tpu.dma_semaphore, #tpu.memory_space<semaphore_mem>>) src(%arg10 : memref<128x128xf32, #tpu.memory_space<vmem>>) dst(%dma_wait3A_83 : memref<10112x128xf32, #tpu.memory_space<vmem_shared>>)
        tpu.yield
      }) : () -> ()
    }
    %scan3A_18 = arith.constant 20 : i32
    %mul3A_19 = arith.constant 80 : i32
    %mul3A_20 = arith.muli %add3A, %mul3A_19 : i32
    %add3A_21 = arith.constant 40 : i32
    %add3A_22 = arith.addi %mul3A_20, %add3A_21 : i32
    "tpu.region"() ({
      %run_scoped3A = tpu.sem_alloc : memref<!tpu.dma_semaphore, #tpu.memory_space<semaphore_mem>>
      %dma_start3A_40 = arith.constant 0 : i32
      %dma_start3A_41 = tpu.memref_slice %arg3[%add3A_22, %dma_start3A_40] : memref<2560x128xi32, #tpu.memory_space<hbm>> -> memref<40x128xi32, #tpu.memory_space<hbm>>
      %dma_start3A_42 = arith.constant 0 : i32
      %dma_start3A_43 = tpu.memref_slice %arg3[%add3A_22, %dma_start3A_42] : memref<2560x128xi32, #tpu.memory_space<hbm>> -> memref<40x128xi32, #tpu.memory_space<hbm>>
      tpu.enqueue_dma source(%dma_start3A_43 : memref<40x128xi32, #tpu.memory_space<hbm>>) target(%arg7 : memref<40x128xi32, #tpu.memory_space<vmem>>) target_semaphore(%run_scoped3A : memref<!tpu.dma_semaphore, #tpu.memory_space<semaphore_mem>>)
      %dma_wait3A = arith.constant 0 : i32
      %dma_wait3A_44 = tpu.memref_slice %arg3[%add3A_22, %dma_wait3A] : memref<2560x128xi32, #tpu.memory_space<hbm>> -> memref<40x128xi32, #tpu.memory_space<hbm>>
      %dma_wait3A_45 = arith.constant 0 : i32
      %dma_wait3A_46 = tpu.memref_slice %arg3[%add3A_22, %dma_wait3A_45] : memref<2560x128xi32, #tpu.memory_space<hbm>> -> memref<40x128xi32, #tpu.memory_space<hbm>>
      tpu.wait_dma2 semaphore(%run_scoped3A : memref<!tpu.dma_semaphore, #tpu.memory_space<semaphore_mem>>) src(%dma_wait3A_46 : memref<40x128xi32, #tpu.memory_space<hbm>>) dst(%arg7 : memref<40x128xi32, #tpu.memory_space<vmem>>)
      tpu.yield
    }) : () -> ()
    "tpu.region"() ({
      %run_scoped3A = tpu.sem_alloc : memref<!tpu.dma_semaphore, #tpu.memory_space<semaphore_mem>>
      %dma_start3A_40 = arith.constant 0 : i32
      %dma_start3A_41 = tpu.memref_slice %arg4[%add3A_22, %dma_start3A_40] : memref<2560x128xi32, #tpu.memory_space<hbm>> -> memref<40x128xi32, #tpu.memory_space<hbm>>
      %dma_start3A_42 = arith.constant 0 : i32
      %dma_start3A_43 = tpu.memref_slice %arg4[%add3A_22, %dma_start3A_42] : memref<2560x128xi32, #tpu.memory_space<hbm>> -> memref<40x128xi32, #tpu.memory_space<hbm>>
      tpu.enqueue_dma source(%dma_start3A_43 : memref<40x128xi32, #tpu.memory_space<hbm>>) target(%arg8 : memref<40x128xi32, #tpu.memory_space<vmem>>) target_semaphore(%run_scoped3A : memref<!tpu.dma_semaphore, #tpu.memory_space<semaphore_mem>>)
      %dma_wait3A = arith.constant 0 : i32
      %dma_wait3A_44 = tpu.memref_slice %arg4[%add3A_22, %dma_wait3A] : memref<2560x128xi32, #tpu.memory_space<hbm>> -> memref<40x128xi32, #tpu.memory_space<hbm>>
      %dma_wait3A_45 = arith.constant 0 : i32
      %dma_wait3A_46 = tpu.memref_slice %arg4[%add3A_22, %dma_wait3A_45] : memref<2560x128xi32, #tpu.memory_space<hbm>> -> memref<40x128xi32, #tpu.memory_space<hbm>>
      tpu.wait_dma2 semaphore(%run_scoped3A : memref<!tpu.dma_semaphore, #tpu.memory_space<semaphore_mem>>) src(%dma_wait3A_46 : memref<40x128xi32, #tpu.memory_space<hbm>>) dst(%arg8 : memref<40x128xi32, #tpu.memory_space<vmem>>)
      tpu.yield
    }) : () -> ()
    %dma_start3A_23 = arith.constant 0 : i32
    %dma_start3A_24 = arith.constant 0 : i32
    %dma_start3A_25 = tpu.memref_slice %arg7[%dma_start3A_23, %dma_start3A_24] : memref<40x128xi32, #tpu.memory_space<vmem>> -> memref<1x128xi32, #tpu.memory_space<vmem>>
    %dma_start3A_26 = tpu.memref_squeeze %dma_start3A_25 : memref<1x128xi32, #tpu.memory_space<vmem>> -> memref<128xi32, #tpu.memory_space<vmem>>
    %dma_start3A_27 = arith.constant 0 : i32
    %dma_start3A_28 = arith.constant 0 : i32
    %dma_start3A_29 = tpu.memref_slice %arg2[%dma_start3A_27, %dma_start3A_28] : memref<10000x128xf32, #tpu.memory_space<hbm>> -> memref<10000x128xf32, #tpu.memory_space<hbm>>
    tpu.enqueue_indirect_dma source(%dma_start3A_29 : memref<10000x128xf32, #tpu.memory_space<hbm>>) target(%arg9 : memref<128x128xf32, #tpu.memory_space<vmem>>) offsets(%dma_start3A_26 : memref<128xi32, #tpu.memory_space<vmem>>) semaphore(%arg12 : memref<!tpu.dma_semaphore, #tpu.memory_space<semaphore_mem>>)
    %scan3A_30 = arith.constant 0 : i32
    %scan3A_31 = arith.constant 20 : i32
    %scan3A_32 = arith.addi %scan3A_30, %scan3A_31 : i32
    %scan3A_33 = arith.constant 1 : i32
    scf.for %scan3A_40 = %scan3A_30 to %scan3A_32 step %scan3A_33  : i32 {
      %mul3A_41 = arith.constant 2 : i32
      %mul3A_42 = arith.muli %scan3A_40, %mul3A_41 : i32
      %add3A_43 = arith.constant 0 : i32
      %add3A_44 = arith.addi %add3A_43, %mul3A_42 : i32
      %add3A_45 = arith.constant 1 : i32
      %add3A_46 = arith.addi %add3A_44, %add3A_45 : i32
      %dma_start3A_47 = arith.constant 0 : i32
      %dma_start3A_48 = tpu.memref_slice %arg7[%add3A_46, %dma_start3A_47] : memref<40x128xi32, #tpu.memory_space<vmem>> -> memref<1x128xi32, #tpu.memory_space<vmem>>
      %dma_start3A_49 = tpu.memref_squeeze %dma_start3A_48 : memref<1x128xi32, #tpu.memory_space<vmem>> -> memref<128xi32, #tpu.memory_space<vmem>>
      %dma_start3A_50 = arith.constant 0 : i32
      %dma_start3A_51 = arith.constant 0 : i32
      %dma_start3A_52 = tpu.memref_slice %arg2[%dma_start3A_50, %dma_start3A_51] : memref<10000x128xf32, #tpu.memory_space<hbm>> -> memref<10000x128xf32, #tpu.memory_space<hbm>>
      tpu.enqueue_indirect_dma source(%dma_start3A_52 : memref<10000x128xf32, #tpu.memory_space<hbm>>) target(%arg10 : memref<128x128xf32, #tpu.memory_space<vmem>>) offsets(%dma_start3A_49 : memref<128xi32, #tpu.memory_space<vmem>>) semaphore(%arg13 : memref<!tpu.dma_semaphore, #tpu.memory_space<semaphore_mem>>)
      %dma_wait3A = arith.constant 0 : i32
      %dma_wait3A_53 = tpu.memref_slice %arg7[%add3A_44, %dma_wait3A] : memref<40x128xi32, #tpu.memory_space<vmem>> -> memref<1x128xi32, #tpu.memory_space<vmem>>
      %dma_wait3A_54 = tpu.memref_squeeze %dma_wait3A_53 : memref<1x128xi32, #tpu.memory_space<vmem>> -> memref<128xi32, #tpu.memory_space<vmem>>
      %dma_wait3A_55 = arith.constant 0 : i32
      %dma_wait3A_56 = arith.constant 0 : i32
      %dma_wait3A_57 = tpu.memref_slice %arg2[%dma_wait3A_55, %dma_wait3A_56] : memref<10000x128xf32, #tpu.memory_space<hbm>> -> memref<10000x128xf32, #tpu.memory_space<hbm>>
      tpu.wait_indirect_dma semaphore(%arg12 : memref<!tpu.dma_semaphore, #tpu.memory_space<semaphore_mem>>) src(%dma_wait3A_57 : memref<10000x128xf32, #tpu.memory_space<hbm>>) dst(%arg9 : memref<128x128xf32, #tpu.memory_space<vmem>>)
      "tpu.region"() ({
        %run_scoped3A = tpu.sem_alloc : memref<!tpu.dma_semaphore, #tpu.memory_space<semaphore_mem>>
        %dma_start3A_72 = arith.constant 0 : i32
        %dma_start3A_73 = tpu.memref_slice %arg8[%add3A_44, %dma_start3A_72] : memref<40x128xi32, #tpu.memory_space<vmem>> -> memref<1x128xi32, #tpu.memory_space<vmem>>
        %dma_start3A_74 = tpu.memref_squeeze %dma_start3A_73 : memref<1x128xi32, #tpu.memory_space<vmem>> -> memref<128xi32, #tpu.memory_space<vmem>>
        %dma_start3A_75 = arith.constant 0 : i32
        %dma_start3A_76 = arith.constant 0 : i32
        %dma_start3A_77 = tpu.memref_slice %arg11[%dma_start3A_75, %dma_start3A_76] : memref<10112x128xf32, #tpu.memory_space<vmem_shared>> -> memref<10112x128xf32, #tpu.memory_space<vmem_shared>>
        tpu.enqueue_indirect_dma source(%arg9 : memref<128x128xf32, #tpu.memory_space<vmem>>) target(%dma_start3A_77 : memref<10112x128xf32, #tpu.memory_space<vmem_shared>>) offsets(%dma_start3A_74 : memref<128xi32, #tpu.memory_space<vmem>>) semaphore(%run_scoped3A : memref<!tpu.dma_semaphore, #tpu.memory_space<semaphore_mem>>) {add = true}
        %dma_wait3A_78 = arith.constant 0 : i32
        %dma_wait3A_79 = tpu.memref_slice %arg8[%add3A_44, %dma_wait3A_78] : memref<40x128xi32, #tpu.memory_space<vmem>> -> memref<1x128xi32, #tpu.memory_space<vmem>>
        %dma_wait3A_80 = tpu.memref_squeeze %dma_wait3A_79 : memref<1x128xi32, #tpu.memory_space<vmem>> -> memref<128xi32, #tpu.memory_space<vmem>>
        %dma_wait3A_81 = arith.constant 0 : i32
        %dma_wait3A_82 = arith.constant 0 : i32
        %dma_wait3A_83 = tpu.memref_slice %arg11[%dma_wait3A_81, %dma_wait3A_82] : memref<10112x128xf32, #tpu.memory_space<vmem_shared>> -> memref<10112x128xf32, #tpu.memory_space<vmem_shared>>
        tpu.wait_indirect_dma semaphore(%run_scoped3A : memref<!tpu.dma_semaphore, #tpu.memory_space<semaphore_mem>>) src(%arg9 : memref<128x128xf32, #tpu.memory_space<vmem>>) dst(%dma_wait3A_83 : memref<10112x128xf32, #tpu.memory_space<vmem_shared>>)
        tpu.yield
      }) : () -> ()
      %add3A_58 = arith.constant 2 : i32
      %add3A_59 = arith.addi %add3A_44, %add3A_58 : i32
      %lt3A = arith.constant 40 : i32
      %lt3A_60 = arith.cmpi slt, %add3A_59, %lt3A : i32
      %convert_element_type3A = arith.extui %lt3A_60 : i1 to i32
      %cond3A = arith.constant 0 : i32
      %cond3A_61 = arith.cmpi ne, %convert_element_type3A, %cond3A : i32
      scf.if %cond3A_61 {
        %add3A_72 = arith.constant 2 : i32
        %add3A_73 = arith.addi %add3A_44, %add3A_72 : i32
        %dma_start3A_74 = arith.constant 0 : i32
        %dma_start3A_75 = tpu.memref_slice %arg7[%add3A_73, %dma_start3A_74] : memref<40x128xi32, #tpu.memory_space<vmem>> -> memref<1x128xi32, #tpu.memory_space<vmem>>
        %dma_start3A_76 = tpu.memref_squeeze %dma_start3A_75 : memref<1x128xi32, #tpu.memory_space<vmem>> -> memref<128xi32, #tpu.memory_space<vmem>>
        %dma_start3A_77 = arith.constant 0 : i32
        %dma_start3A_78 = arith.constant 0 : i32
        %dma_start3A_79 = tpu.memref_slice %arg2[%dma_start3A_77, %dma_start3A_78] : memref<10000x128xf32, #tpu.memory_space<hbm>> -> memref<10000x128xf32, #tpu.memory_space<hbm>>
        tpu.enqueue_indirect_dma source(%dma_start3A_79 : memref<10000x128xf32, #tpu.memory_space<hbm>>) target(%arg9 : memref<128x128xf32, #tpu.memory_space<vmem>>) offsets(%dma_start3A_76 : memref<128xi32, #tpu.memory_space<vmem>>) semaphore(%arg12 : memref<!tpu.dma_semaphore, #tpu.memory_space<semaphore_mem>>)
      } else {
      }
      %add3A_62 = arith.constant 1 : i32
      %add3A_63 = arith.addi %add3A_44, %add3A_62 : i32
      %dma_wait3A_64 = arith.constant 0 : i32
      %dma_wait3A_65 = tpu.memref_slice %arg7[%add3A_63, %dma_wait3A_64] : memref<40x128xi32, #tpu.memory_space<vmem>> -> memref<1x128xi32, #tpu.memory_space<vmem>>
      %dma_wait3A_66 = tpu.memref_squeeze %dma_wait3A_65 : memref<1x128xi32, #tpu.memory_space<vmem>> -> memref<128xi32, #tpu.memory_space<vmem>>
      %dma_wait3A_67 = arith.constant 0 : i32
      %dma_wait3A_68 = arith.constant 0 : i32
      %dma_wait3A_69 = tpu.memref_slice %arg2[%dma_wait3A_67, %dma_wait3A_68] : memref<10000x128xf32, #tpu.memory_space<hbm>> -> memref<10000x128xf32, #tpu.memory_space<hbm>>
      tpu.wait_indirect_dma semaphore(%arg13 : memref<!tpu.dma_semaphore, #tpu.memory_space<semaphore_mem>>) src(%dma_wait3A_69 : memref<10000x128xf32, #tpu.memory_space<hbm>>) dst(%arg10 : memref<128x128xf32, #tpu.memory_space<vmem>>)
      %add3A_70 = arith.constant 1 : i32
      %add3A_71 = arith.addi %add3A_44, %add3A_70 : i32
      "tpu.region"() ({
        %run_scoped3A = tpu.sem_alloc : memref<!tpu.dma_semaphore, #tpu.memory_space<semaphore_mem>>
        %dma_start3A_72 = arith.constant 0 : i32
        %dma_start3A_73 = tpu.memref_slice %arg8[%add3A_71, %dma_start3A_72] : memref<40x128xi32, #tpu.memory_space<vmem>> -> memref<1x128xi32, #tpu.memory_space<vmem>>
        %dma_start3A_74 = tpu.memref_squeeze %dma_start3A_73 : memref<1x128xi32, #tpu.memory_space<vmem>> -> memref<128xi32, #tpu.memory_space<vmem>>
        %dma_start3A_75 = arith.constant 0 : i32
        %dma_start3A_76 = arith.constant 0 : i32
        %dma_start3A_77 = tpu.memref_slice %arg11[%dma_start3A_75, %dma_start3A_76] : memref<10112x128xf32, #tpu.memory_space<vmem_shared>> -> memref<10112x128xf32, #tpu.memory_space<vmem_shared>>
        tpu.enqueue_indirect_dma source(%arg10 : memref<128x128xf32, #tpu.memory_space<vmem>>) target(%dma_start3A_77 : memref<10112x128xf32, #tpu.memory_space<vmem_shared>>) offsets(%dma_start3A_74 : memref<128xi32, #tpu.memory_space<vmem>>) semaphore(%run_scoped3A : memref<!tpu.dma_semaphore, #tpu.memory_space<semaphore_mem>>) {add = true}
        %dma_wait3A_78 = arith.constant 0 : i32
        %dma_wait3A_79 = tpu.memref_slice %arg8[%add3A_71, %dma_wait3A_78] : memref<40x128xi32, #tpu.memory_space<vmem>> -> memref<1x128xi32, #tpu.memory_space<vmem>>
        %dma_wait3A_80 = tpu.memref_squeeze %dma_wait3A_79 : memref<1x128xi32, #tpu.memory_space<vmem>> -> memref<128xi32, #tpu.memory_space<vmem>>
        %dma_wait3A_81 = arith.constant 0 : i32
        %dma_wait3A_82 = arith.constant 0 : i32
        %dma_wait3A_83 = tpu.memref_slice %arg11[%dma_wait3A_81, %dma_wait3A_82] : memref<10112x128xf32, #tpu.memory_space<vmem_shared>> -> memref<10112x128xf32, #tpu.memory_space<vmem_shared>>
        tpu.wait_indirect_dma semaphore(%run_scoped3A : memref<!tpu.dma_semaphore, #tpu.memory_space<semaphore_mem>>) src(%arg10 : memref<128x128xf32, #tpu.memory_space<vmem>>) dst(%dma_wait3A_83 : memref<10112x128xf32, #tpu.memory_space<vmem_shared>>)
        tpu.yield
      }) : () -> ()
    }
    %scan3A_34 = arith.constant 20 : i32
    %barrier3A_35 = arith.constant 0 : index
    tpu.barrier barrier_id(%barrier3A_35)
    %mul3A_36 = arith.constant 632 : i32
    %mul3A_37 = arith.muli %arg1, %mul3A_36 : i32
    %mul3A_38 = arith.constant 632 : i32
    %mul3A_39 = arith.muli %arg1, %mul3A_38 : i32
    "tpu.region"() ({
      %run_scoped3A = tpu.sem_alloc : memref<!tpu.dma_semaphore, #tpu.memory_space<semaphore_mem>>
      %dma_start3A_40 = arith.constant 0 : i32
      %dma_start3A_41 = tpu.memref_slice %arg6[%arg0, %mul3A_39, %dma_start3A_40] : memref<2x10112x128xf32, #tpu.memory_space<hbm>> -> memref<1x632x128xf32, #tpu.memory_space<hbm>>
      %dma_start3A_42 = tpu.memref_squeeze %dma_start3A_41 : memref<1x632x128xf32, #tpu.memory_space<hbm>> -> memref<632x128xf32, #tpu.memory_space<hbm>>
      %dma_start3A_43 = arith.constant 0 : i32
      %dma_start3A_44 = tpu.memref_slice %arg11[%mul3A_37, %dma_start3A_43] : memref<10112x128xf32, #tpu.memory_space<vmem_shared>> -> memref<632x128xf32, #tpu.memory_space<vmem_shared>>
      tpu.enqueue_dma source(%dma_start3A_44 : memref<632x128xf32, #tpu.memory_space<vmem_shared>>) target(%dma_start3A_42 : memref<632x128xf32, #tpu.memory_space<hbm>>) target_semaphore(%run_scoped3A : memref<!tpu.dma_semaphore, #tpu.memory_space<semaphore_mem>>)
      %dma_wait3A = arith.constant 0 : i32
      %dma_wait3A_45 = tpu.memref_slice %arg6[%arg0, %mul3A_39, %dma_wait3A] : memref<2x10112x128xf32, #tpu.memory_space<hbm>> -> memref<1x632x128xf32, #tpu.memory_space<hbm>>
      %dma_wait3A_46 = tpu.memref_squeeze %dma_wait3A_45 : memref<1x632x128xf32, #tpu.memory_space<hbm>> -> memref<632x128xf32, #tpu.memory_space<hbm>>
      %dma_wait3A_47 = arith.constant 0 : i32
      %dma_wait3A_48 = tpu.memref_slice %arg11[%mul3A_37, %dma_wait3A_47] : memref<10112x128xf32, #tpu.memory_space<vmem_shared>> -> memref<632x128xf32, #tpu.memory_space<vmem_shared>>
      tpu.wait_dma2 semaphore(%run_scoped3A : memref<!tpu.dma_semaphore, #tpu.memory_space<semaphore_mem>>) src(%dma_wait3A_48 : memref<632x128xf32, #tpu.memory_space<vmem_shared>>) dst(%dma_wait3A_46 : memref<632x128xf32, #tpu.memory_space<hbm>>)
      tpu.yield
    }) : () -> ()
    return
  }
}

#map = affine_map<(d0, d1) -> (0, 0)>
#map1 = affine_map<(d0, d1) -> (0, 0, 0)>
module attributes {stable_mosaic.version = 14 : i64} {
  func.func @_sc_scatter(%arg0: i32, %arg1: i32, %arg2: memref<10000x128xf32, #tpu.memory_space<hbm>>, %arg3: memref<2560x128xi32, #tpu.memory_space<hbm>>, %arg4: memref<2560x128xi32, #tpu.memory_space<hbm>>, %arg5: memref<10112x128xf32, #tpu.memory_space<hbm>>, %arg6: memref<2x10112x128xf32, #tpu.memory_space<hbm>>, %arg7: memref<40x128xi32, #tpu.memory_space<vmem>>, %arg8: memref<40x128xi32, #tpu.memory_space<vmem>>, %arg9: memref<128x128xf32, #tpu.memory_space<vmem>>, %arg10: memref<128x128xf32, #tpu.memory_space<vmem>>, %arg11: memref<10112x128xf32, #tpu.memory_space<vmem_shared>>, %arg12: memref<!tpu.dma_semaphore, #tpu.memory_space<semaphore_mem>>, %arg13: memref<!tpu.dma_semaphore, #tpu.memory_space<semaphore_mem>>) attributes {dimension_semantics = [#tpu.dimension_semantics<core_parallel>, #tpu.dimension_semantics<subcore_parallel>], iteration_bounds = array<i64: 2, 16>, scalar_prefetch = 0 : i64, scratch_operands = 7 : i64, tpu.core_type = #tpu.core_type<sc_vector_subcore>, window_params = [{transform_indices = #map}, {transform_indices = #map}, {transform_indices = #map}, {transform_indices = #map}, {transform_indices = #map1}]} {
    %mul3A = arith.constant 2 : i32
    %mul3A_0 = arith.muli %arg1, %mul3A : i32
    %add3A = arith.addi %mul3A_0, %arg0 : i32
    %mul3A_1 = arith.constant 632 : i32
    %mul3A_2 = arith.muli %arg1, %mul3A_1 : i32
    %mul3A_3 = arith.constant 632 : i32
    %mul3A_4 = arith.muli %arg1, %mul3A_3 : i32
    "tpu.region"() ({
      %run_scoped3A = tpu.sem_alloc : memref<!tpu.dma_semaphore, #tpu.memory_space<semaphore_mem>>
      %dma_start3A_40 = arith.constant 0 : i32
      %dma_start3A_41 = tpu.memref_slice %arg11[%mul3A_4, %dma_start3A_40] : memref<10112x128xf32, #tpu.memory_space<vmem_shared>> -> memref<632x128xf32, #tpu.memory_space<vmem_shared>>
      %dma_start3A_42 = arith.constant 0 : i32
      %dma_start3A_43 = tpu.memref_slice %arg5[%mul3A_2, %dma_start3A_42] : memref<10112x128xf32, #tpu.memory_space<hbm>> -> memref<632x128xf32, #tpu.memory_space<hbm>>
      tpu.enqueue_dma source(%dma_start3A_43 : memref<632x128xf32, #tpu.memory_space<hbm>>) target(%dma_start3A_41 : memref<632x128xf32, #tpu.memory_space<vmem_shared>>) target_semaphore(%run_scoped3A : memref<!tpu.dma_semaphore, #tpu.memory_space<semaphore_mem>>)
      %dma_wait3A = arith.constant 0 : i32
      %dma_wait3A_44 = tpu.memref_slice %arg11[%mul3A_4, %dma_wait3A] : memref<10112x128xf32, #tpu.memory_space<vmem_shared>> -> memref<632x128xf32, #tpu.memory_space<vmem_shared>>
      %dma_wait3A_45 = arith.constant 0 : i32
      %dma_wait3A_46 = tpu.memref_slice %arg5[%mul3A_2, %dma_wait3A_45] : memref<10112x128xf32, #tpu.memory_space<hbm>> -> memref<632x128xf32, #tpu.memory_space<hbm>>
      tpu.wait_dma2 semaphore(%run_scoped3A : memref<!tpu.dma_semaphore, #tpu.memory_space<semaphore_mem>>) src(%dma_wait3A_46 : memref<632x128xf32, #tpu.memory_space<hbm>>) dst(%dma_wait3A_44 : memref<632x128xf32, #tpu.memory_space<vmem_shared>>)
      tpu.yield
    }) : () -> ()
    %barrier3A = arith.constant 0 : index
    tpu.barrier barrier_id(%barrier3A)
    %mul3A_5 = arith.constant 80 : i32
    %mul3A_6 = arith.muli %add3A, %mul3A_5 : i32
    %add3A_7 = arith.constant 0 : i32
    %add3A_8 = arith.addi %mul3A_6, %add3A_7 : i32
    "tpu.region"() ({
      %run_scoped3A = tpu.sem_alloc : memref<!tpu.dma_semaphore, #tpu.memory_space<semaphore_mem>>
      %dma_start3A_40 = arith.constant 0 : i32
      %dma_start3A_41 = tpu.memref_slice %arg3[%add3A_8, %dma_start3A_40] : memref<2560x128xi32, #tpu.memory_space<hbm>> -> memref<40x128xi32, #tpu.memory_space<hbm>>
      %dma_start3A_42 = arith.constant 0 : i32
      %dma_start3A_43 = tpu.memref_slice %arg3[%add3A_8, %dma_start3A_42] : memref<2560x128xi32, #tpu.memory_space<hbm>> -> memref<40x128xi32, #tpu.memory_space<hbm>>
      tpu.enqueue_dma source(%dma_start3A_43 : memref<40x128xi32, #tpu.memory_space<hbm>>) target(%arg7 : memref<40x128xi32, #tpu.memory_space<vmem>>) target_semaphore(%run_scoped3A : memref<!tpu.dma_semaphore, #tpu.memory_space<semaphore_mem>>)
      %dma_wait3A = arith.constant 0 : i32
      %dma_wait3A_44 = tpu.memref_slice %arg3[%add3A_8, %dma_wait3A] : memref<2560x128xi32, #tpu.memory_space<hbm>> -> memref<40x128xi32, #tpu.memory_space<hbm>>
      %dma_wait3A_45 = arith.constant 0 : i32
      %dma_wait3A_46 = tpu.memref_slice %arg3[%add3A_8, %dma_wait3A_45] : memref<2560x128xi32, #tpu.memory_space<hbm>> -> memref<40x128xi32, #tpu.memory_space<hbm>>
      tpu.wait_dma2 semaphore(%run_scoped3A : memref<!tpu.dma_semaphore, #tpu.memory_space<semaphore_mem>>) src(%dma_wait3A_46 : memref<40x128xi32, #tpu.memory_space<hbm>>) dst(%arg7 : memref<40x128xi32, #tpu.memory_space<vmem>>)
      tpu.yield
    }) : () -> ()
    "tpu.region"() ({
      %run_scoped3A = tpu.sem_alloc : memref<!tpu.dma_semaphore, #tpu.memory_space<semaphore_mem>>
      %dma_start3A_40 = arith.constant 0 : i32
      %dma_start3A_41 = tpu.memref_slice %arg4[%add3A_8, %dma_start3A_40] : memref<2560x128xi32, #tpu.memory_space<hbm>> -> memref<40x128xi32, #tpu.memory_space<hbm>>
      %dma_start3A_42 = arith.constant 0 : i32
      %dma_start3A_43 = tpu.memref_slice %arg4[%add3A_8, %dma_start3A_42] : memref<2560x128xi32, #tpu.memory_space<hbm>> -> memref<40x128xi32, #tpu.memory_space<hbm>>
      tpu.enqueue_dma source(%dma_start3A_43 : memref<40x128xi32, #tpu.memory_space<hbm>>) target(%arg8 : memref<40x128xi32, #tpu.memory_space<vmem>>) target_semaphore(%run_scoped3A : memref<!tpu.dma_semaphore, #tpu.memory_space<semaphore_mem>>)
      %dma_wait3A = arith.constant 0 : i32
      %dma_wait3A_44 = tpu.memref_slice %arg4[%add3A_8, %dma_wait3A] : memref<2560x128xi32, #tpu.memory_space<hbm>> -> memref<40x128xi32, #tpu.memory_space<hbm>>
      %dma_wait3A_45 = arith.constant 0 : i32
      %dma_wait3A_46 = tpu.memref_slice %arg4[%add3A_8, %dma_wait3A_45] : memref<2560x128xi32, #tpu.memory_space<hbm>> -> memref<40x128xi32, #tpu.memory_space<hbm>>
      tpu.wait_dma2 semaphore(%run_scoped3A : memref<!tpu.dma_semaphore, #tpu.memory_space<semaphore_mem>>) src(%dma_wait3A_46 : memref<40x128xi32, #tpu.memory_space<hbm>>) dst(%arg8 : memref<40x128xi32, #tpu.memory_space<vmem>>)
      tpu.yield
    }) : () -> ()
    %dma_start3A = arith.constant 0 : i32
    %dma_start3A_9 = arith.constant 0 : i32
    %dma_start3A_10 = tpu.memref_slice %arg7[%dma_start3A, %dma_start3A_9] : memref<40x128xi32, #tpu.memory_space<vmem>> -> memref<1x128xi32, #tpu.memory_space<vmem>>
    %dma_start3A_11 = tpu.memref_squeeze %dma_start3A_10 : memref<1x128xi32, #tpu.memory_space<vmem>> -> memref<128xi32, #tpu.memory_space<vmem>>
    %dma_start3A_12 = arith.constant 0 : i32
    %dma_start3A_13 = arith.constant 0 : i32
    %dma_start3A_14 = tpu.memref_slice %arg2[%dma_start3A_12, %dma_start3A_13] : memref<10000x128xf32, #tpu.memory_space<hbm>> -> memref<10000x128xf32, #tpu.memory_space<hbm>>
    tpu.enqueue_indirect_dma source(%dma_start3A_14 : memref<10000x128xf32, #tpu.memory_space<hbm>>) target(%arg9 : memref<128x128xf32, #tpu.memory_space<vmem>>) offsets(%dma_start3A_11 : memref<128xi32, #tpu.memory_space<vmem>>) semaphore(%arg12 : memref<!tpu.dma_semaphore, #tpu.memory_space<semaphore_mem>>)
    %scan3A = arith.constant 0 : i32
    %scan3A_15 = arith.constant 20 : i32
    %scan3A_16 = arith.addi %scan3A, %scan3A_15 : i32
    %scan3A_17 = arith.constant 1 : i32
    scf.for %scan3A_40 = %scan3A to %scan3A_16 step %scan3A_17  : i32 {
      %mul3A_41 = arith.constant 2 : i32
      %mul3A_42 = arith.muli %scan3A_40, %mul3A_41 : i32
      %add3A_43 = arith.constant 0 : i32
      %add3A_44 = arith.addi %add3A_43, %mul3A_42 : i32
      %add3A_45 = arith.constant 1 : i32
      %add3A_46 = arith.addi %add3A_44, %add3A_45 : i32
      %dma_start3A_47 = arith.constant 0 : i32
      %dma_start3A_48 = tpu.memref_slice %arg7[%add3A_46, %dma_start3A_47] : memref<40x128xi32, #tpu.memory_space<vmem>> -> memref<1x128xi32, #tpu.memory_space<vmem>>
      %dma_start3A_49 = tpu.memref_squeeze %dma_start3A_48 : memref<1x128xi32, #tpu.memory_space<vmem>> -> memref<128xi32, #tpu.memory_space<vmem>>
      %dma_start3A_50 = arith.constant 0 : i32
      %dma_start3A_51 = arith.constant 0 : i32
      %dma_start3A_52 = tpu.memref_slice %arg2[%dma_start3A_50, %dma_start3A_51] : memref<10000x128xf32, #tpu.memory_space<hbm>> -> memref<10000x128xf32, #tpu.memory_space<hbm>>
      tpu.enqueue_indirect_dma source(%dma_start3A_52 : memref<10000x128xf32, #tpu.memory_space<hbm>>) target(%arg10 : memref<128x128xf32, #tpu.memory_space<vmem>>) offsets(%dma_start3A_49 : memref<128xi32, #tpu.memory_space<vmem>>) semaphore(%arg13 : memref<!tpu.dma_semaphore, #tpu.memory_space<semaphore_mem>>)
      %dma_wait3A = arith.constant 0 : i32
      %dma_wait3A_53 = tpu.memref_slice %arg7[%add3A_44, %dma_wait3A] : memref<40x128xi32, #tpu.memory_space<vmem>> -> memref<1x128xi32, #tpu.memory_space<vmem>>
      %dma_wait3A_54 = tpu.memref_squeeze %dma_wait3A_53 : memref<1x128xi32, #tpu.memory_space<vmem>> -> memref<128xi32, #tpu.memory_space<vmem>>
      %dma_wait3A_55 = arith.constant 0 : i32
      %dma_wait3A_56 = arith.constant 0 : i32
      %dma_wait3A_57 = tpu.memref_slice %arg2[%dma_wait3A_55, %dma_wait3A_56] : memref<10000x128xf32, #tpu.memory_space<hbm>> -> memref<10000x128xf32, #tpu.memory_space<hbm>>
      tpu.wait_indirect_dma semaphore(%arg12 : memref<!tpu.dma_semaphore, #tpu.memory_space<semaphore_mem>>) src(%dma_wait3A_57 : memref<10000x128xf32, #tpu.memory_space<hbm>>) dst(%arg9 : memref<128x128xf32, #tpu.memory_space<vmem>>)
      "tpu.region"() ({
        %run_scoped3A = tpu.sem_alloc : memref<!tpu.dma_semaphore, #tpu.memory_space<semaphore_mem>>
        %dma_start3A_72 = arith.constant 0 : i32
        %dma_start3A_73 = tpu.memref_slice %arg8[%add3A_44, %dma_start3A_72] : memref<40x128xi32, #tpu.memory_space<vmem>> -> memref<1x128xi32, #tpu.memory_space<vmem>>
        %dma_start3A_74 = tpu.memref_squeeze %dma_start3A_73 : memref<1x128xi32, #tpu.memory_space<vmem>> -> memref<128xi32, #tpu.memory_space<vmem>>
        %dma_start3A_75 = arith.constant 0 : i32
        %dma_start3A_76 = arith.constant 0 : i32
        %dma_start3A_77 = tpu.memref_slice %arg11[%dma_start3A_75, %dma_start3A_76] : memref<10112x128xf32, #tpu.memory_space<vmem_shared>> -> memref<10112x128xf32, #tpu.memory_space<vmem_shared>>
        tpu.enqueue_indirect_dma source(%arg9 : memref<128x128xf32, #tpu.memory_space<vmem>>) target(%dma_start3A_77 : memref<10112x128xf32, #tpu.memory_space<vmem_shared>>) offsets(%dma_start3A_74 : memref<128xi32, #tpu.memory_space<vmem>>) semaphore(%run_scoped3A : memref<!tpu.dma_semaphore, #tpu.memory_space<semaphore_mem>>) {add = true}
        %dma_wait3A_78 = arith.constant 0 : i32
        %dma_wait3A_79 = tpu.memref_slice %arg8[%add3A_44, %dma_wait3A_78] : memref<40x128xi32, #tpu.memory_space<vmem>> -> memref<1x128xi32, #tpu.memory_space<vmem>>
        %dma_wait3A_80 = tpu.memref_squeeze %dma_wait3A_79 : memref<1x128xi32, #tpu.memory_space<vmem>> -> memref<128xi32, #tpu.memory_space<vmem>>
        %dma_wait3A_81 = arith.constant 0 : i32
        %dma_wait3A_82 = arith.constant 0 : i32
        %dma_wait3A_83 = tpu.memref_slice %arg11[%dma_wait3A_81, %dma_wait3A_82] : memref<10112x128xf32, #tpu.memory_space<vmem_shared>> -> memref<10112x128xf32, #tpu.memory_space<vmem_shared>>
        tpu.wait_indirect_dma semaphore(%run_scoped3A : memref<!tpu.dma_semaphore, #tpu.memory_space<semaphore_mem>>) src(%arg9 : memref<128x128xf32, #tpu.memory_space<vmem>>) dst(%dma_wait3A_83 : memref<10112x128xf32, #tpu.memory_space<vmem_shared>>)
        tpu.yield
      }) : () -> ()
      %add3A_58 = arith.constant 2 : i32
      %add3A_59 = arith.addi %add3A_44, %add3A_58 : i32
      %lt3A = arith.constant 40 : i32
      %lt3A_60 = arith.cmpi slt, %add3A_59, %lt3A : i32
      %convert_element_type3A = arith.extui %lt3A_60 : i1 to i32
      %cond3A = arith.constant 0 : i32
      %cond3A_61 = arith.cmpi ne, %convert_element_type3A, %cond3A : i32
      scf.if %cond3A_61 {
        %add3A_72 = arith.constant 2 : i32
        %add3A_73 = arith.addi %add3A_44, %add3A_72 : i32
        %dma_start3A_74 = arith.constant 0 : i32
        %dma_start3A_75 = tpu.memref_slice %arg7[%add3A_73, %dma_start3A_74] : memref<40x128xi32, #tpu.memory_space<vmem>> -> memref<1x128xi32, #tpu.memory_space<vmem>>
        %dma_start3A_76 = tpu.memref_squeeze %dma_start3A_75 : memref<1x128xi32, #tpu.memory_space<vmem>> -> memref<128xi32, #tpu.memory_space<vmem>>
        %dma_start3A_77 = arith.constant 0 : i32
        %dma_start3A_78 = arith.constant 0 : i32
        %dma_start3A_79 = tpu.memref_slice %arg2[%dma_start3A_77, %dma_start3A_78] : memref<10000x128xf32, #tpu.memory_space<hbm>> -> memref<10000x128xf32, #tpu.memory_space<hbm>>
        tpu.enqueue_indirect_dma source(%dma_start3A_79 : memref<10000x128xf32, #tpu.memory_space<hbm>>) target(%arg9 : memref<128x128xf32, #tpu.memory_space<vmem>>) offsets(%dma_start3A_76 : memref<128xi32, #tpu.memory_space<vmem>>) semaphore(%arg12 : memref<!tpu.dma_semaphore, #tpu.memory_space<semaphore_mem>>)
      } else {
      }
      %add3A_62 = arith.constant 1 : i32
      %add3A_63 = arith.addi %add3A_44, %add3A_62 : i32
      %dma_wait3A_64 = arith.constant 0 : i32
      %dma_wait3A_65 = tpu.memref_slice %arg7[%add3A_63, %dma_wait3A_64] : memref<40x128xi32, #tpu.memory_space<vmem>> -> memref<1x128xi32, #tpu.memory_space<vmem>>
      %dma_wait3A_66 = tpu.memref_squeeze %dma_wait3A_65 : memref<1x128xi32, #tpu.memory_space<vmem>> -> memref<128xi32, #tpu.memory_space<vmem>>
      %dma_wait3A_67 = arith.constant 0 : i32
      %dma_wait3A_68 = arith.constant 0 : i32
      %dma_wait3A_69 = tpu.memref_slice %arg2[%dma_wait3A_67, %dma_wait3A_68] : memref<10000x128xf32, #tpu.memory_space<hbm>> -> memref<10000x128xf32, #tpu.memory_space<hbm>>
      tpu.wait_indirect_dma semaphore(%arg13 : memref<!tpu.dma_semaphore, #tpu.memory_space<semaphore_mem>>) src(%dma_wait3A_69 : memref<10000x128xf32, #tpu.memory_space<hbm>>) dst(%arg10 : memref<128x128xf32, #tpu.memory_space<vmem>>)
      %add3A_70 = arith.constant 1 : i32
      %add3A_71 = arith.addi %add3A_44, %add3A_70 : i32
      "tpu.region"() ({
        %run_scoped3A = tpu.sem_alloc : memref<!tpu.dma_semaphore, #tpu.memory_space<semaphore_mem>>
        %dma_start3A_72 = arith.constant 0 : i32
        %dma_start3A_73 = tpu.memref_slice %arg8[%add3A_71, %dma_start3A_72] : memref<40x128xi32, #tpu.memory_space<vmem>> -> memref<1x128xi32, #tpu.memory_space<vmem>>
        %dma_start3A_74 = tpu.memref_squeeze %dma_start3A_73 : memref<1x128xi32, #tpu.memory_space<vmem>> -> memref<128xi32, #tpu.memory_space<vmem>>
        %dma_start3A_75 = arith.constant 0 : i32
        %dma_start3A_76 = arith.constant 0 : i32
        %dma_start3A_77 = tpu.memref_slice %arg11[%dma_start3A_75, %dma_start3A_76] : memref<10112x128xf32, #tpu.memory_space<vmem_shared>> -> memref<10112x128xf32, #tpu.memory_space<vmem_shared>>
        tpu.enqueue_indirect_dma source(%arg10 : memref<128x128xf32, #tpu.memory_space<vmem>>) target(%dma_start3A_77 : memref<10112x128xf32, #tpu.memory_space<vmem_shared>>) offsets(%dma_start3A_74 : memref<128xi32, #tpu.memory_space<vmem>>) semaphore(%run_scoped3A : memref<!tpu.dma_semaphore, #tpu.memory_space<semaphore_mem>>) {add = true}
        %dma_wait3A_78 = arith.constant 0 : i32
        %dma_wait3A_79 = tpu.memref_slice %arg8[%add3A_71, %dma_wait3A_78] : memref<40x128xi32, #tpu.memory_space<vmem>> -> memref<1x128xi32, #tpu.memory_space<vmem>>
        %dma_wait3A_80 = tpu.memref_squeeze %dma_wait3A_79 : memref<1x128xi32, #tpu.memory_space<vmem>> -> memref<128xi32, #tpu.memory_space<vmem>>
        %dma_wait3A_81 = arith.constant 0 : i32
        %dma_wait3A_82 = arith.constant 0 : i32
        %dma_wait3A_83 = tpu.memref_slice %arg11[%dma_wait3A_81, %dma_wait3A_82] : memref<10112x128xf32, #tpu.memory_space<vmem_shared>> -> memref<10112x128xf32, #tpu.memory_space<vmem_shared>>
        tpu.wait_indirect_dma semaphore(%run_scoped3A : memref<!tpu.dma_semaphore, #tpu.memory_space<semaphore_mem>>) src(%arg10 : memref<128x128xf32, #tpu.memory_space<vmem>>) dst(%dma_wait3A_83 : memref<10112x128xf32, #tpu.memory_space<vmem_shared>>)
        tpu.yield
      }) : () -> ()
    }
    %scan3A_18 = arith.constant 20 : i32
    %mul3A_19 = arith.constant 80 : i32
    %mul3A_20 = arith.muli %add3A, %mul3A_19 : i32
    %add3A_21 = arith.constant 40 : i32
    %add3A_22 = arith.addi %mul3A_20, %add3A_21 : i32
    "tpu.region"() ({
      %run_scoped3A = tpu.sem_alloc : memref<!tpu.dma_semaphore, #tpu.memory_space<semaphore_mem>>
      %dma_start3A_40 = arith.constant 0 : i32
      %dma_start3A_41 = tpu.memref_slice %arg3[%add3A_22, %dma_start3A_40] : memref<2560x128xi32, #tpu.memory_space<hbm>> -> memref<40x128xi32, #tpu.memory_space<hbm>>
      %dma_start3A_42 = arith.constant 0 : i32
      %dma_start3A_43 = tpu.memref_slice %arg3[%add3A_22, %dma_start3A_42] : memref<2560x128xi32, #tpu.memory_space<hbm>> -> memref<40x128xi32, #tpu.memory_space<hbm>>
      tpu.enqueue_dma source(%dma_start3A_43 : memref<40x128xi32, #tpu.memory_space<hbm>>) target(%arg7 : memref<40x128xi32, #tpu.memory_space<vmem>>) target_semaphore(%run_scoped3A : memref<!tpu.dma_semaphore, #tpu.memory_space<semaphore_mem>>)
      %dma_wait3A = arith.constant 0 : i32
      %dma_wait3A_44 = tpu.memref_slice %arg3[%add3A_22, %dma_wait3A] : memref<2560x128xi32, #tpu.memory_space<hbm>> -> memref<40x128xi32, #tpu.memory_space<hbm>>
      %dma_wait3A_45 = arith.constant 0 : i32
      %dma_wait3A_46 = tpu.memref_slice %arg3[%add3A_22, %dma_wait3A_45] : memref<2560x128xi32, #tpu.memory_space<hbm>> -> memref<40x128xi32, #tpu.memory_space<hbm>>
      tpu.wait_dma2 semaphore(%run_scoped3A : memref<!tpu.dma_semaphore, #tpu.memory_space<semaphore_mem>>) src(%dma_wait3A_46 : memref<40x128xi32, #tpu.memory_space<hbm>>) dst(%arg7 : memref<40x128xi32, #tpu.memory_space<vmem>>)
      tpu.yield
    }) : () -> ()
    "tpu.region"() ({
      %run_scoped3A = tpu.sem_alloc : memref<!tpu.dma_semaphore, #tpu.memory_space<semaphore_mem>>
      %dma_start3A_40 = arith.constant 0 : i32
      %dma_start3A_41 = tpu.memref_slice %arg4[%add3A_22, %dma_start3A_40] : memref<2560x128xi32, #tpu.memory_space<hbm>> -> memref<40x128xi32, #tpu.memory_space<hbm>>
      %dma_start3A_42 = arith.constant 0 : i32
      %dma_start3A_43 = tpu.memref_slice %arg4[%add3A_22, %dma_start3A_42] : memref<2560x128xi32, #tpu.memory_space<hbm>> -> memref<40x128xi32, #tpu.memory_space<hbm>>
      tpu.enqueue_dma source(%dma_start3A_43 : memref<40x128xi32, #tpu.memory_space<hbm>>) target(%arg8 : memref<40x128xi32, #tpu.memory_space<vmem>>) target_semaphore(%run_scoped3A : memref<!tpu.dma_semaphore, #tpu.memory_space<semaphore_mem>>)
      %dma_wait3A = arith.constant 0 : i32
      %dma_wait3A_44 = tpu.memref_slice %arg4[%add3A_22, %dma_wait3A] : memref<2560x128xi32, #tpu.memory_space<hbm>> -> memref<40x128xi32, #tpu.memory_space<hbm>>
      %dma_wait3A_45 = arith.constant 0 : i32
      %dma_wait3A_46 = tpu.memref_slice %arg4[%add3A_22, %dma_wait3A_45] : memref<2560x128xi32, #tpu.memory_space<hbm>> -> memref<40x128xi32, #tpu.memory_space<hbm>>
      tpu.wait_dma2 semaphore(%run_scoped3A : memref<!tpu.dma_semaphore, #tpu.memory_space<semaphore_mem>>) src(%dma_wait3A_46 : memref<40x128xi32, #tpu.memory_space<hbm>>) dst(%arg8 : memref<40x128xi32, #tpu.memory_space<vmem>>)
      tpu.yield
    }) : () -> ()
    %dma_start3A_23 = arith.constant 0 : i32
    %dma_start3A_24 = arith.constant 0 : i32
    %dma_start3A_25 = tpu.memref_slice %arg7[%dma_start3A_23, %dma_start3A_24] : memref<40x128xi32, #tpu.memory_space<vmem>> -> memref<1x128xi32, #tpu.memory_space<vmem>>
    %dma_start3A_26 = tpu.memref_squeeze %dma_start3A_25 : memref<1x128xi32, #tpu.memory_space<vmem>> -> memref<128xi32, #tpu.memory_space<vmem>>
    %dma_start3A_27 = arith.constant 0 : i32
    %dma_start3A_28 = arith.constant 0 : i32
    %dma_start3A_29 = tpu.memref_slice %arg2[%dma_start3A_27, %dma_start3A_28] : memref<10000x128xf32, #tpu.memory_space<hbm>> -> memref<10000x128xf32, #tpu.memory_space<hbm>>
    tpu.enqueue_indirect_dma source(%dma_start3A_29 : memref<10000x128xf32, #tpu.memory_space<hbm>>) target(%arg9 : memref<128x128xf32, #tpu.memory_space<vmem>>) offsets(%dma_start3A_26 : memref<128xi32, #tpu.memory_space<vmem>>) semaphore(%arg12 : memref<!tpu.dma_semaphore, #tpu.memory_space<semaphore_mem>>)
    %scan3A_30 = arith.constant 0 : i32
    %scan3A_31 = arith.constant 20 : i32
    %scan3A_32 = arith.addi %scan3A_30, %scan3A_31 : i32
    %scan3A_33 = arith.constant 1 : i32
    scf.for %scan3A_40 = %scan3A_30 to %scan3A_32 step %scan3A_33  : i32 {
      %mul3A_41 = arith.constant 2 : i32
      %mul3A_42 = arith.muli %scan3A_40, %mul3A_41 : i32
      %add3A_43 = arith.constant 0 : i32
      %add3A_44 = arith.addi %add3A_43, %mul3A_42 : i32
      %add3A_45 = arith.constant 1 : i32
      %add3A_46 = arith.addi %add3A_44, %add3A_45 : i32
      %dma_start3A_47 = arith.constant 0 : i32
      %dma_start3A_48 = tpu.memref_slice %arg7[%add3A_46, %dma_start3A_47] : memref<40x128xi32, #tpu.memory_space<vmem>> -> memref<1x128xi32, #tpu.memory_space<vmem>>
      %dma_start3A_49 = tpu.memref_squeeze %dma_start3A_48 : memref<1x128xi32, #tpu.memory_space<vmem>> -> memref<128xi32, #tpu.memory_space<vmem>>
      %dma_start3A_50 = arith.constant 0 : i32
      %dma_start3A_51 = arith.constant 0 : i32
      %dma_start3A_52 = tpu.memref_slice %arg2[%dma_start3A_50, %dma_start3A_51] : memref<10000x128xf32, #tpu.memory_space<hbm>> -> memref<10000x128xf32, #tpu.memory_space<hbm>>
      tpu.enqueue_indirect_dma source(%dma_start3A_52 : memref<10000x128xf32, #tpu.memory_space<hbm>>) target(%arg10 : memref<128x128xf32, #tpu.memory_space<vmem>>) offsets(%dma_start3A_49 : memref<128xi32, #tpu.memory_space<vmem>>) semaphore(%arg13 : memref<!tpu.dma_semaphore, #tpu.memory_space<semaphore_mem>>)
      %dma_wait3A = arith.constant 0 : i32
      %dma_wait3A_53 = tpu.memref_slice %arg7[%add3A_44, %dma_wait3A] : memref<40x128xi32, #tpu.memory_space<vmem>> -> memref<1x128xi32, #tpu.memory_space<vmem>>
      %dma_wait3A_54 = tpu.memref_squeeze %dma_wait3A_53 : memref<1x128xi32, #tpu.memory_space<vmem>> -> memref<128xi32, #tpu.memory_space<vmem>>
      %dma_wait3A_55 = arith.constant 0 : i32
      %dma_wait3A_56 = arith.constant 0 : i32
      %dma_wait3A_57 = tpu.memref_slice %arg2[%dma_wait3A_55, %dma_wait3A_56] : memref<10000x128xf32, #tpu.memory_space<hbm>> -> memref<10000x128xf32, #tpu.memory_space<hbm>>
      tpu.wait_indirect_dma semaphore(%arg12 : memref<!tpu.dma_semaphore, #tpu.memory_space<semaphore_mem>>) src(%dma_wait3A_57 : memref<10000x128xf32, #tpu.memory_space<hbm>>) dst(%arg9 : memref<128x128xf32, #tpu.memory_space<vmem>>)
      "tpu.region"() ({
        %run_scoped3A = tpu.sem_alloc : memref<!tpu.dma_semaphore, #tpu.memory_space<semaphore_mem>>
        %dma_start3A_72 = arith.constant 0 : i32
        %dma_start3A_73 = tpu.memref_slice %arg8[%add3A_44, %dma_start3A_72] : memref<40x128xi32, #tpu.memory_space<vmem>> -> memref<1x128xi32, #tpu.memory_space<vmem>>
        %dma_start3A_74 = tpu.memref_squeeze %dma_start3A_73 : memref<1x128xi32, #tpu.memory_space<vmem>> -> memref<128xi32, #tpu.memory_space<vmem>>
        %dma_start3A_75 = arith.constant 0 : i32
        %dma_start3A_76 = arith.constant 0 : i32
        %dma_start3A_77 = tpu.memref_slice %arg11[%dma_start3A_75, %dma_start3A_76] : memref<10112x128xf32, #tpu.memory_space<vmem_shared>> -> memref<10112x128xf32, #tpu.memory_space<vmem_shared>>
        tpu.enqueue_indirect_dma source(%arg9 : memref<128x128xf32, #tpu.memory_space<vmem>>) target(%dma_start3A_77 : memref<10112x128xf32, #tpu.memory_space<vmem_shared>>) offsets(%dma_start3A_74 : memref<128xi32, #tpu.memory_space<vmem>>) semaphore(%run_scoped3A : memref<!tpu.dma_semaphore, #tpu.memory_space<semaphore_mem>>) {add = true}
        %dma_wait3A_78 = arith.constant 0 : i32
        %dma_wait3A_79 = tpu.memref_slice %arg8[%add3A_44, %dma_wait3A_78] : memref<40x128xi32, #tpu.memory_space<vmem>> -> memref<1x128xi32, #tpu.memory_space<vmem>>
        %dma_wait3A_80 = tpu.memref_squeeze %dma_wait3A_79 : memref<1x128xi32, #tpu.memory_space<vmem>> -> memref<128xi32, #tpu.memory_space<vmem>>
        %dma_wait3A_81 = arith.constant 0 : i32
        %dma_wait3A_82 = arith.constant 0 : i32
        %dma_wait3A_83 = tpu.memref_slice %arg11[%dma_wait3A_81, %dma_wait3A_82] : memref<10112x128xf32, #tpu.memory_space<vmem_shared>> -> memref<10112x128xf32, #tpu.memory_space<vmem_shared>>
        tpu.wait_indirect_dma semaphore(%run_scoped3A : memref<!tpu.dma_semaphore, #tpu.memory_space<semaphore_mem>>) src(%arg9 : memref<128x128xf32, #tpu.memory_space<vmem>>) dst(%dma_wait3A_83 : memref<10112x128xf32, #tpu.memory_space<vmem_shared>>)
        tpu.yield
      }) : () -> ()
      %add3A_58 = arith.constant 2 : i32
      %add3A_59 = arith.addi %add3A_44, %add3A_58 : i32
      %lt3A = arith.constant 40 : i32
      %lt3A_60 = arith.cmpi slt, %add3A_59, %lt3A : i32
      %convert_element_type3A = arith.extui %lt3A_60 : i1 to i32
      %cond3A = arith.constant 0 : i32
      %cond3A_61 = arith.cmpi ne, %convert_element_type3A, %cond3A : i32
      scf.if %cond3A_61 {
        %add3A_72 = arith.constant 2 : i32
        %add3A_73 = arith.addi %add3A_44, %add3A_72 : i32
        %dma_start3A_74 = arith.constant 0 : i32
        %dma_start3A_75 = tpu.memref_slice %arg7[%add3A_73, %dma_start3A_74] : memref<40x128xi32, #tpu.memory_space<vmem>> -> memref<1x128xi32, #tpu.memory_space<vmem>>
        %dma_start3A_76 = tpu.memref_squeeze %dma_start3A_75 : memref<1x128xi32, #tpu.memory_space<vmem>> -> memref<128xi32, #tpu.memory_space<vmem>>
        %dma_start3A_77 = arith.constant 0 : i32
        %dma_start3A_78 = arith.constant 0 : i32
        %dma_start3A_79 = tpu.memref_slice %arg2[%dma_start3A_77, %dma_start3A_78] : memref<10000x128xf32, #tpu.memory_space<hbm>> -> memref<10000x128xf32, #tpu.memory_space<hbm>>
        tpu.enqueue_indirect_dma source(%dma_start3A_79 : memref<10000x128xf32, #tpu.memory_space<hbm>>) target(%arg9 : memref<128x128xf32, #tpu.memory_space<vmem>>) offsets(%dma_start3A_76 : memref<128xi32, #tpu.memory_space<vmem>>) semaphore(%arg12 : memref<!tpu.dma_semaphore, #tpu.memory_space<semaphore_mem>>)
      } else {
      }
      %add3A_62 = arith.constant 1 : i32
      %add3A_63 = arith.addi %add3A_44, %add3A_62 : i32
      %dma_wait3A_64 = arith.constant 0 : i32
      %dma_wait3A_65 = tpu.memref_slice %arg7[%add3A_63, %dma_wait3A_64] : memref<40x128xi32, #tpu.memory_space<vmem>> -> memref<1x128xi32, #tpu.memory_space<vmem>>
      %dma_wait3A_66 = tpu.memref_squeeze %dma_wait3A_65 : memref<1x128xi32, #tpu.memory_space<vmem>> -> memref<128xi32, #tpu.memory_space<vmem>>
      %dma_wait3A_67 = arith.constant 0 : i32
      %dma_wait3A_68 = arith.constant 0 : i32
      %dma_wait3A_69 = tpu.memref_slice %arg2[%dma_wait3A_67, %dma_wait3A_68] : memref<10000x128xf32, #tpu.memory_space<hbm>> -> memref<10000x128xf32, #tpu.memory_space<hbm>>
      tpu.wait_indirect_dma semaphore(%arg13 : memref<!tpu.dma_semaphore, #tpu.memory_space<semaphore_mem>>) src(%dma_wait3A_69 : memref<10000x128xf32, #tpu.memory_space<hbm>>) dst(%arg10 : memref<128x128xf32, #tpu.memory_space<vmem>>)
      %add3A_70 = arith.constant 1 : i32
      %add3A_71 = arith.addi %add3A_44, %add3A_70 : i32
      "tpu.region"() ({
        %run_scoped3A = tpu.sem_alloc : memref<!tpu.dma_semaphore, #tpu.memory_space<semaphore_mem>>
        %dma_start3A_72 = arith.constant 0 : i32
        %dma_start3A_73 = tpu.memref_slice %arg8[%add3A_71, %dma_start3A_72] : memref<40x128xi32, #tpu.memory_space<vmem>> -> memref<1x128xi32, #tpu.memory_space<vmem>>
        %dma_start3A_74 = tpu.memref_squeeze %dma_start3A_73 : memref<1x128xi32, #tpu.memory_space<vmem>> -> memref<128xi32, #tpu.memory_space<vmem>>
        %dma_start3A_75 = arith.constant 0 : i32
        %dma_start3A_76 = arith.constant 0 : i32
        %dma_start3A_77 = tpu.memref_slice %arg11[%dma_start3A_75, %dma_start3A_76] : memref<10112x128xf32, #tpu.memory_space<vmem_shared>> -> memref<10112x128xf32, #tpu.memory_space<vmem_shared>>
        tpu.enqueue_indirect_dma source(%arg10 : memref<128x128xf32, #tpu.memory_space<vmem>>) target(%dma_start3A_77 : memref<10112x128xf32, #tpu.memory_space<vmem_shared>>) offsets(%dma_start3A_74 : memref<128xi32, #tpu.memory_space<vmem>>) semaphore(%run_scoped3A : memref<!tpu.dma_semaphore, #tpu.memory_space<semaphore_mem>>) {add = true}
        %dma_wait3A_78 = arith.constant 0 : i32
        %dma_wait3A_79 = tpu.memref_slice %arg8[%add3A_71, %dma_wait3A_78] : memref<40x128xi32, #tpu.memory_space<vmem>> -> memref<1x128xi32, #tpu.memory_space<vmem>>
        %dma_wait3A_80 = tpu.memref_squeeze %dma_wait3A_79 : memref<1x128xi32, #tpu.memory_space<vmem>> -> memref<128xi32, #tpu.memory_space<vmem>>
        %dma_wait3A_81 = arith.constant 0 : i32
        %dma_wait3A_82 = arith.constant 0 : i32
        %dma_wait3A_83 = tpu.memref_slice %arg11[%dma_wait3A_81, %dma_wait3A_82] : memref<10112x128xf32, #tpu.memory_space<vmem_shared>> -> memref<10112x128xf32, #tpu.memory_space<vmem_shared>>
        tpu.wait_indirect_dma semaphore(%run_scoped3A : memref<!tpu.dma_semaphore, #tpu.memory_space<semaphore_mem>>) src(%arg10 : memref<128x128xf32, #tpu.memory_space<vmem>>) dst(%dma_wait3A_83 : memref<10112x128xf32, #tpu.memory_space<vmem_shared>>)
        tpu.yield
      }) : () -> ()
    }
    %scan3A_34 = arith.constant 20 : i32
    %barrier3A_35 = arith.constant 0 : index
    tpu.barrier barrier_id(%barrier3A_35)
    %mul3A_36 = arith.constant 632 : i32
    %mul3A_37 = arith.muli %arg1, %mul3A_36 : i32
    %mul3A_38 = arith.constant 632 : i32
    %mul3A_39 = arith.muli %arg1, %mul3A_38 : i32
    "tpu.region"() ({
      %run_scoped3A = tpu.sem_alloc : memref<!tpu.dma_semaphore, #tpu.memory_space<semaphore_mem>>
      %dma_start3A_40 = arith.constant 0 : i32
      %dma_start3A_41 = tpu.memref_slice %arg6[%arg0, %mul3A_39, %dma_start3A_40] : memref<2x10112x128xf32, #tpu.memory_space<hbm>> -> memref<1x632x128xf32, #tpu.memory_space<hbm>>
      %dma_start3A_42 = tpu.memref_squeeze %dma_start3A_41 : memref<1x632x128xf32, #tpu.memory_space<hbm>> -> memref<632x128xf32, #tpu.memory_space<hbm>>
      %dma_start3A_43 = arith.constant 0 : i32
      %dma_start3A_44 = tpu.memref_slice %arg11[%mul3A_37, %dma_start3A_43] : memref<10112x128xf32, #tpu.memory_space<vmem_shared>> -> memref<632x128xf32, #tpu.memory_space<vmem_shared>>
      tpu.enqueue_dma source(%dma_start3A_44 : memref<632x128xf32, #tpu.memory_space<vmem_shared>>) target(%dma_start3A_42 : memref<632x128xf32, #tpu.memory_space<hbm>>) target_semaphore(%run_scoped3A : memref<!tpu.dma_semaphore, #tpu.memory_space<semaphore_mem>>)
      %dma_wait3A = arith.constant 0 : i32
      %dma_wait3A_45 = tpu.memref_slice %arg6[%arg0, %mul3A_39, %dma_wait3A] : memref<2x10112x128xf32, #tpu.memory_space<hbm>> -> memref<1x632x128xf32, #tpu.memory_space<hbm>>
      %dma_wait3A_46 = tpu.memref_squeeze %dma_wait3A_45 : memref<1x632x128xf32, #tpu.memory_space<hbm>> -> memref<632x128xf32, #tpu.memory_space<hbm>>
      %dma_wait3A_47 = arith.constant 0 : i32
      %dma_wait3A_48 = tpu.memref_slice %arg11[%mul3A_37, %dma_wait3A_47] : memref<10112x128xf32, #tpu.memory_space<vmem_shared>> -> memref<632x128xf32, #tpu.memory_space<vmem_shared>>
      tpu.wait_dma2 semaphore(%run_scoped3A : memref<!tpu.dma_semaphore, #tpu.memory_space<semaphore_mem>>) src(%dma_wait3A_48 : memref<632x128xf32, #tpu.memory_space<vmem_shared>>) dst(%dma_wait3A_46 : memref<632x128xf32, #tpu.memory_space<hbm>>)
      tpu.yield
    }) : () -> ()
    return
  }
}

module attributes {stable_mosaic.version = 14 : i64} {
  func.func @_embed_mms_body(%arg0: i32, %arg1: memref<1000x128xf32, #tpu.memory_space<vmem>>, %arg2: memref<128x128xf32, #tpu.memory_space<vmem>>, %arg3: memref<1x128xf32, #tpu.memory_space<vmem>>, %arg4: memref<128x128xf32, #tpu.memory_space<vmem>>, %arg5: memref<2x1000x128xf32, #tpu.memory_space<vmem>>, %arg6: memref<1000x128xf32, #tpu.memory_space<vmem>>, %arg7: memref<1000x128xf32, #tpu.memory_space<vmem>>) attributes {dimension_semantics = [#tpu.dimension_semantics<arbitrary>], iteration_bounds = array<i64: 10>, scalar_prefetch = 0 : i64, scratch_operands = 0 : i64, tpu.core_type = #tpu.core_type<tc>, window_params = [{transform_indices = @transform_0, window_bounds = array<i64: 1000, 128>}, {pipeline_mode = #tpu.pipeline_mode<synchronous>, transform_indices = @transform_1, window_bounds = array<i64: 128, 128>}, {pipeline_mode = #tpu.pipeline_mode<synchronous>, transform_indices = @transform_2, window_bounds = array<i64: 1, 128>}, {pipeline_mode = #tpu.pipeline_mode<synchronous>, transform_indices = @transform_3, window_bounds = array<i64: 128, 128>}, {transform_indices = @transform_4, window_bounds = array<i64: 2, 1000, 128>}, {transform_indices = @transform_5, window_bounds = array<i64: 1000, 128>}, {transform_indices = @transform_6, window_bounds = array<i64: 1000, 128>}]} {
    %get3A = arith.constant 0 : index
    %get3A_0 = arith.constant 0 : index
    %get3A_1 = vector.load %arg1[%get3A, %get3A_0] : memref<1000x128xf32, #tpu.memory_space<vmem>>, vector<1000x128xf32>
    %get3A_2 = arith.constant 0 : index
    %get3A_3 = arith.constant 0 : index
    %get3A_4 = vector.load %arg2[%get3A_2, %get3A_3] : memref<128x128xf32, #tpu.memory_space<vmem>>, vector<128x128xf32>
    %dot_general3A = arith.constant dense<0.000000e+00> : vector<1000x128xf32>
    %dot_general3A_5 = tpu.matmul %get3A_1, %get3A_4, %dot_general3A {dimension_numbers = #tpu.dot_dimension_numbers<[1], [0], [0], [1], [0, 0, 1, 1], [], []>, transpose_lhs_hint = false} : vector<1000x128xf32>, vector<128x128xf32>, vector<1000x128xf32> -> vector<1000x128xf32>
    %get3A_6 = arith.constant 0 : index
    %get3A_7 = arith.constant 0 : index
    %get3A_8 = vector.load %arg3[%get3A_6, %get3A_7] : memref<1x128xf32, #tpu.memory_space<vmem>>, vector<1x128xf32>
    %add3A = vector.broadcast %get3A_8 : vector<1x128xf32> to vector<1000x128xf32>
    %add3A_9 = arith.addf %dot_general3A_5, %add3A : vector<1000x128xf32>
    %swap3A = arith.constant 0 : index
    %swap3A_10 = arith.constant 0 : index
    %swap3A_11 = vector.load %arg6[%swap3A, %swap3A_10] : memref<1000x128xf32, #tpu.memory_space<vmem>>, vector<1000x128xf32>
    tpu.vector_store %arg6[%swap3A, %swap3A_10], %add3A_9 {strides = array<i32>} : memref<1000x128xf32, #tpu.memory_space<vmem>>, vector<1000x128xf32>,
    %get3A_12 = arith.constant 0 : index
    %get3A_13 = arith.constant 0 : index
    %get3A_14 = arith.constant 0 : index
    %get3A_15 = vector.load %arg5[%get3A_12, %get3A_13, %get3A_14] : memref<2x1000x128xf32, #tpu.memory_space<vmem>>, vector<1x1000x1xf32>
    %get3A_16 = vector.shape_cast %get3A_15 : vector<1x1000x1xf32> to vector<1000x1xf32>
    %get3A_17 = arith.constant 1 : index
    %get3A_18 = arith.constant 0 : index
    %get3A_19 = arith.constant 0 : index
    %get3A_20 = vector.load %arg5[%get3A_17, %get3A_18, %get3A_19] : memref<2x1000x128xf32, #tpu.memory_space<vmem>>, vector<1x1000x1xf32>
    %get3A_21 = vector.shape_cast %get3A_20 : vector<1x1000x1xf32> to vector<1000x1xf32>
    %add3A_22 = arith.addf %get3A_16, %get3A_21 : vector<1000x1xf32>
    %add3A_23 = arith.constant 1.000000e+00 : f32
    %add3A_24 = vector.broadcast %add3A_23 : f32 to vector<1000x1xf32>
    %add3A_25 = arith.addf %add3A_22, %add3A_24 : vector<1000x1xf32>
    %rsqrt3A = math.rsqrt %add3A_25 : vector<1000x1xf32>
    %get3A_26 = arith.constant 0 : index
    %get3A_27 = arith.constant 0 : index
    %get3A_28 = vector.load %arg4[%get3A_26, %get3A_27] : memref<128x128xf32, #tpu.memory_space<vmem>>, vector<128x128xf32>
    %dot_general3A_29 = arith.constant dense<0.000000e+00> : vector<1000x128xf32>
    %dot_general3A_30 = tpu.matmul %add3A_9, %get3A_28, %dot_general3A_29 {dimension_numbers = #tpu.dot_dimension_numbers<[1], [0], [0], [1], [0, 0, 1, 1], [], []>, transpose_lhs_hint = false} : vector<1000x128xf32>, vector<128x128xf32>, vector<1000x128xf32> -> vector<1000x128xf32>
    %mul3A = vector.broadcast %rsqrt3A : vector<1000x1xf32> to vector<1000x128xf32>
    %mul3A_31 = arith.mulf %dot_general3A_30, %mul3A : vector<1000x128xf32>
    %swap3A_32 = arith.constant 0 : index
    %swap3A_33 = arith.constant 0 : index
    %swap3A_34 = vector.load %arg7[%swap3A_32, %swap3A_33] : memref<1000x128xf32, #tpu.memory_space<vmem>>, vector<1000x128xf32>
    tpu.vector_store %arg7[%swap3A_32, %swap3A_33], %mul3A_31 {strides = array<i32>} : memref<1000x128xf32, #tpu.memory_space<vmem>>, vector<1000x128xf32>,
    return
  }
  func.func @transform_0(%arg0: i32) -> (i32, i32) {
    %c0_i32 = arith.constant 0 : i32
    %c0_i32_0 = arith.constant 0 : i32
    return %arg0, %c0_i32 : i32, i32
  }
  func.func @transform_1(%arg0: i32) -> (i32, i32) {
    %c0_i32 = arith.constant 0 : i32
    %c0_i32_0 = arith.constant 0 : i32
    %c0_i32_1 = arith.constant 0 : i32
    return %c0_i32, %c0_i32_0 : i32, i32
  }
  func.func @transform_2(%arg0: i32) -> (i32, i32) {
    %c0_i32 = arith.constant 0 : i32
    %c0_i32_0 = arith.constant 0 : i32
    %c0_i32_1 = arith.constant 0 : i32
    return %c0_i32, %c0_i32_0 : i32, i32
  }
  func.func @transform_3(%arg0: i32) -> (i32, i32) {
    %c0_i32 = arith.constant 0 : i32
    %c0_i32_0 = arith.constant 0 : i32
    %c0_i32_1 = arith.constant 0 : i32
    return %c0_i32, %c0_i32_0 : i32, i32
  }
  func.func @transform_4(%arg0: i32) -> (i32, i32, i32) {
    %c0_i32 = arith.constant 0 : i32
    %c0_i32_0 = arith.constant 0 : i32
    %c0_i32_1 = arith.constant 0 : i32
    return %c0_i32, %arg0, %c0_i32_0 : i32, i32, i32
  }
  func.func @transform_5(%arg0: i32) -> (i32, i32) {
    %c0_i32 = arith.constant 0 : i32
    %c0_i32_0 = arith.constant 0 : i32
    return %arg0, %c0_i32 : i32, i32
  }
  func.func @transform_6(%arg0: i32) -> (i32, i32) {
    %c0_i32 = arith.constant 0 : i32
    %c0_i32_0 = arith.constant 0 : i32
    return %arg0, %c0_i32 : i32, i32
  }
}

module attributes {stable_mosaic.version = 14 : i64} {
  func.func @_post_mms_body(%arg0: memref<10000x128xf32, #tpu.memory_space<vmem>>, %arg1: memref<10000x128xf32, #tpu.memory_space<vmem>>, %arg2: memref<2x10112x128xf32, #tpu.memory_space<vmem>>, %arg3: memref<2x10112x128xf32, #tpu.memory_space<vmem>>, %arg4: memref<1x128xf32, #tpu.memory_space<vmem>>, %arg5: memref<1x128xf32, #tpu.memory_space<vmem>>, %arg6: memref<1x128xf32, #tpu.memory_space<vmem>>, %arg7: memref<128x128xf32, #tpu.memory_space<vmem>>, %arg8: memref<10000x128xf32, #tpu.memory_space<vmem>>, %arg9: memref<10000x128xf32, #tpu.memory_space<vmem>>) attributes {dimension_semantics = [], scalar_prefetch = 0 : i64, scratch_operands = 0 : i64, tpu.core_type = #tpu.core_type<tc>} {
    %get3A = arith.constant 0 : index
    %get3A_0 = arith.constant 0 : index
    %get3A_1 = arith.constant 0 : index
    %get3A_2 = vector.load %arg3[%get3A, %get3A_0, %get3A_1] : memref<2x10112x128xf32, #tpu.memory_space<vmem>>, vector<1x10000x1xf32>
    %get3A_3 = vector.shape_cast %get3A_2 : vector<1x10000x1xf32> to vector<10000x1xf32>
    %get3A_4 = arith.constant 1 : index
    %get3A_5 = arith.constant 0 : index
    %get3A_6 = arith.constant 0 : index
    %get3A_7 = vector.load %arg3[%get3A_4, %get3A_5, %get3A_6] : memref<2x10112x128xf32, #tpu.memory_space<vmem>>, vector<1x10000x1xf32>
    %get3A_8 = vector.shape_cast %get3A_7 : vector<1x10000x1xf32> to vector<10000x1xf32>
    %add3A = arith.addf %get3A_3, %get3A_8 : vector<10000x1xf32>
    %add3A_9 = arith.constant 1.000000e+00 : f32
    %add3A_10 = vector.broadcast %add3A_9 : f32 to vector<10000x1xf32>
    %add3A_11 = arith.addf %add3A, %add3A_10 : vector<10000x1xf32>
    %rsqrt3A = math.rsqrt %add3A_11 : vector<10000x1xf32>
    %get3A_12 = arith.constant 0 : index
    %get3A_13 = arith.constant 0 : index
    %get3A_14 = arith.constant 0 : index
    %get3A_15 = vector.load %arg2[%get3A_12, %get3A_13, %get3A_14] : memref<2x10112x128xf32, #tpu.memory_space<vmem>>, vector<1x10000x128xf32>
    %get3A_16 = vector.shape_cast %get3A_15 : vector<1x10000x128xf32> to vector<10000x128xf32>
    %get3A_17 = arith.constant 1 : index
    %get3A_18 = arith.constant 0 : index
    %get3A_19 = arith.constant 0 : index
    %get3A_20 = vector.load %arg2[%get3A_17, %get3A_18, %get3A_19] : memref<2x10112x128xf32, #tpu.memory_space<vmem>>, vector<1x10000x128xf32>
    %get3A_21 = vector.shape_cast %get3A_20 : vector<1x10000x128xf32> to vector<10000x128xf32>
    %add3A_22 = arith.addf %get3A_16, %get3A_21 : vector<10000x128xf32>
    %get3A_23 = arith.constant 0 : index
    %get3A_24 = arith.constant 0 : index
    %get3A_25 = vector.load %arg1[%get3A_23, %get3A_24] : memref<10000x128xf32, #tpu.memory_space<vmem>>, vector<10000x128xf32>
    %add3A_26 = arith.addf %add3A_22, %get3A_25 : vector<10000x128xf32>
    %mul3A = vector.broadcast %rsqrt3A : vector<10000x1xf32> to vector<10000x128xf32>
    %mul3A_27 = arith.mulf %add3A_26, %mul3A : vector<10000x128xf32>
    %get3A_28 = arith.constant 0 : index
    %get3A_29 = arith.constant 0 : index
    %get3A_30 = vector.load %arg4[%get3A_28, %get3A_29] : memref<1x128xf32, #tpu.memory_space<vmem>>, vector<1x128xf32>
    %add3A_31 = vector.broadcast %get3A_30 : vector<1x128xf32> to vector<10000x128xf32>
    %add3A_32 = arith.addf %mul3A_27, %add3A_31 : vector<10000x128xf32>
    %reduce_sum3A = arith.constant dense<0.000000e+00> : vector<128xf32>
    %reduce_sum3A_33 = vector.multi_reduction <add>, %add3A_32, %reduce_sum3A [0] : vector<10000x128xf32> to vector<128xf32>
    %broadcast_in_dim3A = vector.shape_cast %reduce_sum3A_33 : vector<128xf32> to vector<1x128xf32>
    %div3A = arith.constant 1.000000e+04 : f32
    %div3A_34 = vector.broadcast %div3A : f32 to vector<1x128xf32>
    %div3A_35 = arith.divf %broadcast_in_dim3A, %div3A_34 : vector<1x128xf32>
    %sub3A = vector.broadcast %div3A_35 : vector<1x128xf32> to vector<10000x128xf32>
    %sub3A_36 = arith.subf %add3A_32, %sub3A : vector<10000x128xf32>
    %integer_pow3A = arith.mulf %sub3A_36, %sub3A_36 : vector<10000x128xf32>
    %reduce_sum3A_37 = arith.constant dense<0.000000e+00> : vector<128xf32>
    %reduce_sum3A_38 = vector.multi_reduction <add>, %integer_pow3A, %reduce_sum3A_37 [0] : vector<10000x128xf32> to vector<128xf32>
    %broadcast_in_dim3A_39 = vector.shape_cast %reduce_sum3A_38 : vector<128xf32> to vector<1x128xf32>
    %div3A_40 = arith.constant 1.000000e+04 : f32
    %div3A_41 = vector.broadcast %div3A_40 : f32 to vector<1x128xf32>
    %div3A_42 = arith.divf %broadcast_in_dim3A_39, %div3A_41 : vector<1x128xf32>
    %sub3A_43 = vector.broadcast %div3A_35 : vector<1x128xf32> to vector<10000x128xf32>
    %sub3A_44 = arith.subf %add3A_32, %sub3A_43 : vector<10000x128xf32>
    %add3A_45 = arith.constant 9.99999974E-6 : f32
    %add3A_46 = vector.broadcast %add3A_45 : f32 to vector<1x128xf32>
    %add3A_47 = arith.addf %div3A_42, %add3A_46 : vector<1x128xf32>
    %rsqrt3A_48 = math.rsqrt %add3A_47 : vector<1x128xf32>
    %mul3A_49 = vector.broadcast %rsqrt3A_48 : vector<1x128xf32> to vector<10000x128xf32>
    %mul3A_50 = arith.mulf %sub3A_44, %mul3A_49 : vector<10000x128xf32>
    %get3A_51 = arith.constant 0 : index
    %get3A_52 = arith.constant 0 : index
    %get3A_53 = vector.load %arg5[%get3A_51, %get3A_52] : memref<1x128xf32, #tpu.memory_space<vmem>>, vector<1x128xf32>
    %mul3A_54 = vector.broadcast %get3A_53 : vector<1x128xf32> to vector<10000x128xf32>
    %mul3A_55 = arith.mulf %mul3A_50, %mul3A_54 : vector<10000x128xf32>
    %get3A_56 = arith.constant 0 : index
    %get3A_57 = arith.constant 0 : index
    %get3A_58 = vector.load %arg6[%get3A_56, %get3A_57] : memref<1x128xf32, #tpu.memory_space<vmem>>, vector<1x128xf32>
    %add3A_59 = vector.broadcast %get3A_58 : vector<1x128xf32> to vector<10000x128xf32>
    %add3A_60 = arith.addf %mul3A_55, %add3A_59 : vector<10000x128xf32>
    %get3A_61 = arith.constant 0 : index
    %get3A_62 = arith.constant 0 : index
    %get3A_63 = vector.load %arg0[%get3A_61, %get3A_62] : memref<10000x128xf32, #tpu.memory_space<vmem>>, vector<10000x128xf32>
    %max3A = arith.constant 0.000000e+00 : f32
    %max3A_64 = vector.broadcast %max3A : f32 to vector<10000x128xf32>
    %max3A_65 = arith.maximumf %add3A_60, %max3A_64 : vector<10000x128xf32>
    %add3A_66 = arith.addf %get3A_63, %max3A_65 : vector<10000x128xf32>
    %swap3A = arith.constant 0 : index
    %swap3A_67 = arith.constant 0 : index
    %swap3A_68 = vector.load %arg8[%swap3A, %swap3A_67] : memref<10000x128xf32, #tpu.memory_space<vmem>>, vector<10000x128xf32>
    tpu.vector_store %arg8[%swap3A, %swap3A_67], %add3A_66 {strides = array<i32>} : memref<10000x128xf32, #tpu.memory_space<vmem>>, vector<10000x128xf32>,
    %get3A_69 = arith.constant 0 : index
    %get3A_70 = arith.constant 0 : index
    %get3A_71 = vector.load %arg7[%get3A_69, %get3A_70] : memref<128x128xf32, #tpu.memory_space<vmem>>, vector<128x128xf32>
    %dot_general3A = arith.constant dense<0.000000e+00> : vector<10000x128xf32>
    %dot_general3A_72 = tpu.matmul %add3A_66, %get3A_71, %dot_general3A {dimension_numbers = #tpu.dot_dimension_numbers<[1], [0], [0], [1], [0, 0, 1, 1], [], []>, transpose_lhs_hint = false} : vector<10000x128xf32>, vector<128x128xf32>, vector<10000x128xf32> -> vector<10000x128xf32>
    %mul3A_73 = vector.broadcast %rsqrt3A : vector<10000x1xf32> to vector<10000x128xf32>
    %mul3A_74 = arith.mulf %dot_general3A_72, %mul3A_73 : vector<10000x128xf32>
    %swap3A_75 = arith.constant 0 : index
    %swap3A_76 = arith.constant 0 : index
    %swap3A_77 = vector.load %arg9[%swap3A_75, %swap3A_76] : memref<10000x128xf32, #tpu.memory_space<vmem>>, vector<10000x128xf32>
    tpu.vector_store %arg9[%swap3A_75, %swap3A_76], %mul3A_74 {strides = array<i32>} : memref<10000x128xf32, #tpu.memory_space<vmem>>, vector<10000x128xf32>,
    return
  }
}

module attributes {stable_mosaic.version = 14 : i64} {
  func.func @_post_pool_body(%arg0: memref<10000x128xf32, #tpu.memory_space<vmem>>, %arg1: memref<10000x128xf32, #tpu.memory_space<vmem>>, %arg2: memref<2x10112x128xf32, #tpu.memory_space<vmem>>, %arg3: memref<2x10112x128xf32, #tpu.memory_space<vmem>>, %arg4: memref<1x128xf32, #tpu.memory_space<vmem>>, %arg5: memref<1x128xf32, #tpu.memory_space<vmem>>, %arg6: memref<1x128xf32, #tpu.memory_space<vmem>>, %arg7: memref<1x10000xi32, #tpu.memory_space<vmem>>, %arg8: memref<128x64xf32, #tpu.memory_space<vmem>>, %arg9: memref<1x64xf32, #tpu.memory_space<vmem>>, %arg10: memref<64x32xf32, #tpu.memory_space<vmem>>, %arg11: memref<1x32xf32, #tpu.memory_space<vmem>>, %arg12: memref<32x128xf32, #tpu.memory_space<vmem>>, %arg13: memref<1x128xf32, #tpu.memory_space<vmem>>, %arg14: memref<64x128xf32, #tpu.memory_space<vmem>>) attributes {dimension_semantics = [], scalar_prefetch = 0 : i64, scratch_operands = 0 : i64, tpu.core_type = #tpu.core_type<tc>} {
    %get3A = arith.constant 0 : index
    %get3A_0 = arith.constant 0 : index
    %get3A_1 = arith.constant 0 : index
    %get3A_2 = vector.load %arg3[%get3A, %get3A_0, %get3A_1] : memref<2x10112x128xf32, #tpu.memory_space<vmem>>, vector<1x10000x1xf32>
    %get3A_3 = vector.shape_cast %get3A_2 : vector<1x10000x1xf32> to vector<10000x1xf32>
    %get3A_4 = arith.constant 1 : index
    %get3A_5 = arith.constant 0 : index
    %get3A_6 = arith.constant 0 : index
    %get3A_7 = vector.load %arg3[%get3A_4, %get3A_5, %get3A_6] : memref<2x10112x128xf32, #tpu.memory_space<vmem>>, vector<1x10000x1xf32>
    %get3A_8 = vector.shape_cast %get3A_7 : vector<1x10000x1xf32> to vector<10000x1xf32>
    %add3A = arith.addf %get3A_3, %get3A_8 : vector<10000x1xf32>
    %add3A_9 = arith.constant 1.000000e+00 : f32
    %add3A_10 = vector.broadcast %add3A_9 : f32 to vector<10000x1xf32>
    %add3A_11 = arith.addf %add3A, %add3A_10 : vector<10000x1xf32>
    %rsqrt3A = math.rsqrt %add3A_11 : vector<10000x1xf32>
    %get3A_12 = arith.constant 0 : index
    %get3A_13 = arith.constant 0 : index
    %get3A_14 = arith.constant 0 : index
    %get3A_15 = vector.load %arg2[%get3A_12, %get3A_13, %get3A_14] : memref<2x10112x128xf32, #tpu.memory_space<vmem>>, vector<1x10000x128xf32>
    %get3A_16 = vector.shape_cast %get3A_15 : vector<1x10000x128xf32> to vector<10000x128xf32>
    %get3A_17 = arith.constant 1 : index
    %get3A_18 = arith.constant 0 : index
    %get3A_19 = arith.constant 0 : index
    %get3A_20 = vector.load %arg2[%get3A_17, %get3A_18, %get3A_19] : memref<2x10112x128xf32, #tpu.memory_space<vmem>>, vector<1x10000x128xf32>
    %get3A_21 = vector.shape_cast %get3A_20 : vector<1x10000x128xf32> to vector<10000x128xf32>
    %add3A_22 = arith.addf %get3A_16, %get3A_21 : vector<10000x128xf32>
    %get3A_23 = arith.constant 0 : index
    %get3A_24 = arith.constant 0 : index
    %get3A_25 = vector.load %arg1[%get3A_23, %get3A_24] : memref<10000x128xf32, #tpu.memory_space<vmem>>, vector<10000x128xf32>
    %add3A_26 = arith.addf %add3A_22, %get3A_25 : vector<10000x128xf32>
    %mul3A = vector.broadcast %rsqrt3A : vector<10000x1xf32> to vector<10000x128xf32>
    %mul3A_27 = arith.mulf %add3A_26, %mul3A : vector<10000x128xf32>
    %get3A_28 = arith.constant 0 : index
    %get3A_29 = arith.constant 0 : index
    %get3A_30 = vector.load %arg4[%get3A_28, %get3A_29] : memref<1x128xf32, #tpu.memory_space<vmem>>, vector<1x128xf32>
    %add3A_31 = vector.broadcast %get3A_30 : vector<1x128xf32> to vector<10000x128xf32>
    %add3A_32 = arith.addf %mul3A_27, %add3A_31 : vector<10000x128xf32>
    %reduce_sum3A = arith.constant dense<0.000000e+00> : vector<128xf32>
    %reduce_sum3A_33 = vector.multi_reduction <add>, %add3A_32, %reduce_sum3A [0] : vector<10000x128xf32> to vector<128xf32>
    %broadcast_in_dim3A = vector.shape_cast %reduce_sum3A_33 : vector<128xf32> to vector<1x128xf32>
    %div3A = arith.constant 1.000000e+04 : f32
    %div3A_34 = vector.broadcast %div3A : f32 to vector<1x128xf32>
    %div3A_35 = arith.divf %broadcast_in_dim3A, %div3A_34 : vector<1x128xf32>
    %sub3A = vector.broadcast %div3A_35 : vector<1x128xf32> to vector<10000x128xf32>
    %sub3A_36 = arith.subf %add3A_32, %sub3A : vector<10000x128xf32>
    %integer_pow3A = arith.mulf %sub3A_36, %sub3A_36 : vector<10000x128xf32>
    %reduce_sum3A_37 = arith.constant dense<0.000000e+00> : vector<128xf32>
    %reduce_sum3A_38 = vector.multi_reduction <add>, %integer_pow3A, %reduce_sum3A_37 [0] : vector<10000x128xf32> to vector<128xf32>
    %broadcast_in_dim3A_39 = vector.shape_cast %reduce_sum3A_38 : vector<128xf32> to vector<1x128xf32>
    %div3A_40 = arith.constant 1.000000e+04 : f32
    %div3A_41 = vector.broadcast %div3A_40 : f32 to vector<1x128xf32>
    %div3A_42 = arith.divf %broadcast_in_dim3A_39, %div3A_41 : vector<1x128xf32>
    %sub3A_43 = vector.broadcast %div3A_35 : vector<1x128xf32> to vector<10000x128xf32>
    %sub3A_44 = arith.subf %add3A_32, %sub3A_43 : vector<10000x128xf32>
    %add3A_45 = arith.constant 9.99999974E-6 : f32
    %add3A_46 = vector.broadcast %add3A_45 : f32 to vector<1x128xf32>
    %add3A_47 = arith.addf %div3A_42, %add3A_46 : vector<1x128xf32>
    %rsqrt3A_48 = math.rsqrt %add3A_47 : vector<1x128xf32>
    %mul3A_49 = vector.broadcast %rsqrt3A_48 : vector<1x128xf32> to vector<10000x128xf32>
    %mul3A_50 = arith.mulf %sub3A_44, %mul3A_49 : vector<10000x128xf32>
    %get3A_51 = arith.constant 0 : index
    %get3A_52 = arith.constant 0 : index
    %get3A_53 = vector.load %arg5[%get3A_51, %get3A_52] : memref<1x128xf32, #tpu.memory_space<vmem>>, vector<1x128xf32>
    %mul3A_54 = vector.broadcast %get3A_53 : vector<1x128xf32> to vector<10000x128xf32>
    %mul3A_55 = arith.mulf %mul3A_50, %mul3A_54 : vector<10000x128xf32>
    %get3A_56 = arith.constant 0 : index
    %get3A_57 = arith.constant 0 : index
    %get3A_58 = vector.load %arg6[%get3A_56, %get3A_57] : memref<1x128xf32, #tpu.memory_space<vmem>>, vector<1x128xf32>
    %add3A_59 = vector.broadcast %get3A_58 : vector<1x128xf32> to vector<10000x128xf32>
    %add3A_60 = arith.addf %mul3A_55, %add3A_59 : vector<10000x128xf32>
    %get3A_61 = arith.constant 0 : index
    %get3A_62 = arith.constant 0 : index
    %get3A_63 = vector.load %arg0[%get3A_61, %get3A_62] : memref<10000x128xf32, #tpu.memory_space<vmem>>, vector<10000x128xf32>
    %max3A = arith.constant 0.000000e+00 : f32
    %max3A_64 = vector.broadcast %max3A : f32 to vector<10000x128xf32>
    %max3A_65 = arith.maximumf %add3A_60, %max3A_64 : vector<10000x128xf32>
    %add3A_66 = arith.addf %get3A_63, %max3A_65 : vector<10000x128xf32>
    %iota3A = tpu.iota {dimensions = array<i32: 0>} : vector<64x10000xi32>
    %get3A_67 = arith.constant 0 : index
    %get3A_68 = arith.constant 0 : index
    %get3A_69 = vector.load %arg7[%get3A_67, %get3A_68] : memref<1x10000xi32, #tpu.memory_space<vmem>>, vector<1x10000xi32>
    %eq3A = vector.broadcast %get3A_69 : vector<1x10000xi32> to vector<64x10000xi32>
    %eq3A_70 = arith.cmpi eq, %eq3A, %iota3A : vector<64x10000xi32>
    %convert_element_type3A = arith.extui %eq3A_70 : vector<64x10000xi1> to vector<64x10000xi32>
    %convert_element_type3A_71 = arith.sitofp %convert_element_type3A : vector<64x10000xi32> to vector<64x10000xf32>
    %dot_general3A = arith.constant dense<0.000000e+00> : vector<64x128xf32>
    %dot_general3A_72 = tpu.matmul %convert_element_type3A_71, %add3A_66, %dot_general3A {dimension_numbers = #tpu.dot_dimension_numbers<[1], [0], [0], [1], [0, 0, 1, 1], [], []>, transpose_lhs_hint = false} : vector<64x10000xf32>, vector<10000x128xf32>, vector<64x128xf32> -> vector<64x128xf32>
    %reduce_sum3A_73 = arith.constant dense<0.000000e+00> : vector<64xf32>
    %reduce_sum3A_74 = vector.multi_reduction <add>, %convert_element_type3A_71, %reduce_sum3A_73 [1] : vector<64x10000xf32> to vector<64xf32>
    %broadcast_in_dim3A_75 = vector.shape_cast %reduce_sum3A_74 : vector<64xf32> to vector<64x1xf32>
    %max3A_76 = arith.constant 1.000000e+00 : f32
    %max3A_77 = vector.broadcast %max3A_76 : f32 to vector<64x1xf32>
    %max3A_78 = arith.maximumf %broadcast_in_dim3A_75, %max3A_77 : vector<64x1xf32>
    %div3A_79 = vector.broadcast %max3A_78 : vector<64x1xf32> to vector<64x128xf32>
    %div3A_80 = arith.divf %dot_general3A_72, %div3A_79 : vector<64x128xf32>
    %get3A_81 = arith.constant 0 : index
    %get3A_82 = arith.constant 0 : index
    %get3A_83 = vector.load %arg8[%get3A_81, %get3A_82] : memref<128x64xf32, #tpu.memory_space<vmem>>, vector<128x64xf32>
    %dot_general3A_84 = arith.constant dense<0.000000e+00> : vector<64x64xf32>
    %dot_general3A_85 = tpu.matmul %div3A_80, %get3A_83, %dot_general3A_84 {dimension_numbers = #tpu.dot_dimension_numbers<[1], [0], [0], [1], [0, 0, 1, 1], [], []>, transpose_lhs_hint = false} : vector<64x128xf32>, vector<128x64xf32>, vector<64x64xf32> -> vector<64x64xf32>
    %get3A_86 = arith.constant 0 : index
    %get3A_87 = arith.constant 0 : index
    %get3A_88 = vector.load %arg9[%get3A_86, %get3A_87] : memref<1x64xf32, #tpu.memory_space<vmem>>, vector<1x64xf32>
    %add3A_89 = vector.broadcast %get3A_88 : vector<1x64xf32> to vector<64x64xf32>
    %add3A_90 = arith.addf %dot_general3A_85, %add3A_89 : vector<64x64xf32>
    %max3A_91 = arith.constant 0.000000e+00 : f32
    %max3A_92 = vector.broadcast %max3A_91 : f32 to vector<64x64xf32>
    %max3A_93 = arith.maximumf %add3A_90, %max3A_92 : vector<64x64xf32>
    %get3A_94 = arith.constant 0 : index
    %get3A_95 = arith.constant 0 : index
    %get3A_96 = vector.load %arg10[%get3A_94, %get3A_95] : memref<64x32xf32, #tpu.memory_space<vmem>>, vector<64x32xf32>
    %dot_general3A_97 = arith.constant dense<0.000000e+00> : vector<64x32xf32>
    %dot_general3A_98 = tpu.matmul %max3A_93, %get3A_96, %dot_general3A_97 {dimension_numbers = #tpu.dot_dimension_numbers<[1], [0], [0], [1], [0, 0, 1, 1], [], []>, transpose_lhs_hint = false} : vector<64x64xf32>, vector<64x32xf32>, vector<64x32xf32> -> vector<64x32xf32>
    %get3A_99 = arith.constant 0 : index
    %get3A_100 = arith.constant 0 : index
    %get3A_101 = vector.load %arg11[%get3A_99, %get3A_100] : memref<1x32xf32, #tpu.memory_space<vmem>>, vector<1x32xf32>
    %add3A_102 = vector.broadcast %get3A_101 : vector<1x32xf32> to vector<64x32xf32>
    %add3A_103 = arith.addf %dot_general3A_98, %add3A_102 : vector<64x32xf32>
    %max3A_104 = arith.constant 0.000000e+00 : f32
    %max3A_105 = vector.broadcast %max3A_104 : f32 to vector<64x32xf32>
    %max3A_106 = arith.maximumf %add3A_103, %max3A_105 : vector<64x32xf32>
    %get3A_107 = arith.constant 0 : index
    %get3A_108 = arith.constant 0 : index
    %get3A_109 = vector.load %arg12[%get3A_107, %get3A_108] : memref<32x128xf32, #tpu.memory_space<vmem>>, vector<32x128xf32>
    %dot_general3A_110 = arith.constant dense<0.000000e+00> : vector<64x128xf32>
    %dot_general3A_111 = tpu.matmul %max3A_106, %get3A_109, %dot_general3A_110 {dimension_numbers = #tpu.dot_dimension_numbers<[1], [0], [0], [1], [0, 0, 1, 1], [], []>, transpose_lhs_hint = false} : vector<64x32xf32>, vector<32x128xf32>, vector<64x128xf32> -> vector<64x128xf32>
    %get3A_112 = arith.constant 0 : index
    %get3A_113 = arith.constant 0 : index
    %get3A_114 = vector.load %arg13[%get3A_112, %get3A_113] : memref<1x128xf32, #tpu.memory_space<vmem>>, vector<1x128xf32>
    %add3A_115 = vector.broadcast %get3A_114 : vector<1x128xf32> to vector<64x128xf32>
    %add3A_116 = arith.addf %dot_general3A_111, %add3A_115 : vector<64x128xf32>
    %swap3A = arith.constant 0 : index
    %swap3A_117 = arith.constant 0 : index
    %swap3A_118 = vector.load %arg14[%swap3A, %swap3A_117] : memref<64x128xf32, #tpu.memory_space<vmem>>, vector<64x128xf32>
    tpu.vector_store %arg14[%swap3A, %swap3A_117], %add3A_116 {strides = array<i32>} : memref<64x128xf32, #tpu.memory_space<vmem>>, vector<64x128xf32>,
    return
  }
}

</mosaic_0001>

<sc_bundles>
// kernel: kernel.10.cloned.1.call-start
scs
__scs_entry_jumppad:
0x0: {  	(pc) =	sbr.rel $0x88, $3  }
0x1: {  	(tag) =	ssettag $0x0;
	lr =	simm.s32 $0x1  }
0x2: {  	[smem:$0x3F8A] =	sst lr;
	_ =	strace $0xD0000000  }
0x3: {  	_ = 	snop  }
0x4: {  	_ = 	snop  }
0x5: {  	_ = 	snop  }
0x6: {  	_ = 	snop  }
0x7: {  	_ = 	snop  }
__scs_overlays_trampoline_lowered:
0x8: {  	[smem:$0x3F99] =	sst s0  }
0x9: {  	[smem:$0x3F9A] =	sst s1  }
0xa: {  	[smem:$0x3F9B] =	sst s2  }
0xb: {  	[smem:$0x3F9C] =	sst s3  }
0xc: {  	[smem:$0x3F9D] =	sst s4  }
0xd: {  	[smem:$0x3F9E] =	sst s5  }
0xe: {  	[smem:$0x3F9F] =	sst s6  }
0xf: {  	[smem:$0x3FA0] =	sst s7  }
0x10: {  	[smem:$0x3FA1] =	sst s8  }
0x11: {  	[smem:$0x3FA2] =	sst s9;
	s0 =	simm.s32 @!p0 $0x0  }
0x12: {  	s1 =	sld [smem:$0x3F88];
	s0 =	simm.s32 @p0 $0x1  }
0x13: {  	[smem:$0x3FA3] =	sst s0;
	s0 =	simm.s32 @!p1 $0x0  }
0x14: {  	s2 =	sld [smem:$0x3F87];
	s0 =	simm.s32 @p1 $0x1  }
0x15: {  	[smem:$0x3FA4] =	sst s0;
	s0 =	simm.s32 @!p2 $0x0  }
0x16: {  	s3 =	sld [smem:$0x3FDB];
	s0 =	simm.s32 @p2 $0x1  }
0x17: {  	s4 =	simm.s32 $0x1BF5;
	[smem:$0x3FA6] =	sst s0  }
0x18: {  	s0 =	sld [smem:$0x3F89];
	_ =	swait.ge [sflag:s4], $0x0  }
0x19: {  	s7 =	sld [smem:$0x3F8A]  }
0x1a: {  	s8 =	sadd.s32 $0xFFFFE003, lr  }
0x1b: {  	s9 =	sadd.s32 $0xFFFFFEF7, lr;
	s5 =	simm.s32 $0xFFFFFFFF;
	p2 =	slt.u32 s8, $0xFFFFF086  }
0x1c: {  	p1 =	slt.u32 s9, $0xF7A;
	s5 =	simm.s32 @!p2 $0x0  }
0x1d: {  	s5 =	simm.s32 @p1 $0x1;
	p0 =	seq.s32 s7, s2  }
0x1e: {  	s7 =	smul.u32 @!p0 $0xF7A, s2;
	p2 =	seq.s32 @!p0 s5, $0x0  }
0x1f: {  	s9 =	smul.u32 $0xF7A, s1;
	s8 =	simm.s32 @!p0 $0x1BF5;
	p2 =	por !p2, p0  }
0x20: {  	[sflag:s8] =	ssyncset.s32 @!p0 $0xFFFFF086;
	s6 =	sadd.s32 @!p0 s3, s7;
	s7 =	simm.s32 @!p0 $0x108  }
0x21: {  	s3 =	sadd.s32 s3, s9;
	s6 =	sadd.s32 @!p0 $0x88, s6;
	s7 =	simm.s32 @p2 $0x1082  }
0x22: {  	[simem:s7], [sflag:s8] =	dma.local @!p0 [hbm:s6], $0xF7A  }
0x23: {  	s9 =	sor.u32 $0xD0000000, s2;
	s6 =	simm.s32 $0x108;
	_ =	swait.ge @!p0 [sflag:s8], $0x0  }
0x24: {  	s3 =	sadd.s32 $0x88, s3;
	s6 =	simm.s32 @!p1 $0x1082;
	[sflag:s4] =	ssyncset.s32 $0xFFFFF086  }
0x25: {  	[simem:s6], [sflag:s4] =	dma.local [hbm:s3], $0xF7A  }
0x26: {  	[smem:$0x3F8A] =	sst s1;
	(tag) =	ssettag s2;
	_ =	strace s9  }
0x27: {  	s1 =	sld [smem:$0x3F9A]  }
0x28: {  	s2 =	sld [smem:$0x3F9B]  }
0x29: {  	s4 =	sld [smem:$0x3F9D]  }
0x2a: {  	p0 =	seq.s32 s5, $0x0;
	s5 =	sld [smem:$0x3F9E]  }
0x2b: {  	s6 =	sld [smem:$0x3F9F]  }
0x2c: {  	s7 =	sld [smem:$0x3FA0]  }
0x2d: {  	s3 =	simm.s32 $0x108;
	s8 =	sld [smem:$0x3FA1]  }
0x2e: {  	s3 =	simm.s32 @!p0 $0x1082;
	s9 =	sld [smem:$0x3FA2]  }
0x2f: {  	lr =	sadd.s32 s0, s3;
	s0 =	sld [smem:$0x3F99]  }
0x30: {  	s3 =	sld [smem:$0x3F9C]  }
0x31: {  	[smem:$0x3FA5] =	sst s10  }
0x32: {  	s10 =	sld [smem:$0x3FA3];
	_ =	sdelay $0x3  }
0x33: {  	p0 =	seq.s32 s10, $0x1;
	s10 =	sld [smem:$0x3FA5];
	_ =	sdelay $0x3  }
0x34: {  	[smem:$0x3FA5] =	sst s10  }
0x35: {  	s10 =	sld [smem:$0x3FA4];
	_ =	sdelay $0x3  }
0x36: {  	p1 =	seq.s32 s10, $0x1;
	s10 =	sld [smem:$0x3FA5];
	_ =	sdelay $0x3  }
0x37: {  	[smem:$0x3FA5] =	sst s10  }
0x38: {  	s10 =	sld [smem:$0x3FA6]  }
0x39: {  	_ = 	snop;
	(pc) =	sbr.ind lr, $3  }
0x3a: {  	_ = 	snop  }
0x3b: {  	_ = 	snop  }
0x3c: {  	p2 =	seq.s32 s10, $0x1;
	s10 =	sld [smem:$0x3FA5]  }
0x3d: {  	_ =	shalt  }
0x3e: {  	_ =	shalt  }
0x3f: {  	_ =	shalt  }
0x40: {  	_ =	shalt  }
0x41: {  	_ =	shalt  }
0x42: {  	_ =	shalt  }
0x43: {  	_ =	shalt  }
0x44: {  	_ =	shalt  }
0x45: {  	_ =	shalt  }
0x46: {  	_ =	shalt  }
0x47: {  	_ =	shalt  }
0x48: {  	_ =	shalt  }
0x49: {  	_ =	shalt  }
0x4a: {  	_ =	shalt  }
0x4b: {  	_ =	shalt  }
0x4c: {  	_ =	shalt  }
0x4d: {  	_ =	shalt  }
0x4e: {  	_ =	shalt  }
0x4f: {  	_ =	shalt  }
0x50: {  	_ =	shalt  }
0x51: {  	_ =	shalt  }
0x52: {  	_ =	shalt  }
0x53: {  	_ =	shalt  }
0x54: {  	_ =	shalt  }
0x55: {  	_ =	shalt  }
0x56: {  	_ =	shalt  }
0x57: {  	_ =	shalt  }
0x58: {  	_ =	shalt  }
0x59: {  	_ =	shalt  }
0x5a: {  	_ =	shalt  }
0x5b: {  	_ =	shalt  }
0x5c: {  	_ =	shalt  }
0x5d: {  	_ =	shalt  }
0x5e: {  	_ =	shalt  }
0x5f: {  	_ =	shalt  }
0x60: {  	_ =	shalt  }
0x61: {  	_ =	shalt  }
0x62: {  	_ =	shalt  }
0x63: {  	_ =	shalt  }
0x64: {  	_ =	shalt  }
0x65: {  	_ =	shalt  }
0x66: {  	_ =	shalt  }
0x67: {  	_ =	shalt  }
0x68: {  	_ =	shalt  }
0x69: {  	_ =	shalt  }
0x6a: {  	_ =	shalt  }
0x6b: {  	_ =	shalt  }
0x6c: {  	_ =	shalt  }
0x6d: {  	_ =	shalt  }
0x6e: {  	_ =	shalt  }
0x6f: {  	_ =	shalt  }
0x70: {  	_ =	shalt  }
0x71: {  	_ =	shalt  }
0x72: {  	_ =	shalt  }
0x73: {  	_ =	shalt  }
0x74: {  	_ =	shalt  }
0x75: {  	_ =	shalt  }
0x76: {  	_ =	shalt  }
0x77: {  	_ =	shalt  }
0x78: {  	_ =	shalt  }
0x79: {  	_ =	shalt  }
0x7a: {  	_ =	shalt  }
0x7b: {  	_ =	shalt  }
0x7c: {  	_ =	shalt  }
0x7d: {  	_ =	shalt  }
0x7e: {  	_ =	shalt  }
0x7f: {  	_ =	shalt  }
0x80: {  	_ =	shalt  }
0x81: {  	_ =	shalt  }
0x82: {  	_ =	shalt  }
0x83: {  	_ =	shalt  }
0x84: {  	_ =	shalt  }
0x85: {  	_ =	shalt  }
0x86: {  	_ =	shalt  }
0x87: {  	_ =	shalt  }
.Lfunc_end0:
.L_simem_size_0:
called_computation_lowered:
.L_overlay_start_0:
0x88: {  	s2 =	sld [smem:$0x3FD9]  }
0x89: {  	s3 =	sld [smem:$0x3FFE];
	_ =	sdelay $0x1  }
0x8a: {  	s1 =	srdreg.scid  }
0x8b: {  	s0 =	sand.u32 $0x1, s1  }
0x8c: {  	s16 =	sshll.u32 s0, $0xA;
	s2 =	sadd.s32 s3, s2  }
0x8d: {  	s2 =	sadd.s32 s2, s16  }
0x8e: {  	[smem:$0x3FB1] =	sst s2  }
0x8f: {  	_ = 	snop  }
0x90: {  	(tm) =	ssettm $0x1  }
0x91: {  	s17 =	sld [smem:$0x3FFB];
	_ =	sdelay $0x3  }
0x92: {  	_ =	strace s17  }
0x93: {  	s2 =	sld [smem:$0x3FFC];
	_ =	sdelay $0x3  }
0x94: {  	_ =	strace s2  }
0x95: {  	s2 =	sld [smem:$0x3FFD];
	_ =	sdelay $0x3  }
0x96: {  	_ =	strace s2  }
0x97: {  	_ =	strace $0x8FFFFFFF  }
0x98: {  	s18 =	sld [smem:$0x3FDB];
	_ =	sdelay $0x1  }
0x99: {  	s19 =	simm.s32 $_scs_section_size  }
0x9a: {  	s4 =	simm.s32 $_size__tile_overlayer_lowered;
	s5 =	simm.s32 $_tile_overlayer_lowered  }
0x9b: {  	s22 =	simm.s32 $0x1BFF;
	s21 =	sshll.u32 s5, $0x1;
	s2 =	sadd.s32 s19, s18  }
0x9c: {  	s6 =	simm.s32 $0x0;
	s20 =	sshll.u32 s4, $0x1;
	s4 =	sadd.s32 s21, s2  }
0x9d: {  	[timem:s6], [sflag:s22] =	dma.local [hbm:s4], s20  }
0x9e: {  	_ =	swait.ge [sflag:s22], s20  }
0x9f: {  	s3 =	ssub.s32 $0x0, s20;
	[sflag:s22] =	ssyncset.done $0x0  }
0xa0: {  	[sflag:s22] =	ssyncadd.s32 s3;
	_ =	sdelay $0x1  }
0xa1: {  	s23 =	simm.s32 $0x1B8B  }
0xa2: {  	_ =	swait.ge [sflag:s23], $0x1  }
0xa3: {  	[sflag:s23] =	ssyncset.done $0x0  }
0xa4: {  	s25 =	simm.s32 $0x1B8E;
	s24 =	sld [smem:$0x3FFE];
	[sflag:s23] =	ssyncadd.s32 $0xFFFFFFFF  }
0xa5: {  	s26 =	simm.s32 $execute0_lowered;
	[smem:$0x3FD2] =	sst s25  }
0xa6: {  	s4 =	sshll.u32 s26, $0x1;
	_ =	strace $0x80000046;
	[dreg:$0x1] =	wrdreg $0xFFFFFFFF  }
0xa7: {  	s28 =	simm.s32 $_size_execute0_lowered;
	s2 =	sadd.s32 s2, s4;
	[dreg:$0x0] =	wrdreg $0x0  }
0xa8: {  	s4 =	sshll.u32 s28, $0x1;
	[dreg:$0x2] =	wrdreg s2  }
0xa9: {  	[dreg:$0x3] =	wrdreg s4  }
0xaa: {  	[dreg:$0x4] =	wrdreg $0xC0  }
0xab: {  	_ =	task [dreg:s6], $0x5FFFF  }
0xac: {  	[dreg:$0x1] =	wrdreg $0xFFFFFFFF  }
0xad: {  	[dreg:$0x0] =	wrdreg $0x60  }
0xae: {  	[dreg:$0x2] =	wrdreg s24  }
0xaf: {  	[dreg:$0x3] =	wrdreg $0x54000  }
0xb0: {  	[dreg:$0x4] =	wrdreg $0x9  }
0xb1: {  	_ =	task.clear_ibuf [dreg:s6], $0x5FFFF;
	_ =	strace $0x90000046  }
0xb2: {  	s29 =	simm.s32 $0x9;
	_ =	strace $0x80000048  }
0xb3: {  	_ =	swait.ge [sflag:s29], $0x1  }
0xb4: {  	[sflag:s29] =	ssyncadd.s32 $0xFFFFFFFF  }
0xb5: {  	_ =	strace $0x90000048  }
0xb6: {  	_ =	sfence  }
0xb7: {  	s30 =	sld [smem:$0x0];
	_ =	sdelay $0x2  }
0xb8: {  	s31 =	sshll.u32 s1, $0xD;
	s1 =	sshrl.u32 s1, $0x2  }
0xb9: {  	s3 =	sand.u32 $0x4000, s31;
	s1 =	sadd.s32 s1, s30  }
0xba: {  	s0 =	sor.u32 s3, s0;
	s1 =	sshll.u32 s1, $0x11  }
0xbb: {  	s0 =	sor.u32 s1, s0  }
0xbc: {  	s0 =	sadd.s32 $0x8F2B, s0  }
0xbd: {  	[sflag:s0] =	ssyncadd.remote.s32 $0x1  }
0xbe: {  	_ =	sfence.sel $0xFFFF  }
0xbf: {  	[dreg:$0x0] =	wrdreg $0xFFFFFFFF;
	(pc) =	sbr.abs _section_cstart, $3  }
0xc0: {  	[dreg:$0x1] =	wrdreg $0xFFFFFFFF  }
0xc1: {  	_ =	task.clear_ibuf [dreg:s6], $0x2FFFF;
	_ =	strace $0x9FFFFFFF  }
0xc2: {  	(tm) =	ssettm $0x7FFFFFFF  }
0xc3: {  	_ =	shalt  }
tec
execute0_lowered:
.L_overlay_start_1:
0x0: {  	(tag) =	ssettag $0x1  }
0x1: {  	s5 =	rddreg [dreg:$0x0]  }
0x2: {  	s2 =	rddreg [dreg:$0x1]  }
0x3: {  	s0 =	rddreg [dreg:$0x2]  }
0x4: {  	s1 =	stileid.u32;
	s3 =	simm.s32 $0x0;
	s4 =	srdreg.scid  }
0x5: {  	s15 =	simm.s32 $0x0;
	s6 =	smul.u32 $0x13C00, s1;
	[smem:$0x7FF] =	sst s3  }
0x6: {  	s7 =	sand.u32 $0x1, s4;
	s10 =	sadd.s32 $0x6200, s5;
	s4 =	sadd.s32 $0x41A00, s5  }
0x7: {  	s26 =	sshll.u32 s1, $0x1;
	s11 =	smul.u32 $0x4F000, s1;
	s29 =	sshll.u32 s1, $0x6  }
0x8: {  	s9 =	smul.u32 $0x13C000, s7;
	s12 =	ssub.s32 $0x2, s7;
	s7 =	sor.u32 s7, s26  }
0x9: {  	_ =	strace $0x80000047;
	s8 =	sshrl.u32 s6, $0x3;
	s13 =	smul.u32 $0x2800, s7  }
0xa: {  	s28 =	sshrl.u32 s12, $0x1;
	s11 =	sshrl.u32 s11, $0x2;
	s7 =	smul.u32 $0x500, s7  }
0xb: {  	s8 =	sadd.s32 s8, s5;
	s6 =	sadd.s32 s6, s9;
	s12 =	ssub.s32 s12, s28  }
0xc: {  	s11 =	sadd.s32 s11, s2;
	s6 =	sshrl.u32 s6, $0x3;
	s30 =	sshrl.u32 s13, $0x3  }
0xd: {  	s7 =	sadd.s32 s10, s7;
	s11 =	sshrl.u32 s11, $0x3;
	s13 =	simm.s32 $0x1400  }
0xe: {  	s14 =	sadd.s32 s6, s5;
	s5 =	sadd.s32 $0x1A200, s8;
	s6 =	sor.u32 $0x1C01, s29  }
0xf: {  	s31 =	sadd.s32 s10, s30;
	s10 =	smax.u32 s12, $0x1;
	s12 =	simm.s32 $0x1  }
0x10: {  	s8 =	sadd.s32 $0x280, s31;
	s9 =	sadd.s32 $0x42200, s14;
	s14 =	simm.s32 $0x80  }
.LBB2_1:
0x11: {  	[spmem:s11], [sflag:s6] =	dma.local [hbm:s5], $0x2780  }
0x12: {  	_ =	swait.ge [sflag:s12], $0x2780  }
0x13: {  	[sflag:s12] =	ssyncset.done $0x0  }
0x14: {  	[sflag:s12] =	ssyncadd.s32 $0xFFFFD880  }
0x15: {  	[tilespmem:s13], [sflag:$0x1] =	stream.linear.gather [hbm4b:s4+s3], $0x4000, $0x38;
	[tilespmem:$0x19000] =	vst v63  }
0x16: {  	_ =	swait.ge [sflag:s12], $0x4000  }
0x17: {  	[sflag:s12] =	ssyncset.done $0x0  }
0x18: {  	[sflag:s12] =	ssyncadd.s32 $0xFFFFC000  }
0x19: {  	[bflag:$0x0] =	sbarrier.arrive $0xFFFF  }
0x1a: {  	[tilespmem:s3], [sflag:$0x1] =	stream.linear.gather [hbm4b:s7+s3], $0x1400, $0x38;
	[tilespmem:$0x19000] =	vst v63  }
0x1b: {  	_ =	swait.ge [sflag:s12], $0x1400  }
0x1c: {  	[sflag:s12] =	ssyncset.done $0x0  }
0x1d: {  	s16 =	simm.s32 $0x0;
	[sflag:s12] =	ssyncadd.s32 $0xFFFFEC00  }
0x1e: {  	[spmem:s2] =	stream.indirect.scatter.add.f32 [tilespmem:s13], [sflag:$0x1], $0x80, s16, s14, $0xb8;
	[tilespmem:$0x19000] =	vst v63  }
0x1f: {  	_ =	swait.ge [sflag:s12], $0x4000  }
0x20: {  	s16 =	simm.s32 $0x200;
	[sflag:s12] =	ssyncset.done $0x0  }
.LBB2_2:
0x21: {  	s17 =	sshra.s32 s16, $0x2;
	[sflag:s12] =	ssyncadd.s32 $0xFFFFC000;
	p0 =	sne.s32 s16, $0x4E00  }
0x22: {  	[spmem:s2] =	stream.indirect.scatter.add.f32 [tilespmem:s13], [sflag:$0x1], $0x80, s17, s14, $0xb8;
	[tilespmem:$0x19000] =	vst v63  }
.Ltmp0:
0x23: {  	_ = 	snop;
	(pc) =	sbr.rel @p0 .LBB2_2-.Ltmp0, $4  }
0x24: {  	_ = 	snop  }
0x25: {  	s16 =	sadd.s32 $0x200, s16  }
0x26: {  	_ =	swait.ge [sflag:s12], $0x4000  }
0x27: {  	[sflag:s12] =	ssyncset.done $0x0  }
0x28: {  	[sflag:s12] =	ssyncadd.s32 $0xFFFFC000;
	s16 =	simm.s32 $0x0  }
0x29: {  	[tilespmem:s16], [sflag:$0x1] =	stream.linear.gather [hbm4b:s8+s16], $0x1400, $0x38;
	[tilespmem:$0x19000] =	vst v63  }
0x2a: {  	_ =	swait.ge [sflag:s12], $0x1400  }
0x2b: {  	[sflag:s12] =	ssyncset.done $0x0  }
0x2c: {  	s31 =	simm.s32 $0x0;
	[sflag:s12] =	ssyncadd.s32 $0xFFFFEC00  }
0x2d: {  	[spmem:s2] =	stream.indirect.scatter.add.f32 [tilespmem:s13], [sflag:$0x1], $0x80, s31, s14, $0xb8;
	[tilespmem:$0x19000] =	vst v63  }
0x2e: {  	_ =	swait.ge [sflag:s12], $0x4000  }
0x2f: {  	s16 =	simm.s32 $0x200;
	[sflag:s12] =	ssyncset.done $0x0  }
.LBB2_4:
0x30: {  	s17 =	sshra.s32 s16, $0x2;
	[sflag:s12] =	ssyncadd.s32 $0xFFFFC000;
	p0 =	sne.s32 s16, $0x4E00  }
0x31: {  	[spmem:s2] =	stream.indirect.scatter.add.f32 [tilespmem:s13], [sflag:$0x1], $0x80, s17, s14, $0xb8;
	[tilespmem:$0x19000] =	vst v63  }
.Ltmp1:
0x32: {  	_ = 	snop;
	(pc) =	sbr.rel @p0 .LBB2_4-.Ltmp1, $4  }
0x33: {  	_ = 	snop  }
0x34: {  	s16 =	sadd.s32 $0x200, s16  }
0x35: {  	_ =	swait.ge [sflag:s12], $0x4000  }
0x36: {  	[sflag:s12] =	ssyncset.done $0x0  }
0x37: {  	s15 =	sadd.s32 $0x1, s15  }
0x38: {  	[sflag:s12] =	ssyncadd.s32 $0xFFFFC000;
	p0 =	sne.s32 s15, s10  }
.Ltmp2:
0x39: {  	[bflag:$0x0] =	sbarrier.arrive $0xFFFF;
	(pc) =	sbr.rel @p0 .LBB2_1-.Ltmp2, $4  }
0x3a: {  	[hbm:s9], [sflag:s6] =	dma.local [spmem:s11], $0x2780  }
0x3b: {  	_ =	swait.ge [sflag:s12], $0x2780  }
0x3c: {  	[sflag:s12] =	ssyncset.done $0x0  }
0x3d: {  	[sflag:s12] =	ssyncadd.s32 $0xFFFFD880  }
0x3e: {  	_ =	sfence.sel $0x180000  }
0x3f: {  	[bflag:$0x0] =	sbarrier.arrive $0xFFFF  }
0x40: {  	p0 =	sne.s32 s1, $0x0;
	_ =	strace $0x90000047  }
0x41: {  	s0 =	sadd.s32 @!p0 $0x100000, s0;
	[bflag:$0x2] =	sbarrier.arrive $0xFFFF  }
0x42: {  	[sflag:s0] =	ssyncadd.tile.s32 @!p0 $0x1;
	_ =	shalt  }
.Lfunc_end2:
_tile_overlayer_lowered:
.L_overlay_start_2:
0x43: {  	(tag) =	ssettag $0x2  }
0x44: {  	s0 =	rddreg [dreg:$0x0];
	s2 =	stileid.u32  }
0x45: {  	s1 =	rddreg [dreg:$0x1];
	p0 =	sne.s32 s2, $0x0  }
0x46: {  	s3 =	rddreg [dreg:$0x2];
	[bflag:$0x3] =	sbarrier.arrive $0xFFFF;
	s2 =	simm.s32 @!p0 $0x1C01  }
0x47: {  	[timem:s3], [sflag:s2] =	dma.local @!p0 [hbm:s0], s1  }
0x48: {  	s0 =	simm.s32 @!p0 $0x1  }
0x49: {  	_ =	swait.ge @!p0 [sflag:s0], s1  }
0x4a: {  	s1 =	ssub.s32 @!p0 $0x0, s1;
	[sflag:s0] =	ssyncset.done @!p0 $0x0  }
0x4b: {  	[sflag:s0] =	ssyncadd.s32 @!p0 s1  }
0x4c: {  	[bflag:$0x3] =	sbarrier.arrive $0xFFFF  }
0x4d: {  	_ =	shalt  }

// kernel: kernel.13.cloned.1.call-start
scs
__scs_entry_jumppad:
0x0: {  	(pc) =	sbr.rel $0x88, $3  }
0x1: {  	(tag) =	ssettag $0x0;
	lr =	simm.s32 $0x1  }
0x2: {  	[smem:$0x3F8A] =	sst lr;
	_ =	strace $0xD0000000  }
0x3: {  	_ = 	snop  }
0x4: {  	_ = 	snop  }
0x5: {  	_ = 	snop  }
0x6: {  	_ = 	snop  }
0x7: {  	_ = 	snop  }
__scs_overlays_trampoline_lowered:
0x8: {  	[smem:$0x3F99] =	sst s0  }
0x9: {  	[smem:$0x3F9A] =	sst s1  }
0xa: {  	[smem:$0x3F9B] =	sst s2  }
0xb: {  	[smem:$0x3F9C] =	sst s3  }
0xc: {  	[smem:$0x3F9D] =	sst s4  }
0xd: {  	[smem:$0x3F9E] =	sst s5  }
0xe: {  	[smem:$0x3F9F] =	sst s6  }
0xf: {  	[smem:$0x3FA0] =	sst s7  }
0x10: {  	[smem:$0x3FA1] =	sst s8  }
0x11: {  	[smem:$0x3FA2] =	sst s9;
	s0 =	simm.s32 @!p0 $0x0  }
0x12: {  	s1 =	sld [smem:$0x3F88];
	s0 =	simm.s32 @p0 $0x1  }
0x13: {  	[smem:$0x3FA3] =	sst s0;
	s0 =	simm.s32 @!p1 $0x0  }
0x14: {  	s2 =	sld [smem:$0x3F87];
	s0 =	simm.s32 @p1 $0x1  }
0x15: {  	[smem:$0x3FA4] =	sst s0;
	s0 =	simm.s32 @!p2 $0x0  }
0x16: {  	s3 =	sld [smem:$0x3FDB];
	s0 =	simm.s32 @p2 $0x1  }
0x17: {  	s4 =	simm.s32 $0x1BF5;
	[smem:$0x3FA6] =	sst s0  }
0x18: {  	s0 =	sld [smem:$0x3F89];
	_ =	swait.ge [sflag:s4], $0x0  }
0x19: {  	s7 =	sld [smem:$0x3F8A]  }
0x1a: {  	s8 =	sadd.s32 $0xFFFFE003, lr  }
0x1b: {  	s9 =	sadd.s32 $0xFFFFFEF7, lr;
	s5 =	simm.s32 $0xFFFFFFFF;
	p2 =	slt.u32 s8, $0xFFFFF086  }
0x1c: {  	p1 =	slt.u32 s9, $0xF7A;
	s5 =	simm.s32 @!p2 $0x0  }
0x1d: {  	s5 =	simm.s32 @p1 $0x1;
	p0 =	seq.s32 s7, s2  }
0x1e: {  	s7 =	smul.u32 @!p0 $0xF7A, s2;
	p2 =	seq.s32 @!p0 s5, $0x0  }
0x1f: {  	s9 =	smul.u32 $0xF7A, s1;
	s8 =	simm.s32 @!p0 $0x1BF5;
	p2 =	por !p2, p0  }
0x20: {  	[sflag:s8] =	ssyncset.s32 @!p0 $0xFFFFF086;
	s6 =	sadd.s32 @!p0 s3, s7;
	s7 =	simm.s32 @!p0 $0x108  }
0x21: {  	s3 =	sadd.s32 s3, s9;
	s6 =	sadd.s32 @!p0 $0x88, s6;
	s7 =	simm.s32 @p2 $0x1082  }
0x22: {  	[simem:s7], [sflag:s8] =	dma.local @!p0 [hbm:s6], $0xF7A  }
0x23: {  	s9 =	sor.u32 $0xD0000000, s2;
	s6 =	simm.s32 $0x108;
	_ =	swait.ge @!p0 [sflag:s8], $0x0  }
0x24: {  	s3 =	sadd.s32 $0x88, s3;
	s6 =	simm.s32 @!p1 $0x1082;
	[sflag:s4] =	ssyncset.s32 $0xFFFFF086  }
0x25: {  	[simem:s6], [sflag:s4] =	dma.local [hbm:s3], $0xF7A  }
0x26: {  	[smem:$0x3F8A] =	sst s1;
	(tag) =	ssettag s2;
	_ =	strace s9  }
0x27: {  	s1 =	sld [smem:$0x3F9A]  }
0x28: {  	s2 =	sld [smem:$0x3F9B]  }
0x29: {  	s4 =	sld [smem:$0x3F9D]  }
0x2a: {  	p0 =	seq.s32 s5, $0x0;
	s5 =	sld [smem:$0x3F9E]  }
0x2b: {  	s6 =	sld [smem:$0x3F9F]  }
0x2c: {  	s7 =	sld [smem:$0x3FA0]  }
0x2d: {  	s3 =	simm.s32 $0x108;
	s8 =	sld [smem:$0x3FA1]  }
0x2e: {  	s3 =	simm.s32 @!p0 $0x1082;
	s9 =	sld [smem:$0x3FA2]  }
0x2f: {  	lr =	sadd.s32 s0, s3;
	s0 =	sld [smem:$0x3F99]  }
0x30: {  	s3 =	sld [smem:$0x3F9C]  }
0x31: {  	[smem:$0x3FA5] =	sst s10  }
0x32: {  	s10 =	sld [smem:$0x3FA3];
	_ =	sdelay $0x3  }
0x33: {  	p0 =	seq.s32 s10, $0x1;
	s10 =	sld [smem:$0x3FA5];
	_ =	sdelay $0x3  }
0x34: {  	[smem:$0x3FA5] =	sst s10  }
0x35: {  	s10 =	sld [smem:$0x3FA4];
	_ =	sdelay $0x3  }
0x36: {  	p1 =	seq.s32 s10, $0x1;
	s10 =	sld [smem:$0x3FA5];
	_ =	sdelay $0x3  }
0x37: {  	[smem:$0x3FA5] =	sst s10  }
0x38: {  	s10 =	sld [smem:$0x3FA6]  }
0x39: {  	_ = 	snop;
	(pc) =	sbr.ind lr, $3  }
0x3a: {  	_ = 	snop  }
0x3b: {  	_ = 	snop  }
0x3c: {  	p2 =	seq.s32 s10, $0x1;
	s10 =	sld [smem:$0x3FA5]  }
0x3d: {  	_ =	shalt  }
0x3e: {  	_ =	shalt  }
0x3f: {  	_ =	shalt  }
0x40: {  	_ =	shalt  }
0x41: {  	_ =	shalt  }
0x42: {  	_ =	shalt  }
0x43: {  	_ =	shalt  }
0x44: {  	_ =	shalt  }
0x45: {  	_ =	shalt  }
0x46: {  	_ =	shalt  }
0x47: {  	_ =	shalt  }
0x48: {  	_ =	shalt  }
0x49: {  	_ =	shalt  }
0x4a: {  	_ =	shalt  }
0x4b: {  	_ =	shalt  }
0x4c: {  	_ =	shalt  }
0x4d: {  	_ =	shalt  }
0x4e: {  	_ =	shalt  }
0x4f: {  	_ =	shalt  }
0x50: {  	_ =	shalt  }
0x51: {  	_ =	shalt  }
0x52: {  	_ =	shalt  }
0x53: {  	_ =	shalt  }
0x54: {  	_ =	shalt  }
0x55: {  	_ =	shalt  }
0x56: {  	_ =	shalt  }
0x57: {  	_ =	shalt  }
0x58: {  	_ =	shalt  }
0x59: {  	_ =	shalt  }
0x5a: {  	_ =	shalt  }
0x5b: {  	_ =	shalt  }
0x5c: {  	_ =	shalt  }
0x5d: {  	_ =	shalt  }
0x5e: {  	_ =	shalt  }
0x5f: {  	_ =	shalt  }
0x60: {  	_ =	shalt  }
0x61: {  	_ =	shalt  }
0x62: {  	_ =	shalt  }
0x63: {  	_ =	shalt  }
0x64: {  	_ =	shalt  }
0x65: {  	_ =	shalt  }
0x66: {  	_ =	shalt  }
0x67: {  	_ =	shalt  }
0x68: {  	_ =	shalt  }
0x69: {  	_ =	shalt  }
0x6a: {  	_ =	shalt  }
0x6b: {  	_ =	shalt  }
0x6c: {  	_ =	shalt  }
0x6d: {  	_ =	shalt  }
0x6e: {  	_ =	shalt  }
0x6f: {  	_ =	shalt  }
0x70: {  	_ =	shalt  }
0x71: {  	_ =	shalt  }
0x72: {  	_ =	shalt  }
0x73: {  	_ =	shalt  }
0x74: {  	_ =	shalt  }
0x75: {  	_ =	shalt  }
0x76: {  	_ =	shalt  }
0x77: {  	_ =	shalt  }
0x78: {  	_ =	shalt  }
0x79: {  	_ =	shalt  }
0x7a: {  	_ =	shalt  }
0x7b: {  	_ =	shalt  }
0x7c: {  	_ =	shalt  }
0x7d: {  	_ =	shalt  }
0x7e: {  	_ =	shalt  }
0x7f: {  	_ =	shalt  }
0x80: {  	_ =	shalt  }
0x81: {  	_ =	shalt  }
0x82: {  	_ =	shalt  }
0x83: {  	_ =	shalt  }
0x84: {  	_ =	shalt  }
0x85: {  	_ =	shalt  }
0x86: {  	_ =	shalt  }
0x87: {  	_ =	shalt  }
.Lfunc_end0:
.L_simem_size_0:
called_computation.1_lowered:
.L_overlay_start_0:
0x88: {  	s2 =	sld [smem:$0x3FD9]  }
0x89: {  	s3 =	sld [smem:$0x3FFE];
	_ =	sdelay $0x1  }
0x8a: {  	s1 =	srdreg.scid  }
0x8b: {  	s0 =	sand.u32 $0x1, s1  }
0x8c: {  	s16 =	sshll.u32 s0, $0xA;
	s2 =	sadd.s32 s3, s2  }
0x8d: {  	s2 =	sadd.s32 s2, s16  }
0x8e: {  	[smem:$0x3FB1] =	sst s2  }
0x8f: {  	_ = 	snop  }
0x90: {  	(tm) =	ssettm $0x1  }
0x91: {  	s17 =	sld [smem:$0x3FFB];
	_ =	sdelay $0x3  }
0x92: {  	_ =	strace s17  }
0x93: {  	s2 =	sld [smem:$0x3FFC];
	_ =	sdelay $0x3  }
0x94: {  	_ =	strace s2  }
0x95: {  	s2 =	sld [smem:$0x3FFD];
	_ =	sdelay $0x3  }
0x96: {  	_ =	strace s2  }
0x97: {  	_ =	strace $0x8FFFFFFF  }
0x98: {  	s18 =	sld [smem:$0x3FDB];
	_ =	sdelay $0x1  }
0x99: {  	s19 =	simm.s32 $_scs_section_size  }
0x9a: {  	s4 =	simm.s32 $_size__tile_overlayer_lowered;
	s5 =	simm.s32 $_tile_overlayer_lowered  }
0x9b: {  	s22 =	simm.s32 $0x1BFF;
	s21 =	sshll.u32 s5, $0x1;
	s2 =	sadd.s32 s19, s18  }
0x9c: {  	s6 =	simm.s32 $0x0;
	s20 =	sshll.u32 s4, $0x1;
	s4 =	sadd.s32 s21, s2  }
0x9d: {  	[timem:s6], [sflag:s22] =	dma.local [hbm:s4], s20  }
0x9e: {  	_ =	swait.ge [sflag:s22], s20  }
0x9f: {  	s3 =	ssub.s32 $0x0, s20;
	[sflag:s22] =	ssyncset.done $0x0  }
0xa0: {  	[sflag:s22] =	ssyncadd.s32 s3;
	_ =	sdelay $0x1  }
0xa1: {  	s23 =	simm.s32 $0x1B8B  }
0xa2: {  	_ =	swait.ge [sflag:s23], $0x1  }
0xa3: {  	[sflag:s23] =	ssyncset.done $0x0  }
0xa4: {  	s25 =	simm.s32 $0x1B8E;
	s24 =	sld [smem:$0x3FFE];
	[sflag:s23] =	ssyncadd.s32 $0xFFFFFFFF  }
0xa5: {  	s26 =	simm.s32 $execute0_lowered;
	[smem:$0x3FD2] =	sst s25  }
0xa6: {  	s4 =	sshll.u32 s26, $0x1;
	_ =	strace $0x80000049;
	[dreg:$0x1] =	wrdreg $0xFFFFFFFF  }
0xa7: {  	s28 =	simm.s32 $_size_execute0_lowered;
	s2 =	sadd.s32 s2, s4;
	[dreg:$0x0] =	wrdreg $0x0  }
0xa8: {  	s4 =	sshll.u32 s28, $0x1;
	[dreg:$0x2] =	wrdreg s2  }
0xa9: {  	[dreg:$0x3] =	wrdreg s4  }
0xaa: {  	[dreg:$0x4] =	wrdreg $0xC0  }
0xab: {  	_ =	task [dreg:s6], $0x5FFFF  }
0xac: {  	[dreg:$0x1] =	wrdreg $0xFFFFFFFF  }
0xad: {  	[dreg:$0x0] =	wrdreg $0x60  }
0xae: {  	[dreg:$0x2] =	wrdreg s24  }
0xaf: {  	[dreg:$0x3] =	wrdreg $0xA8000  }
0xb0: {  	[dreg:$0x4] =	wrdreg $0x9  }
0xb1: {  	_ =	task.clear_ibuf [dreg:s6], $0x5FFFF;
	_ =	strace $0x90000049  }
0xb2: {  	s29 =	simm.s32 $0x9;
	_ =	strace $0x8000004B  }
0xb3: {  	_ =	swait.ge [sflag:s29], $0x1  }
0xb4: {  	[sflag:s29] =	ssyncadd.s32 $0xFFFFFFFF  }
0xb5: {  	_ =	strace $0x9000004B  }
0xb6: {  	_ =	sfence  }
0xb7: {  	s30 =	sld [smem:$0x0];
	_ =	sdelay $0x2  }
0xb8: {  	s31 =	sshll.u32 s1, $0xD;
	s1 =	sshrl.u32 s1, $0x2  }
0xb9: {  	s3 =	sand.u32 $0x4000, s31;
	s1 =	sadd.s32 s1, s30  }
0xba: {  	s0 =	sor.u32 s3, s0;
	s1 =	sshll.u32 s1, $0x11  }
0xbb: {  	s0 =	sor.u32 s1, s0  }
0xbc: {  	s0 =	sadd.s32 $0x8F2B, s0  }
0xbd: {  	[sflag:s0] =	ssyncadd.remote.s32 $0x1  }
0xbe: {  	_ =	sfence.sel $0xFFFF  }
0xbf: {  	[dreg:$0x0] =	wrdreg $0xFFFFFFFF;
	(pc) =	sbr.abs _section_cstart, $3  }
0xc0: {  	[dreg:$0x1] =	wrdreg $0xFFFFFFFF  }
0xc1: {  	_ =	task.clear_ibuf [dreg:s6], $0x2FFFF;
	_ =	strace $0x9FFFFFFF  }
0xc2: {  	(tm) =	ssettm $0x7FFFFFFF  }
0xc3: {  	_ =	shalt  }
tec
execute0_lowered:
.L_overlay_start_1:
0x0: {  	(tag) =	ssettag $0x1  }
0x1: {  	s5 =	rddreg [dreg:$0x0]  }
0x2: {  	s2 =	rddreg [dreg:$0x1]  }
0x3: {  	s0 =	rddreg [dreg:$0x2];
	s3 =	simm.s32 $0x0  }
0x4: {  	s1 =	stileid.u32;
	s4 =	srdreg.scid;
	s17 =	simm.s32 $0x2800  }
0x5: {  	s18 =	simm.s32 $0x6800;
	s19 =	simm.s32 $0x1;
	s20 =	simm.s32 $0x2  }
0x6: {  	s21 =	simm.s32 $0x1380;
	s22 =	simm.s32 $0x2700;
	s23 =	simm.s32 $0x2780  }
0x7: {  	s24 =	simm.s32 $0x0;
	[smem:$0x7FF] =	sst s3;
	s6 =	smul.u32 $0x13C00, s1  }
0x8: {  	s7 =	sand.u32 $0x1, s4;
	s4 =	sadd.s32 $0x91200, s5;
	s10 =	sadd.s32 $0x10200, s5  }
0x9: {  	s11 =	sadd.s32 $0x6200, s5;
	s25 =	sshll.u32 s1, $0x1;
	s12 =	smul.u32 $0x4F000, s1  }
0xa: {  	s28 =	sshll.u32 s1, $0x6;
	_ =	strace $0x8000004A;
	s9 =	smul.u32 $0x13C000, s7  }
0xb: {  	s13 =	ssub.s32 $0x2, s7;
	s7 =	sor.u32 s7, s25;
	s8 =	sshrl.u32 s6, $0x3  }
0xc: {  	s26 =	sshrl.u32 s13, $0x1;
	s12 =	sshrl.u32 s12, $0x2;
	s14 =	smul.u32 $0x2800, s7  }
0xd: {  	s29 =	smul.u32 $0x500, s7;
	s8 =	sadd.s32 s8, s5;
	s6 =	sadd.s32 s6, s9  }
0xe: {  	s13 =	ssub.s32 s13, s26;
	s16 =	sadd.s32 s12, s2;
	s6 =	sshrl.u32 s6, $0x3  }
0xf: {  	s30 =	sshrl.u32 s14, $0x3;
	s7 =	sadd.s32 s10, s29;
	s12 =	smax.u32 s13, $0x1  }
0x10: {  	s13 =	sshrl.u32 s16, $0x3;
	s14 =	simm.s32 $0x3;
	s16 =	simm.s32 $0x80  }
0x11: {  	s15 =	sadd.s32 s6, s5;
	s5 =	sadd.s32 $0x1A200, s8;
	s31 =	sadd.s32 $0x280, s30  }
0x12: {  	s6 =	sor.u32 $0x1C03, s28;
	s8 =	sadd.s32 s11, s29;
	s9 =	sadd.s32 s10, s31  }
0x13: {  	s10 =	sadd.s32 s11, s31;
	s11 =	sadd.s32 $0xB8400, s15;
	s15 =	simm.s32 $0x1400  }
.LBB2_1:
0x14: {  	[spmem:s13], [sflag:s6] =	dma.local [hbm:s5], $0x2780  }
0x15: {  	_ =	swait.ge [sflag:s14], $0x2780  }
0x16: {  	[sflag:s14] =	ssyncset.done $0x0  }
0x17: {  	[sflag:s14] =	ssyncadd.s32 $0xFFFFD880  }
0x18: {  	[bflag:$0x0] =	sbarrier.arrive $0xFFFF  }
0x19: {  	[tilespmem:s3], [sflag:$0x3] =	stream.linear.gather [hbm4b:s7+s3], $0x1400, $0x38;
	[tilespmem:$0x1E400] =	vst v63  }
0x1a: {  	_ =	swait.ge [sflag:s14], $0x1400  }
0x1b: {  	[sflag:s14] =	ssyncset.done $0x0  }
0x1c: {  	[sflag:s14] =	ssyncadd.s32 $0xFFFFEC00  }
0x1d: {  	[tilespmem:s15], [sflag:$0x3] =	stream.linear.gather [hbm4b:s8+s3], $0x1400, $0x38;
	[tilespmem:$0x1E400] =	vst v63  }
0x1e: {  	_ =	swait.ge [sflag:s14], $0x1400  }
0x1f: {  	[sflag:s14] =	ssyncset.done $0x0  }
0x20: {  	[sflag:s14] =	ssyncadd.s32 $0xFFFFEC00  }
0x21: {  	[tilespmem:s17], [sflag:$0x1] =	stream.indirect.gather [hbm4b:s4+s16], $0x80, s3, s16, $0xb8;
	[tilespmem:$0x1E400] =	vst v63  }
0x22: {  	s25 =	simm.s32 $0x80  }
0x23: {  	[tilespmem:s18], [sflag:$0x2] =	stream.indirect.gather [hbm4b:s4+s16], $0x80, s25, s16, $0xb8;
	[tilespmem:$0x1E400] =	vst v63  }
0x24: {  	_ =	swait.ge [sflag:s19], $0x4000  }
0x25: {  	[sflag:s19] =	ssyncset.done $0x0  }
0x26: {  	s29 =	simm.s32 $0x1400;
	[sflag:s19] =	ssyncadd.s32 $0xFFFFC000  }
0x27: {  	[spmem:s2] =	stream.indirect.scatter.add.f32 [tilespmem:s17], [sflag:$0x3], $0x80, s29, s16, $0xb8;
	[tilespmem:$0x1E400] =	vst v63  }
0x28: {  	_ =	swait.ge [sflag:s14], $0x4000  }
0x29: {  	[sflag:s14] =	ssyncset.done $0x0  }
0x2a: {  	s30 =	simm.s32 $0x100;
	[sflag:s14] =	ssyncadd.s32 $0xFFFFC000  }
0x2b: {  	[tilespmem:s17], [sflag:$0x1] =	stream.indirect.gather [hbm4b:s4+s16], $0x80, s30, s16, $0xb8;
	[tilespmem:$0x1E400] =	vst v63  }
0x2c: {  	_ =	swait.ge [sflag:s20], $0x4000  }
0x2d: {  	[sflag:s20] =	ssyncset.done $0x0  }
0x2e: {  	s31 =	simm.s32 $0x1480;
	[sflag:s20] =	ssyncadd.s32 $0xFFFFC000  }
0x2f: {  	[spmem:s2] =	stream.indirect.scatter.add.f32 [tilespmem:s18], [sflag:$0x3], $0x80, s31, s16, $0xb8;
	[tilespmem:$0x1E400] =	vst v63  }
0x30: {  	_ =	swait.ge [sflag:s14], $0x4000  }
0x31: {  	s26 =	simm.s32 $0x800;
	s25 =	simm.s32 $0x100;
	[sflag:s14] =	ssyncset.done $0x0  }
.LBB2_2:
0x32: {  	s28 =	sadd.s32 $0x80, s25  }
0x33: {  	[sflag:s14] =	ssyncadd.s32 $0xFFFFC000;
	s29 =	smov.u32 s26;
	s30 =	sadd.s32 $0x400, s26  }
0x34: {  	[tilespmem:s18], [sflag:$0x2] =	stream.indirect.gather [hbm4b:s4+s16], $0x80, s28, s16, $0xb8;
	[tilespmem:$0x1E400] =	vst v63  }
0x35: {  	p0 =	sne.s32 s26, $0x4800;
	_ =	swait.ge [sflag:s19], $0x4000  }
0x36: {  	[sflag:s19] =	ssyncset.done $0x0  }
0x37: {  	s26 =	sadd.s32 $0x1400, s25;
	[sflag:s19] =	ssyncadd.s32 $0xFFFFC000  }
0x38: {  	[spmem:s2] =	stream.indirect.scatter.add.f32 [tilespmem:s17], [sflag:$0x3], $0x80, s26, s16, $0xb8;
	[tilespmem:$0x1E400] =	vst v63  }
0x39: {  	_ =	swait.ge [sflag:s14], $0x4000  }
0x3a: {  	[sflag:s14] =	ssyncset.done $0x0  }
0x3b: {  	s26 =	sadd.s32 $0x100, s25;
	[sflag:s14] =	ssyncadd.s32 $0xFFFFC000  }
0x3c: {  	[tilespmem:s17], [sflag:$0x1] =	stream.indirect.gather [hbm4b:s4+s16], $0x80, s26, s16, $0xb8;
	[tilespmem:$0x1E400] =	vst v63  }
0x3d: {  	_ =	swait.ge [sflag:s20], $0x4000  }
.Ltmp0:
0x3e: {  	[sflag:s20] =	ssyncset.done $0x0;
	(pc) =	sbr.rel @p0 .LBB2_2-.Ltmp0, $4  }
0x3f: {  	s25 =	sadd.s32 $0x1480, s25;
	[sflag:s20] =	ssyncadd.s32 $0xFFFFC000  }
0x40: {  	[spmem:s2] =	stream.indirect.scatter.add.f32 [tilespmem:s18], [sflag:$0x3], $0x80, s25, s16, $0xb8;
	[tilespmem:$0x1E400] =	vst v63  }
0x41: {  	_ =	swait.ge [sflag:s14], $0x4000  }
0x42: {  	s26 =	smov.u32 s30;
	s25 =	sshra.s32 s29, $0x2;
	[sflag:s14] =	ssyncset.done $0x0  }
0x43: {  	s26 =	sadd.s32 $0x80, s25;
	[sflag:s14] =	ssyncadd.s32 $0xFFFFC000  }
0x44: {  	[tilespmem:s18], [sflag:$0x2] =	stream.indirect.gather [hbm4b:s4+s16], $0x80, s26, s16, $0xb8;
	[tilespmem:$0x1E400] =	vst v63  }
0x45: {  	_ =	swait.ge [sflag:s19], $0x4000  }
0x46: {  	[sflag:s19] =	ssyncset.done $0x0  }
0x47: {  	s29 =	sadd.s32 $0x1400, s25;
	[sflag:s19] =	ssyncadd.s32 $0xFFFFC000  }
0x48: {  	[spmem:s2] =	stream.indirect.scatter.add.f32 [tilespmem:s17], [sflag:$0x3], $0x80, s29, s16, $0xb8;
	[tilespmem:$0x1E400] =	vst v63  }
0x49: {  	_ =	swait.ge [sflag:s14], $0x4000  }
0x4a: {  	[sflag:s14] =	ssyncset.done $0x0  }
0x4b: {  	s30 =	sadd.s32 $0x100, s25;
	[sflag:s14] =	ssyncadd.s32 $0xFFFFC000  }
0x4c: {  	[tilespmem:s17], [sflag:$0x1] =	stream.indirect.gather [hbm4b:s4+s16], $0x80, s30, s16, $0xb8;
	[tilespmem:$0x1E400] =	vst v63  }
0x4d: {  	_ =	swait.ge [sflag:s20], $0x4000  }
0x4e: {  	[sflag:s20] =	ssyncset.done $0x0  }
0x4f: {  	s31 =	sadd.s32 $0x1480, s25;
	[sflag:s20] =	ssyncadd.s32 $0xFFFFC000  }
0x50: {  	[spmem:s2] =	stream.indirect.scatter.add.f32 [tilespmem:s18], [sflag:$0x3], $0x80, s31, s16, $0xb8;
	[tilespmem:$0x1E400] =	vst v63  }
0x51: {  	_ =	swait.ge [sflag:s14], $0x4000  }
0x52: {  	[sflag:s14] =	ssyncset.done $0x0  }
0x53: {  	[sflag:s14] =	ssyncadd.s32 $0xFFFFC000  }
0x54: {  	[tilespmem:s18], [sflag:$0x2] =	stream.indirect.gather [hbm4b:s4+s16], $0x80, s21, s16, $0xb8;
	[tilespmem:$0x1E400] =	vst v63  }
0x55: {  	_ =	swait.ge [sflag:s19], $0x4000  }
0x56: {  	[sflag:s19] =	ssyncset.done $0x0  }
0x57: {  	[sflag:s19] =	ssyncadd.s32 $0xFFFFC000  }
0x58: {  	[spmem:s2] =	stream.indirect.scatter.add.f32 [tilespmem:s17], [sflag:$0x3], $0x80, s22, s16, $0xb8;
	[tilespmem:$0x1E400] =	vst v63  }
0x59: {  	_ =	swait.ge [sflag:s14], $0x4000  }
0x5a: {  	[sflag:s14] =	ssyncset.done $0x0  }
0x5b: {  	[sflag:s14] =	ssyncadd.s32 $0xFFFFC000  }
0x5c: {  	_ =	swait.ge [sflag:s20], $0x4000  }
0x5d: {  	[sflag:s20] =	ssyncset.done $0x0  }
0x5e: {  	[sflag:s20] =	ssyncadd.s32 $0xFFFFC000  }
0x5f: {  	[spmem:s2] =	stream.indirect.scatter.add.f32 [tilespmem:s18], [sflag:$0x3], $0x80, s23, s16, $0xb8;
	[tilespmem:$0x1E400] =	vst v63  }
0x60: {  	_ =	swait.ge [sflag:s14], $0x4000  }
0x61: {  	[sflag:s14] =	ssyncset.done $0x0  }
0x62: {  	s26 =	simm.s32 $0x0;
	[sflag:s14] =	ssyncadd.s32 $0xFFFFC000  }
0x63: {  	[tilespmem:s26], [sflag:$0x3] =	stream.linear.gather [hbm4b:s9+s26], $0x1400, $0x38;
	[tilespmem:$0x1E400] =	vst v63  }
0x64: {  	_ =	swait.ge [sflag:s14], $0x1400  }
0x65: {  	[sflag:s14] =	ssyncset.done $0x0  }
0x66: {  	[sflag:s14] =	ssyncadd.s32 $0xFFFFEC00  }
0x67: {  	[tilespmem:s15], [sflag:$0x3] =	stream.linear.gather [hbm4b:s10+s26], $0x1400, $0x38;
	[tilespmem:$0x1E400] =	vst v63  }
0x68: {  	_ =	swait.ge [sflag:s14], $0x1400  }
0x69: {  	[sflag:s14] =	ssyncset.done $0x0  }
0x6a: {  	[sflag:s14] =	ssyncadd.s32 $0xFFFFEC00  }
0x6b: {  	[tilespmem:s17], [sflag:$0x1] =	stream.indirect.gather [hbm4b:s4+s16], $0x80, s26, s16, $0xb8;
	[tilespmem:$0x1E400] =	vst v63  }
0x6c: {  	s28 =	simm.s32 $0x80  }
0x6d: {  	[tilespmem:s18], [sflag:$0x2] =	stream.indirect.gather [hbm4b:s4+s16], $0x80, s28, s16, $0xb8;
	[tilespmem:$0x1E400] =	vst v63  }
0x6e: {  	_ =	swait.ge [sflag:s19], $0x4000  }
0x6f: {  	[sflag:s19] =	ssyncset.done $0x0  }
0x70: {  	s29 =	simm.s32 $0x1400;
	[sflag:s19] =	ssyncadd.s32 $0xFFFFC000  }
0x71: {  	[spmem:s2] =	stream.indirect.scatter.add.f32 [tilespmem:s17], [sflag:$0x3], $0x80, s29, s16, $0xb8;
	[tilespmem:$0x1E400] =	vst v63  }
0x72: {  	_ =	swait.ge [sflag:s14], $0x4000  }
0x73: {  	[sflag:s14] =	ssyncset.done $0x0  }
0x74: {  	s30 =	simm.s32 $0x100;
	[sflag:s14] =	ssyncadd.s32 $0xFFFFC000  }
0x75: {  	[tilespmem:s17], [sflag:$0x1] =	stream.indirect.gather [hbm4b:s4+s16], $0x80, s30, s16, $0xb8;
	[tilespmem:$0x1E400] =	vst v63  }
0x76: {  	_ =	swait.ge [sflag:s20], $0x4000  }
0x77: {  	[sflag:s20] =	ssyncset.done $0x0  }
0x78: {  	s31 =	simm.s32 $0x1480;
	[sflag:s20] =	ssyncadd.s32 $0xFFFFC000  }
0x79: {  	[spmem:s2] =	stream.indirect.scatter.add.f32 [tilespmem:s18], [sflag:$0x3], $0x80, s31, s16, $0xb8;
	[tilespmem:$0x1E400] =	vst v63  }
0x7a: {  	_ =	swait.ge [sflag:s14], $0x4000  }
0x7b: {  	s25 =	simm.s32 $0x100;
	s26 =	simm.s32 $0x800;
	[sflag:s14] =	ssyncset.done $0x0  }
.LBB2_4:
0x7c: {  	s28 =	sadd.s32 $0x80, s25  }
0x7d: {  	[sflag:s14] =	ssyncadd.s32 $0xFFFFC000;
	s29 =	smov.u32 s26;
	s30 =	sadd.s32 $0x400, s26  }
0x7e: {  	[tilespmem:s18], [sflag:$0x2] =	stream.indirect.gather [hbm4b:s4+s16], $0x80, s28, s16, $0xb8;
	[tilespmem:$0x1E400] =	vst v63  }
0x7f: {  	p0 =	sne.s32 s26, $0x4800;
	_ =	swait.ge [sflag:s19], $0x4000  }
0x80: {  	[sflag:s19] =	ssyncset.done $0x0  }
0x81: {  	s26 =	sadd.s32 $0x1400, s25;
	[sflag:s19] =	ssyncadd.s32 $0xFFFFC000  }
0x82: {  	[spmem:s2] =	stream.indirect.scatter.add.f32 [tilespmem:s17], [sflag:$0x3], $0x80, s26, s16, $0xb8;
	[tilespmem:$0x1E400] =	vst v63  }
0x83: {  	_ =	swait.ge [sflag:s14], $0x4000  }
0x84: {  	[sflag:s14] =	ssyncset.done $0x0  }
0x85: {  	s26 =	sadd.s32 $0x100, s25;
	[sflag:s14] =	ssyncadd.s32 $0xFFFFC000  }
0x86: {  	[tilespmem:s17], [sflag:$0x1] =	stream.indirect.gather [hbm4b:s4+s16], $0x80, s26, s16, $0xb8;
	[tilespmem:$0x1E400] =	vst v63  }
0x87: {  	_ =	swait.ge [sflag:s20], $0x4000  }
.Ltmp1:
0x88: {  	[sflag:s20] =	ssyncset.done $0x0;
	(pc) =	sbr.rel @p0 .LBB2_4-.Ltmp1, $4  }
0x89: {  	s25 =	sadd.s32 $0x1480, s25;
	[sflag:s20] =	ssyncadd.s32 $0xFFFFC000  }
0x8a: {  	[spmem:s2] =	stream.indirect.scatter.add.f32 [tilespmem:s18], [sflag:$0x3], $0x80, s25, s16, $0xb8;
	[tilespmem:$0x1E400] =	vst v63  }
0x8b: {  	_ =	swait.ge [sflag:s14], $0x4000  }
0x8c: {  	s26 =	smov.u32 s30;
	s25 =	sshra.s32 s29, $0x2;
	[sflag:s14] =	ssyncset.done $0x0  }
0x8d: {  	s26 =	sadd.s32 $0x80, s25;
	[sflag:s14] =	ssyncadd.s32 $0xFFFFC000  }
0x8e: {  	[tilespmem:s18], [sflag:$0x2] =	stream.indirect.gather [hbm4b:s4+s16], $0x80, s26, s16, $0xb8;
	[tilespmem:$0x1E400] =	vst v63  }
0x8f: {  	_ =	swait.ge [sflag:s19], $0x4000  }
0x90: {  	[sflag:s19] =	ssyncset.done $0x0  }
0x91: {  	s29 =	sadd.s32 $0x1400, s25;
	[sflag:s19] =	ssyncadd.s32 $0xFFFFC000  }
0x92: {  	[spmem:s2] =	stream.indirect.scatter.add.f32 [tilespmem:s17], [sflag:$0x3], $0x80, s29, s16, $0xb8;
	[tilespmem:$0x1E400] =	vst v63  }
0x93: {  	_ =	swait.ge [sflag:s14], $0x4000  }
0x94: {  	[sflag:s14] =	ssyncset.done $0x0  }
0x95: {  	s30 =	sadd.s32 $0x100, s25;
	[sflag:s14] =	ssyncadd.s32 $0xFFFFC000  }
0x96: {  	[tilespmem:s17], [sflag:$0x1] =	stream.indirect.gather [hbm4b:s4+s16], $0x80, s30, s16, $0xb8;
	[tilespmem:$0x1E400] =	vst v63  }
0x97: {  	_ =	swait.ge [sflag:s20], $0x4000  }
0x98: {  	[sflag:s20] =	ssyncset.done $0x0  }
0x99: {  	s31 =	sadd.s32 $0x1480, s25;
	[sflag:s20] =	ssyncadd.s32 $0xFFFFC000  }
0x9a: {  	[spmem:s2] =	stream.indirect.scatter.add.f32 [tilespmem:s18], [sflag:$0x3], $0x80, s31, s16, $0xb8;
	[tilespmem:$0x1E400] =	vst v63  }
0x9b: {  	_ =	swait.ge [sflag:s14], $0x4000  }
0x9c: {  	[sflag:s14] =	ssyncset.done $0x0  }
0x9d: {  	[sflag:s14] =	ssyncadd.s32 $0xFFFFC000  }
0x9e: {  	[tilespmem:s18], [sflag:$0x2] =	stream.indirect.gather [hbm4b:s4+s16], $0x80, s21, s16, $0xb8;
	[tilespmem:$0x1E400] =	vst v63  }
0x9f: {  	_ =	swait.ge [sflag:s19], $0x4000  }
0xa0: {  	[sflag:s19] =	ssyncset.done $0x0  }
0xa1: {  	[sflag:s19] =	ssyncadd.s32 $0xFFFFC000  }
0xa2: {  	[spmem:s2] =	stream.indirect.scatter.add.f32 [tilespmem:s17], [sflag:$0x3], $0x80, s22, s16, $0xb8;
	[tilespmem:$0x1E400] =	vst v63  }
0xa3: {  	_ =	swait.ge [sflag:s14], $0x4000  }
0xa4: {  	[sflag:s14] =	ssyncset.done $0x0  }
0xa5: {  	[sflag:s14] =	ssyncadd.s32 $0xFFFFC000  }
0xa6: {  	_ =	swait.ge [sflag:s20], $0x4000  }
0xa7: {  	[sflag:s20] =	ssyncset.done $0x0  }
0xa8: {  	[sflag:s20] =	ssyncadd.s32 $0xFFFFC000  }
0xa9: {  	[spmem:s2] =	stream.indirect.scatter.add.f32 [tilespmem:s18], [sflag:$0x3], $0x80, s23, s16, $0xb8;
	[tilespmem:$0x1E400] =	vst v63  }
0xaa: {  	_ =	swait.ge [sflag:s14], $0x4000  }
0xab: {  	s24 =	sadd.s32 $0x1, s24;
	[sflag:s14] =	ssyncset.done $0x0  }
0xac: {  	p0 =	sne.s32 s24, s12;
	[sflag:s14] =	ssyncadd.s32 $0xFFFFC000  }
.Ltmp2:
0xad: {  	[bflag:$0x0] =	sbarrier.arrive $0xFFFF;
	(pc) =	sbr.rel @p0 .LBB2_1-.Ltmp2, $4  }
0xae: {  	[hbm:s11], [sflag:s6] =	dma.local [spmem:s13], $0x2780  }
0xaf: {  	_ =	swait.ge [sflag:s14], $0x2780  }
0xb0: {  	[sflag:s14] =	ssyncset.done $0x0  }
0xb1: {  	[sflag:s14] =	ssyncadd.s32 $0xFFFFD880  }
0xb2: {  	_ =	sfence.sel $0x180000  }
0xb3: {  	[bflag:$0x0] =	sbarrier.arrive $0xFFFF  }
0xb4: {  	p0 =	sne.s32 s1, $0x0;
	_ =	strace $0x9000004A  }
0xb5: {  	s0 =	sadd.s32 @!p0 $0x100000, s0;
	[bflag:$0x2] =	sbarrier.arrive $0xFFFF  }
0xb6: {  	[sflag:s0] =	ssyncadd.tile.s32 @!p0 $0x1;
	_ =	shalt  }
.Lfunc_end2:
_tile_overlayer_lowered:
.L_overlay_start_2:
0xb7: {  	(tag) =	ssettag $0x2  }
0xb8: {  	s0 =	rddreg [dreg:$0x0];
	s2 =	stileid.u32  }
0xb9: {  	s1 =	rddreg [dreg:$0x1];
	p0 =	sne.s32 s2, $0x0  }
0xba: {  	s3 =	rddreg [dreg:$0x2];
	[bflag:$0x3] =	sbarrier.arrive $0xFFFF;
	s2 =	simm.s32 @!p0 $0x1C03  }
0xbb: {  	[timem:s3], [sflag:s2] =	dma.local @!p0 [hbm:s0], s1  }
0xbc: {  	s0 =	simm.s32 @!p0 $0x3  }
0xbd: {  	_ =	swait.ge @!p0 [sflag:s0], s1  }
0xbe: {  	s1 =	ssub.s32 @!p0 $0x0, s1;
	[sflag:s0] =	ssyncset.done @!p0 $0x0  }
0xbf: {  	[sflag:s0] =	ssyncadd.s32 @!p0 s1  }
0xc0: {  	[bflag:$0x3] =	sbarrier.arrive $0xFFFF  }
0xc1: {  	_ =	shalt  }

// kernel: kernel.16.cloned.1.call-start
scs
__scs_entry_jumppad:
0x0: {  	(pc) =	sbr.rel $0x88, $3  }
0x1: {  	(tag) =	ssettag $0x0;
	lr =	simm.s32 $0x1  }
0x2: {  	[smem:$0x3F8A] =	sst lr;
	_ =	strace $0xD0000000  }
0x3: {  	_ = 	snop  }
0x4: {  	_ = 	snop  }
0x5: {  	_ = 	snop  }
0x6: {  	_ = 	snop  }
0x7: {  	_ = 	snop  }
__scs_overlays_trampoline_lowered:
0x8: {  	[smem:$0x3F99] =	sst s0  }
0x9: {  	[smem:$0x3F9A] =	sst s1  }
0xa: {  	[smem:$0x3F9B] =	sst s2  }
0xb: {  	[smem:$0x3F9C] =	sst s3  }
0xc: {  	[smem:$0x3F9D] =	sst s4  }
0xd: {  	[smem:$0x3F9E] =	sst s5  }
0xe: {  	[smem:$0x3F9F] =	sst s6  }
0xf: {  	[smem:$0x3FA0] =	sst s7  }
0x10: {  	[smem:$0x3FA1] =	sst s8  }
0x11: {  	[smem:$0x3FA2] =	sst s9;
	s0 =	simm.s32 @!p0 $0x0  }
0x12: {  	s1 =	sld [smem:$0x3F88];
	s0 =	simm.s32 @p0 $0x1  }
0x13: {  	[smem:$0x3FA3] =	sst s0;
	s0 =	simm.s32 @!p1 $0x0  }
0x14: {  	s2 =	sld [smem:$0x3F87];
	s0 =	simm.s32 @p1 $0x1  }
0x15: {  	[smem:$0x3FA4] =	sst s0;
	s0 =	simm.s32 @!p2 $0x0  }
0x16: {  	s3 =	sld [smem:$0x3FDB];
	s0 =	simm.s32 @p2 $0x1  }
0x17: {  	s4 =	simm.s32 $0x1BF5;
	[smem:$0x3FA6] =	sst s0  }
0x18: {  	s0 =	sld [smem:$0x3F89];
	_ =	swait.ge [sflag:s4], $0x0  }
0x19: {  	s7 =	sld [smem:$0x3F8A]  }
0x1a: {  	s8 =	sadd.s32 $0xFFFFE003, lr  }
0x1b: {  	s9 =	sadd.s32 $0xFFFFFEF7, lr;
	s5 =	simm.s32 $0xFFFFFFFF;
	p2 =	slt.u32 s8, $0xFFFFF086  }
0x1c: {  	p1 =	slt.u32 s9, $0xF7A;
	s5 =	simm.s32 @!p2 $0x0  }
0x1d: {  	s5 =	simm.s32 @p1 $0x1;
	p0 =	seq.s32 s7, s2  }
0x1e: {  	s7 =	smul.u32 @!p0 $0xF7A, s2;
	p2 =	seq.s32 @!p0 s5, $0x0  }
0x1f: {  	s9 =	smul.u32 $0xF7A, s1;
	s8 =	simm.s32 @!p0 $0x1BF5;
	p2 =	por !p2, p0  }
0x20: {  	[sflag:s8] =	ssyncset.s32 @!p0 $0xFFFFF086;
	s6 =	sadd.s32 @!p0 s3, s7;
	s7 =	simm.s32 @!p0 $0x108  }
0x21: {  	s3 =	sadd.s32 s3, s9;
	s6 =	sadd.s32 @!p0 $0x88, s6;
	s7 =	simm.s32 @p2 $0x1082  }
0x22: {  	[simem:s7], [sflag:s8] =	dma.local @!p0 [hbm:s6], $0xF7A  }
0x23: {  	s9 =	sor.u32 $0xD0000000, s2;
	s6 =	simm.s32 $0x108;
	_ =	swait.ge @!p0 [sflag:s8], $0x0  }
0x24: {  	s3 =	sadd.s32 $0x88, s3;
	s6 =	simm.s32 @!p1 $0x1082;
	[sflag:s4] =	ssyncset.s32 $0xFFFFF086  }
0x25: {  	[simem:s6], [sflag:s4] =	dma.local [hbm:s3], $0xF7A  }
0x26: {  	[smem:$0x3F8A] =	sst s1;
	(tag) =	ssettag s2;
	_ =	strace s9  }
0x27: {  	s1 =	sld [smem:$0x3F9A]  }
0x28: {  	s2 =	sld [smem:$0x3F9B]  }
0x29: {  	s4 =	sld [smem:$0x3F9D]  }
0x2a: {  	p0 =	seq.s32 s5, $0x0;
	s5 =	sld [smem:$0x3F9E]  }
0x2b: {  	s6 =	sld [smem:$0x3F9F]  }
0x2c: {  	s7 =	sld [smem:$0x3FA0]  }
0x2d: {  	s3 =	simm.s32 $0x108;
	s8 =	sld [smem:$0x3FA1]  }
0x2e: {  	s3 =	simm.s32 @!p0 $0x1082;
	s9 =	sld [smem:$0x3FA2]  }
0x2f: {  	lr =	sadd.s32 s0, s3;
	s0 =	sld [smem:$0x3F99]  }
0x30: {  	s3 =	sld [smem:$0x3F9C]  }
0x31: {  	[smem:$0x3FA5] =	sst s10  }
0x32: {  	s10 =	sld [smem:$0x3FA3];
	_ =	sdelay $0x3  }
0x33: {  	p0 =	seq.s32 s10, $0x1;
	s10 =	sld [smem:$0x3FA5];
	_ =	sdelay $0x3  }
0x34: {  	[smem:$0x3FA5] =	sst s10  }
0x35: {  	s10 =	sld [smem:$0x3FA4];
	_ =	sdelay $0x3  }
0x36: {  	p1 =	seq.s32 s10, $0x1;
	s10 =	sld [smem:$0x3FA5];
	_ =	sdelay $0x3  }
0x37: {  	[smem:$0x3FA5] =	sst s10  }
0x38: {  	s10 =	sld [smem:$0x3FA6]  }
0x39: {  	_ = 	snop;
	(pc) =	sbr.ind lr, $3  }
0x3a: {  	_ = 	snop  }
0x3b: {  	_ = 	snop  }
0x3c: {  	p2 =	seq.s32 s10, $0x1;
	s10 =	sld [smem:$0x3FA5]  }
0x3d: {  	_ =	shalt  }
0x3e: {  	_ =	shalt  }
0x3f: {  	_ =	shalt  }
0x40: {  	_ =	shalt  }
0x41: {  	_ =	shalt  }
0x42: {  	_ =	shalt  }
0x43: {  	_ =	shalt  }
0x44: {  	_ =	shalt  }
0x45: {  	_ =	shalt  }
0x46: {  	_ =	shalt  }
0x47: {  	_ =	shalt  }
0x48: {  	_ =	shalt  }
0x49: {  	_ =	shalt  }
0x4a: {  	_ =	shalt  }
0x4b: {  	_ =	shalt  }
0x4c: {  	_ =	shalt  }
0x4d: {  	_ =	shalt  }
0x4e: {  	_ =	shalt  }
0x4f: {  	_ =	shalt  }
0x50: {  	_ =	shalt  }
0x51: {  	_ =	shalt  }
0x52: {  	_ =	shalt  }
0x53: {  	_ =	shalt  }
0x54: {  	_ =	shalt  }
0x55: {  	_ =	shalt  }
0x56: {  	_ =	shalt  }
0x57: {  	_ =	shalt  }
0x58: {  	_ =	shalt  }
0x59: {  	_ =	shalt  }
0x5a: {  	_ =	shalt  }
0x5b: {  	_ =	shalt  }
0x5c: {  	_ =	shalt  }
0x5d: {  	_ =	shalt  }
0x5e: {  	_ =	shalt  }
0x5f: {  	_ =	shalt  }
0x60: {  	_ =	shalt  }
0x61: {  	_ =	shalt  }
0x62: {  	_ =	shalt  }
0x63: {  	_ =	shalt  }
0x64: {  	_ =	shalt  }
0x65: {  	_ =	shalt  }
0x66: {  	_ =	shalt  }
0x67: {  	_ =	shalt  }
0x68: {  	_ =	shalt  }
0x69: {  	_ =	shalt  }
0x6a: {  	_ =	shalt  }
0x6b: {  	_ =	shalt  }
0x6c: {  	_ =	shalt  }
0x6d: {  	_ =	shalt  }
0x6e: {  	_ =	shalt  }
0x6f: {  	_ =	shalt  }
0x70: {  	_ =	shalt  }
0x71: {  	_ =	shalt  }
0x72: {  	_ =	shalt  }
0x73: {  	_ =	shalt  }
0x74: {  	_ =	shalt  }
0x75: {  	_ =	shalt  }
0x76: {  	_ =	shalt  }
0x77: {  	_ =	shalt  }
0x78: {  	_ =	shalt  }
0x79: {  	_ =	shalt  }
0x7a: {  	_ =	shalt  }
0x7b: {  	_ =	shalt  }
0x7c: {  	_ =	shalt  }
0x7d: {  	_ =	shalt  }
0x7e: {  	_ =	shalt  }
0x7f: {  	_ =	shalt  }
0x80: {  	_ =	shalt  }
0x81: {  	_ =	shalt  }
0x82: {  	_ =	shalt  }
0x83: {  	_ =	shalt  }
0x84: {  	_ =	shalt  }
0x85: {  	_ =	shalt  }
0x86: {  	_ =	shalt  }
0x87: {  	_ =	shalt  }
.Lfunc_end0:
.L_simem_size_0:
called_computation.2_lowered:
.L_overlay_start_0:
0x88: {  	s2 =	sld [smem:$0x3FD9]  }
0x89: {  	s3 =	sld [smem:$0x3FFE];
	_ =	sdelay $0x1  }
0x8a: {  	s1 =	srdreg.scid  }
0x8b: {  	s0 =	sand.u32 $0x1, s1  }
0x8c: {  	s16 =	sshll.u32 s0, $0xA;
	s2 =	sadd.s32 s3, s2  }
0x8d: {  	s2 =	sadd.s32 s2, s16  }
0x8e: {  	[smem:$0x3FB1] =	sst s2  }
0x8f: {  	_ = 	snop  }
0x90: {  	(tm) =	ssettm $0x1  }
0x91: {  	s17 =	sld [smem:$0x3FFB];
	_ =	sdelay $0x3  }
0x92: {  	_ =	strace s17  }
0x93: {  	s2 =	sld [smem:$0x3FFC];
	_ =	sdelay $0x3  }
0x94: {  	_ =	strace s2  }
0x95: {  	s2 =	sld [smem:$0x3FFD];
	_ =	sdelay $0x3  }
0x96: {  	_ =	strace s2  }
0x97: {  	_ =	strace $0x8FFFFFFF  }
0x98: {  	s18 =	sld [smem:$0x3FDB];
	_ =	sdelay $0x1  }
0x99: {  	s19 =	simm.s32 $_scs_section_size  }
0x9a: {  	s4 =	simm.s32 $_size__tile_overlayer_lowered;
	s5 =	simm.s32 $_tile_overlayer_lowered  }
0x9b: {  	s22 =	simm.s32 $0x1BFF;
	s21 =	sshll.u32 s5, $0x1;
	s2 =	sadd.s32 s19, s18  }
0x9c: {  	s6 =	simm.s32 $0x0;
	s20 =	sshll.u32 s4, $0x1;
	s4 =	sadd.s32 s21, s2  }
0x9d: {  	[timem:s6], [sflag:s22] =	dma.local [hbm:s4], s20  }
0x9e: {  	_ =	swait.ge [sflag:s22], s20  }
0x9f: {  	s3 =	ssub.s32 $0x0, s20;
	[sflag:s22] =	ssyncset.done $0x0  }
0xa0: {  	[sflag:s22] =	ssyncadd.s32 s3;
	_ =	sdelay $0x1  }
0xa1: {  	s23 =	simm.s32 $0x1B8B  }
0xa2: {  	_ =	swait.ge [sflag:s23], $0x1  }
0xa3: {  	[sflag:s23] =	ssyncset.done $0x0  }
0xa4: {  	s25 =	simm.s32 $0x1B8E;
	s24 =	sld [smem:$0x3FFE];
	[sflag:s23] =	ssyncadd.s32 $0xFFFFFFFF  }
0xa5: {  	s26 =	simm.s32 $execute0_lowered;
	[smem:$0x3FD2] =	sst s25  }
0xa6: {  	s4 =	sshll.u32 s26, $0x1;
	_ =	strace $0x8000004C;
	[dreg:$0x1] =	wrdreg $0xFFFFFFFF  }
0xa7: {  	s28 =	simm.s32 $_size_execute0_lowered;
	s2 =	sadd.s32 s2, s4;
	[dreg:$0x0] =	wrdreg $0x0  }
0xa8: {  	s4 =	sshll.u32 s28, $0x1;
	[dreg:$0x2] =	wrdreg s2  }
0xa9: {  	[dreg:$0x3] =	wrdreg s4  }
0xaa: {  	[dreg:$0x4] =	wrdreg $0xC0  }
0xab: {  	_ =	task [dreg:s6], $0x5FFFF  }
0xac: {  	[dreg:$0x1] =	wrdreg $0xFFFFFFFF  }
0xad: {  	[dreg:$0x0] =	wrdreg $0x60  }
0xae: {  	[dreg:$0x2] =	wrdreg s24  }
0xaf: {  	[dreg:$0x3] =	wrdreg $0xA8000  }
0xb0: {  	[dreg:$0x4] =	wrdreg $0x9  }
0xb1: {  	_ =	task.clear_ibuf [dreg:s6], $0x5FFFF;
	_ =	strace $0x9000004C  }
0xb2: {  	s29 =	simm.s32 $0x9;
	_ =	strace $0x8000004E  }
0xb3: {  	_ =	swait.ge [sflag:s29], $0x1  }
0xb4: {  	[sflag:s29] =	ssyncadd.s32 $0xFFFFFFFF  }
0xb5: {  	_ =	strace $0x9000004E  }
0xb6: {  	_ =	sfence  }
0xb7: {  	s30 =	sld [smem:$0x0];
	_ =	sdelay $0x2  }
0xb8: {  	s31 =	sshll.u32 s1, $0xD;
	s1 =	sshrl.u32 s1, $0x2  }
0xb9: {  	s3 =	sand.u32 $0x4000, s31;
	s1 =	sadd.s32 s1, s30  }
0xba: {  	s0 =	sor.u32 s3, s0;
	s1 =	sshll.u32 s1, $0x11  }
0xbb: {  	s0 =	sor.u32 s1, s0  }
0xbc: {  	s0 =	sadd.s32 $0x8F2B, s0  }
0xbd: {  	[sflag:s0] =	ssyncadd.remote.s32 $0x1  }
0xbe: {  	_ =	sfence.sel $0xFFFF  }
0xbf: {  	[dreg:$0x0] =	wrdreg $0xFFFFFFFF;
	(pc) =	sbr.abs _section_cstart, $3  }
0xc0: {  	[dreg:$0x1] =	wrdreg $0xFFFFFFFF  }
0xc1: {  	_ =	task.clear_ibuf [dreg:s6], $0x2FFFF;
	_ =	strace $0x9FFFFFFF  }
0xc2: {  	(tm) =	ssettm $0x7FFFFFFF  }
0xc3: {  	_ =	shalt  }
tec
execute0_lowered:
.L_overlay_start_1:
0x0: {  	(tag) =	ssettag $0x1  }
0x1: {  	s5 =	rddreg [dreg:$0x0]  }
0x2: {  	s2 =	rddreg [dreg:$0x1]  }
0x3: {  	s0 =	rddreg [dreg:$0x2];
	s3 =	simm.s32 $0x0  }
0x4: {  	s1 =	stileid.u32;
	s4 =	srdreg.scid;
	s17 =	simm.s32 $0x2800  }
0x5: {  	s18 =	simm.s32 $0x6800;
	s19 =	simm.s32 $0x1;
	s20 =	simm.s32 $0x2  }
0x6: {  	s21 =	simm.s32 $0x1380;
	s22 =	simm.s32 $0x2700;
	s23 =	simm.s32 $0x2780  }
0x7: {  	s24 =	simm.s32 $0x0;
	[smem:$0x7FF] =	sst s3;
	s6 =	smul.u32 $0x13C00, s1  }
0x8: {  	s7 =	sand.u32 $0x1, s4;
	s4 =	sadd.s32 $0x91200, s5;
	s10 =	sadd.s32 $0x10200, s5  }
0x9: {  	s11 =	sadd.s32 $0x6200, s5;
	s25 =	sshll.u32 s1, $0x1;
	s12 =	smul.u32 $0x4F000, s1  }
0xa: {  	s28 =	sshll.u32 s1, $0x6;
	_ =	strace $0x8000004D;
	s9 =	smul.u32 $0x13C000, s7  }
0xb: {  	s13 =	ssub.s32 $0x2, s7;
	s7 =	sor.u32 s7, s25;
	s8 =	sshrl.u32 s6, $0x3  }
0xc: {  	s26 =	sshrl.u32 s13, $0x1;
	s12 =	sshrl.u32 s12, $0x2;
	s14 =	smul.u32 $0x2800, s7  }
0xd: {  	s29 =	smul.u32 $0x500, s7;
	s8 =	sadd.s32 s8, s5;
	s6 =	sadd.s32 s6, s9  }
0xe: {  	s13 =	ssub.s32 s13, s26;
	s16 =	sadd.s32 s12, s2;
	s6 =	sshrl.u32 s6, $0x3  }
0xf: {  	s30 =	sshrl.u32 s14, $0x3;
	s7 =	sadd.s32 s10, s29;
	s12 =	smax.u32 s13, $0x1  }
0x10: {  	s13 =	sshrl.u32 s16, $0x3;
	s14 =	simm.s32 $0x3;
	s16 =	simm.s32 $0x80  }
0x11: {  	s15 =	sadd.s32 s6, s5;
	s5 =	sadd.s32 $0x1A200, s8;
	s31 =	sadd.s32 $0x280, s30  }
0x12: {  	s6 =	sor.u32 $0x1C03, s28;
	s8 =	sadd.s32 s11, s29;
	s9 =	sadd.s32 s10, s31  }
0x13: {  	s10 =	sadd.s32 s11, s31;
	s11 =	sadd.s32 $0xB8400, s15;
	s15 =	simm.s32 $0x1400  }
.LBB2_1:
0x14: {  	[spmem:s13], [sflag:s6] =	dma.local [hbm:s5], $0x2780  }
0x15: {  	_ =	swait.ge [sflag:s14], $0x2780  }
0x16: {  	[sflag:s14] =	ssyncset.done $0x0  }
0x17: {  	[sflag:s14] =	ssyncadd.s32 $0xFFFFD880  }
0x18: {  	[bflag:$0x0] =	sbarrier.arrive $0xFFFF  }
0x19: {  	[tilespmem:s3], [sflag:$0x3] =	stream.linear.gather [hbm4b:s7+s3], $0x1400, $0x38;
	[tilespmem:$0x1E400] =	vst v63  }
0x1a: {  	_ =	swait.ge [sflag:s14], $0x1400  }
0x1b: {  	[sflag:s14] =	ssyncset.done $0x0  }
0x1c: {  	[sflag:s14] =	ssyncadd.s32 $0xFFFFEC00  }
0x1d: {  	[tilespmem:s15], [sflag:$0x3] =	stream.linear.gather [hbm4b:s8+s3], $0x1400, $0x38;
	[tilespmem:$0x1E400] =	vst v63  }
0x1e: {  	_ =	swait.ge [sflag:s14], $0x1400  }
0x1f: {  	[sflag:s14] =	ssyncset.done $0x0  }
0x20: {  	[sflag:s14] =	ssyncadd.s32 $0xFFFFEC00  }
0x21: {  	[tilespmem:s17], [sflag:$0x1] =	stream.indirect.gather [hbm4b:s4+s16], $0x80, s3, s16, $0xb8;
	[tilespmem:$0x1E400] =	vst v63  }
0x22: {  	s25 =	simm.s32 $0x80  }
0x23: {  	[tilespmem:s18], [sflag:$0x2] =	stream.indirect.gather [hbm4b:s4+s16], $0x80, s25, s16, $0xb8;
	[tilespmem:$0x1E400] =	vst v63  }
0x24: {  	_ =	swait.ge [sflag:s19], $0x4000  }
0x25: {  	[sflag:s19] =	ssyncset.done $0x0  }
0x26: {  	s29 =	simm.s32 $0x1400;
	[sflag:s19] =	ssyncadd.s32 $0xFFFFC000  }
0x27: {  	[spmem:s2] =	stream.indirect.scatter.add.f32 [tilespmem:s17], [sflag:$0x3], $0x80, s29, s16, $0xb8;
	[tilespmem:$0x1E400] =	vst v63  }
0x28: {  	_ =	swait.ge [sflag:s14], $0x4000  }
0x29: {  	[sflag:s14] =	ssyncset.done $0x0  }
0x2a: {  	s30 =	simm.s32 $0x100;
	[sflag:s14] =	ssyncadd.s32 $0xFFFFC000  }
0x2b: {  	[tilespmem:s17], [sflag:$0x1] =	stream.indirect.gather [hbm4b:s4+s16], $0x80, s30, s16, $0xb8;
	[tilespmem:$0x1E400] =	vst v63  }
0x2c: {  	_ =	swait.ge [sflag:s20], $0x4000  }
0x2d: {  	[sflag:s20] =	ssyncset.done $0x0  }
0x2e: {  	s31 =	simm.s32 $0x1480;
	[sflag:s20] =	ssyncadd.s32 $0xFFFFC000  }
0x2f: {  	[spmem:s2] =	stream.indirect.scatter.add.f32 [tilespmem:s18], [sflag:$0x3], $0x80, s31, s16, $0xb8;
	[tilespmem:$0x1E400] =	vst v63  }
0x30: {  	_ =	swait.ge [sflag:s14], $0x4000  }
0x31: {  	s26 =	simm.s32 $0x800;
	s25 =	simm.s32 $0x100;
	[sflag:s14] =	ssyncset.done $0x0  }
.LBB2_2:
0x32: {  	s28 =	sadd.s32 $0x80, s25  }
0x33: {  	[sflag:s14] =	ssyncadd.s32 $0xFFFFC000;
	s29 =	smov.u32 s26;
	s30 =	sadd.s32 $0x400, s26  }
0x34: {  	[tilespmem:s18], [sflag:$0x2] =	stream.indirect.gather [hbm4b:s4+s16], $0x80, s28, s16, $0xb8;
	[tilespmem:$0x1E400] =	vst v63  }
0x35: {  	p0 =	sne.s32 s26, $0x4800;
	_ =	swait.ge [sflag:s19], $0x4000  }
0x36: {  	[sflag:s19] =	ssyncset.done $0x0  }
0x37: {  	s26 =	sadd.s32 $0x1400, s25;
	[sflag:s19] =	ssyncadd.s32 $0xFFFFC000  }
0x38: {  	[spmem:s2] =	stream.indirect.scatter.add.f32 [tilespmem:s17], [sflag:$0x3], $0x80, s26, s16, $0xb8;
	[tilespmem:$0x1E400] =	vst v63  }
0x39: {  	_ =	swait.ge [sflag:s14], $0x4000  }
0x3a: {  	[sflag:s14] =	ssyncset.done $0x0  }
0x3b: {  	s26 =	sadd.s32 $0x100, s25;
	[sflag:s14] =	ssyncadd.s32 $0xFFFFC000  }
0x3c: {  	[tilespmem:s17], [sflag:$0x1] =	stream.indirect.gather [hbm4b:s4+s16], $0x80, s26, s16, $0xb8;
	[tilespmem:$0x1E400] =	vst v63  }
0x3d: {  	_ =	swait.ge [sflag:s20], $0x4000  }
.Ltmp0:
0x3e: {  	[sflag:s20] =	ssyncset.done $0x0;
	(pc) =	sbr.rel @p0 .LBB2_2-.Ltmp0, $4  }
0x3f: {  	s25 =	sadd.s32 $0x1480, s25;
	[sflag:s20] =	ssyncadd.s32 $0xFFFFC000  }
0x40: {  	[spmem:s2] =	stream.indirect.scatter.add.f32 [tilespmem:s18], [sflag:$0x3], $0x80, s25, s16, $0xb8;
	[tilespmem:$0x1E400] =	vst v63  }
0x41: {  	_ =	swait.ge [sflag:s14], $0x4000  }
0x42: {  	s26 =	smov.u32 s30;
	s25 =	sshra.s32 s29, $0x2;
	[sflag:s14] =	ssyncset.done $0x0  }
0x43: {  	s26 =	sadd.s32 $0x80, s25;
	[sflag:s14] =	ssyncadd.s32 $0xFFFFC000  }
0x44: {  	[tilespmem:s18], [sflag:$0x2] =	stream.indirect.gather [hbm4b:s4+s16], $0x80, s26, s16, $0xb8;
	[tilespmem:$0x1E400] =	vst v63  }
0x45: {  	_ =	swait.ge [sflag:s19], $0x4000  }
0x46: {  	[sflag:s19] =	ssyncset.done $0x0  }
0x47: {  	s29 =	sadd.s32 $0x1400, s25;
	[sflag:s19] =	ssyncadd.s32 $0xFFFFC000  }
0x48: {  	[spmem:s2] =	stream.indirect.scatter.add.f32 [tilespmem:s17], [sflag:$0x3], $0x80, s29, s16, $0xb8;
	[tilespmem:$0x1E400] =	vst v63  }
0x49: {  	_ =	swait.ge [sflag:s14], $0x4000  }
0x4a: {  	[sflag:s14] =	ssyncset.done $0x0  }
0x4b: {  	s30 =	sadd.s32 $0x100, s25;
	[sflag:s14] =	ssyncadd.s32 $0xFFFFC000  }
0x4c: {  	[tilespmem:s17], [sflag:$0x1] =	stream.indirect.gather [hbm4b:s4+s16], $0x80, s30, s16, $0xb8;
	[tilespmem:$0x1E400] =	vst v63  }
0x4d: {  	_ =	swait.ge [sflag:s20], $0x4000  }
0x4e: {  	[sflag:s20] =	ssyncset.done $0x0  }
0x4f: {  	s31 =	sadd.s32 $0x1480, s25;
	[sflag:s20] =	ssyncadd.s32 $0xFFFFC000  }
0x50: {  	[spmem:s2] =	stream.indirect.scatter.add.f32 [tilespmem:s18], [sflag:$0x3], $0x80, s31, s16, $0xb8;
	[tilespmem:$0x1E400] =	vst v63  }
0x51: {  	_ =	swait.ge [sflag:s14], $0x4000  }
0x52: {  	[sflag:s14] =	ssyncset.done $0x0  }
0x53: {  	[sflag:s14] =	ssyncadd.s32 $0xFFFFC000  }
0x54: {  	[tilespmem:s18], [sflag:$0x2] =	stream.indirect.gather [hbm4b:s4+s16], $0x80, s21, s16, $0xb8;
	[tilespmem:$0x1E400] =	vst v63  }
0x55: {  	_ =	swait.ge [sflag:s19], $0x4000  }
0x56: {  	[sflag:s19] =	ssyncset.done $0x0  }
0x57: {  	[sflag:s19] =	ssyncadd.s32 $0xFFFFC000  }
0x58: {  	[spmem:s2] =	stream.indirect.scatter.add.f32 [tilespmem:s17], [sflag:$0x3], $0x80, s22, s16, $0xb8;
	[tilespmem:$0x1E400] =	vst v63  }
0x59: {  	_ =	swait.ge [sflag:s14], $0x4000  }
0x5a: {  	[sflag:s14] =	ssyncset.done $0x0  }
0x5b: {  	[sflag:s14] =	ssyncadd.s32 $0xFFFFC000  }
0x5c: {  	_ =	swait.ge [sflag:s20], $0x4000  }
0x5d: {  	[sflag:s20] =	ssyncset.done $0x0  }
0x5e: {  	[sflag:s20] =	ssyncadd.s32 $0xFFFFC000  }
0x5f: {  	[spmem:s2] =	stream.indirect.scatter.add.f32 [tilespmem:s18], [sflag:$0x3], $0x80, s23, s16, $0xb8;
	[tilespmem:$0x1E400] =	vst v63  }
0x60: {  	_ =	swait.ge [sflag:s14], $0x4000  }
0x61: {  	[sflag:s14] =	ssyncset.done $0x0  }
0x62: {  	s26 =	simm.s32 $0x0;
	[sflag:s14] =	ssyncadd.s32 $0xFFFFC000  }
0x63: {  	[tilespmem:s26], [sflag:$0x3] =	stream.linear.gather [hbm4b:s9+s26], $0x1400, $0x38;
	[tilespmem:$0x1E400] =	vst v63  }
0x64: {  	_ =	swait.ge [sflag:s14], $0x1400  }
0x65: {  	[sflag:s14] =	ssyncset.done $0x0  }
0x66: {  	[sflag:s14] =	ssyncadd.s32 $0xFFFFEC00  }
0x67: {  	[tilespmem:s15], [sflag:$0x3] =	stream.linear.gather [hbm4b:s10+s26], $0x1400, $0x38;
	[tilespmem:$0x1E400] =	vst v63  }
0x68: {  	_ =	swait.ge [sflag:s14], $0x1400  }
0x69: {  	[sflag:s14] =	ssyncset.done $0x0  }
0x6a: {  	[sflag:s14] =	ssyncadd.s32 $0xFFFFEC00  }
0x6b: {  	[tilespmem:s17], [sflag:$0x1] =	stream.indirect.gather [hbm4b:s4+s16], $0x80, s26, s16, $0xb8;
	[tilespmem:$0x1E400] =	vst v63  }
0x6c: {  	s28 =	simm.s32 $0x80  }
0x6d: {  	[tilespmem:s18], [sflag:$0x2] =	stream.indirect.gather [hbm4b:s4+s16], $0x80, s28, s16, $0xb8;
	[tilespmem:$0x1E400] =	vst v63  }
0x6e: {  	_ =	swait.ge [sflag:s19], $0x4000  }
0x6f: {  	[sflag:s19] =	ssyncset.done $0x0  }
0x70: {  	s29 =	simm.s32 $0x1400;
	[sflag:s19] =	ssyncadd.s32 $0xFFFFC000  }
0x71: {  	[spmem:s2] =	stream.indirect.scatter.add.f32 [tilespmem:s17], [sflag:$0x3], $0x80, s29, s16, $0xb8;
	[tilespmem:$0x1E400] =	vst v63  }
0x72: {  	_ =	swait.ge [sflag:s14], $0x4000  }
0x73: {  	[sflag:s14] =	ssyncset.done $0x0  }
0x74: {  	s30 =	simm.s32 $0x100;
	[sflag:s14] =	ssyncadd.s32 $0xFFFFC000  }
0x75: {  	[tilespmem:s17], [sflag:$0x1] =	stream.indirect.gather [hbm4b:s4+s16], $0x80, s30, s16, $0xb8;
	[tilespmem:$0x1E400] =	vst v63  }
0x76: {  	_ =	swait.ge [sflag:s20], $0x4000  }
0x77: {  	[sflag:s20] =	ssyncset.done $0x0  }
0x78: {  	s31 =	simm.s32 $0x1480;
	[sflag:s20] =	ssyncadd.s32 $0xFFFFC000  }
0x79: {  	[spmem:s2] =	stream.indirect.scatter.add.f32 [tilespmem:s18], [sflag:$0x3], $0x80, s31, s16, $0xb8;
	[tilespmem:$0x1E400] =	vst v63  }
0x7a: {  	_ =	swait.ge [sflag:s14], $0x4000  }
0x7b: {  	s25 =	simm.s32 $0x100;
	s26 =	simm.s32 $0x800;
	[sflag:s14] =	ssyncset.done $0x0  }
.LBB2_4:
0x7c: {  	s28 =	sadd.s32 $0x80, s25  }
0x7d: {  	[sflag:s14] =	ssyncadd.s32 $0xFFFFC000;
	s29 =	smov.u32 s26;
	s30 =	sadd.s32 $0x400, s26  }
0x7e: {  	[tilespmem:s18], [sflag:$0x2] =	stream.indirect.gather [hbm4b:s4+s16], $0x80, s28, s16, $0xb8;
	[tilespmem:$0x1E400] =	vst v63  }
0x7f: {  	p0 =	sne.s32 s26, $0x4800;
	_ =	swait.ge [sflag:s19], $0x4000  }
0x80: {  	[sflag:s19] =	ssyncset.done $0x0  }
0x81: {  	s26 =	sadd.s32 $0x1400, s25;
	[sflag:s19] =	ssyncadd.s32 $0xFFFFC000  }
0x82: {  	[spmem:s2] =	stream.indirect.scatter.add.f32 [tilespmem:s17], [sflag:$0x3], $0x80, s26, s16, $0xb8;
	[tilespmem:$0x1E400] =	vst v63  }
0x83: {  	_ =	swait.ge [sflag:s14], $0x4000  }
0x84: {  	[sflag:s14] =	ssyncset.done $0x0  }
0x85: {  	s26 =	sadd.s32 $0x100, s25;
	[sflag:s14] =	ssyncadd.s32 $0xFFFFC000  }
0x86: {  	[tilespmem:s17], [sflag:$0x1] =	stream.indirect.gather [hbm4b:s4+s16], $0x80, s26, s16, $0xb8;
	[tilespmem:$0x1E400] =	vst v63  }
0x87: {  	_ =	swait.ge [sflag:s20], $0x4000  }
.Ltmp1:
0x88: {  	[sflag:s20] =	ssyncset.done $0x0;
	(pc) =	sbr.rel @p0 .LBB2_4-.Ltmp1, $4  }
0x89: {  	s25 =	sadd.s32 $0x1480, s25;
	[sflag:s20] =	ssyncadd.s32 $0xFFFFC000  }
0x8a: {  	[spmem:s2] =	stream.indirect.scatter.add.f32 [tilespmem:s18], [sflag:$0x3], $0x80, s25, s16, $0xb8;
	[tilespmem:$0x1E400] =	vst v63  }
0x8b: {  	_ =	swait.ge [sflag:s14], $0x4000  }
0x8c: {  	s26 =	smov.u32 s30;
	s25 =	sshra.s32 s29, $0x2;
	[sflag:s14] =	ssyncset.done $0x0  }
0x8d: {  	s26 =	sadd.s32 $0x80, s25;
	[sflag:s14] =	ssyncadd.s32 $0xFFFFC000  }
0x8e: {  	[tilespmem:s18], [sflag:$0x2] =	stream.indirect.gather [hbm4b:s4+s16], $0x80, s26, s16, $0xb8;
	[tilespmem:$0x1E400] =	vst v63  }
0x8f: {  	_ =	swait.ge [sflag:s19], $0x4000  }
0x90: {  	[sflag:s19] =	ssyncset.done $0x0  }
0x91: {  	s29 =	sadd.s32 $0x1400, s25;
	[sflag:s19] =	ssyncadd.s32 $0xFFFFC000  }
0x92: {  	[spmem:s2] =	stream.indirect.scatter.add.f32 [tilespmem:s17], [sflag:$0x3], $0x80, s29, s16, $0xb8;
	[tilespmem:$0x1E400] =	vst v63  }
0x93: {  	_ =	swait.ge [sflag:s14], $0x4000  }
0x94: {  	[sflag:s14] =	ssyncset.done $0x0  }
0x95: {  	s30 =	sadd.s32 $0x100, s25;
	[sflag:s14] =	ssyncadd.s32 $0xFFFFC000  }
0x96: {  	[tilespmem:s17], [sflag:$0x1] =	stream.indirect.gather [hbm4b:s4+s16], $0x80, s30, s16, $0xb8;
	[tilespmem:$0x1E400] =	vst v63  }
0x97: {  	_ =	swait.ge [sflag:s20], $0x4000  }
0x98: {  	[sflag:s20] =	ssyncset.done $0x0  }
0x99: {  	s31 =	sadd.s32 $0x1480, s25;
	[sflag:s20] =	ssyncadd.s32 $0xFFFFC000  }
0x9a: {  	[spmem:s2] =	stream.indirect.scatter.add.f32 [tilespmem:s18], [sflag:$0x3], $0x80, s31, s16, $0xb8;
	[tilespmem:$0x1E400] =	vst v63  }
0x9b: {  	_ =	swait.ge [sflag:s14], $0x4000  }
0x9c: {  	[sflag:s14] =	ssyncset.done $0x0  }
0x9d: {  	[sflag:s14] =	ssyncadd.s32 $0xFFFFC000  }
0x9e: {  	[tilespmem:s18], [sflag:$0x2] =	stream.indirect.gather [hbm4b:s4+s16], $0x80, s21, s16, $0xb8;
	[tilespmem:$0x1E400] =	vst v63  }
0x9f: {  	_ =	swait.ge [sflag:s19], $0x4000  }
0xa0: {  	[sflag:s19] =	ssyncset.done $0x0  }
0xa1: {  	[sflag:s19] =	ssyncadd.s32 $0xFFFFC000  }
0xa2: {  	[spmem:s2] =	stream.indirect.scatter.add.f32 [tilespmem:s17], [sflag:$0x3], $0x80, s22, s16, $0xb8;
	[tilespmem:$0x1E400] =	vst v63  }
0xa3: {  	_ =	swait.ge [sflag:s14], $0x4000  }
0xa4: {  	[sflag:s14] =	ssyncset.done $0x0  }
0xa5: {  	[sflag:s14] =	ssyncadd.s32 $0xFFFFC000  }
0xa6: {  	_ =	swait.ge [sflag:s20], $0x4000  }
0xa7: {  	[sflag:s20] =	ssyncset.done $0x0  }
0xa8: {  	[sflag:s20] =	ssyncadd.s32 $0xFFFFC000  }
0xa9: {  	[spmem:s2] =	stream.indirect.scatter.add.f32 [tilespmem:s18], [sflag:$0x3], $0x80, s23, s16, $0xb8;
	[tilespmem:$0x1E400] =	vst v63  }
0xaa: {  	_ =	swait.ge [sflag:s14], $0x4000  }
0xab: {  	s24 =	sadd.s32 $0x1, s24;
	[sflag:s14] =	ssyncset.done $0x0  }
0xac: {  	p0 =	sne.s32 s24, s12;
	[sflag:s14] =	ssyncadd.s32 $0xFFFFC000  }
.Ltmp2:
0xad: {  	[bflag:$0x0] =	sbarrier.arrive $0xFFFF;
	(pc) =	sbr.rel @p0 .LBB2_1-.Ltmp2, $4  }
0xae: {  	[hbm:s11], [sflag:s6] =	dma.local [spmem:s13], $0x2780  }
0xaf: {  	_ =	swait.ge [sflag:s14], $0x2780  }
0xb0: {  	[sflag:s14] =	ssyncset.done $0x0  }
0xb1: {  	[sflag:s14] =	ssyncadd.s32 $0xFFFFD880  }
0xb2: {  	_ =	sfence.sel $0x180000  }
0xb3: {  	[bflag:$0x0] =	sbarrier.arrive $0xFFFF  }
0xb4: {  	p0 =	sne.s32 s1, $0x0;
	_ =	strace $0x9000004D  }
0xb5: {  	s0 =	sadd.s32 @!p0 $0x100000, s0;
	[bflag:$0x2] =	sbarrier.arrive $0xFFFF  }
0xb6: {  	[sflag:s0] =	ssyncadd.tile.s32 @!p0 $0x1;
	_ =	shalt  }
.Lfunc_end2:
_tile_overlayer_lowered:
.L_overlay_start_2:
0xb7: {  	(tag) =	ssettag $0x2  }
0xb8: {  	s0 =	rddreg [dreg:$0x0];
	s2 =	stileid.u32  }
0xb9: {  	s1 =	rddreg [dreg:$0x1];
	p0 =	sne.s32 s2, $0x0  }
0xba: {  	s3 =	rddreg [dreg:$0x2];
	[bflag:$0x3] =	sbarrier.arrive $0xFFFF;
	s2 =	simm.s32 @!p0 $0x1C03  }
0xbb: {  	[timem:s3], [sflag:s2] =	dma.local @!p0 [hbm:s0], s1  }
0xbc: {  	s0 =	simm.s32 @!p0 $0x3  }
0xbd: {  	_ =	swait.ge @!p0 [sflag:s0], s1  }
0xbe: {  	s1 =	ssub.s32 @!p0 $0x0, s1;
	[sflag:s0] =	ssyncset.done @!p0 $0x0  }
0xbf: {  	[sflag:s0] =	ssyncadd.s32 @!p0 s1  }
0xc0: {  	[bflag:$0x3] =	sbarrier.arrive $0xFFFF  }
0xc1: {  	_ =	shalt  }

// kernel: kernel.19.cloned.1.call-start
scs
__scs_entry_jumppad:
0x0: {  	(pc) =	sbr.rel $0x88, $3  }
0x1: {  	(tag) =	ssettag $0x0;
	lr =	simm.s32 $0x1  }
0x2: {  	[smem:$0x3F8A] =	sst lr;
	_ =	strace $0xD0000000  }
0x3: {  	_ = 	snop  }
0x4: {  	_ = 	snop  }
0x5: {  	_ = 	snop  }
0x6: {  	_ = 	snop  }
0x7: {  	_ = 	snop  }
__scs_overlays_trampoline_lowered:
0x8: {  	[smem:$0x3F99] =	sst s0  }
0x9: {  	[smem:$0x3F9A] =	sst s1  }
0xa: {  	[smem:$0x3F9B] =	sst s2  }
0xb: {  	[smem:$0x3F9C] =	sst s3  }
0xc: {  	[smem:$0x3F9D] =	sst s4  }
0xd: {  	[smem:$0x3F9E] =	sst s5  }
0xe: {  	[smem:$0x3F9F] =	sst s6  }
0xf: {  	[smem:$0x3FA0] =	sst s7  }
0x10: {  	[smem:$0x3FA1] =	sst s8  }
0x11: {  	[smem:$0x3FA2] =	sst s9;
	s0 =	simm.s32 @!p0 $0x0  }
0x12: {  	s1 =	sld [smem:$0x3F88];
	s0 =	simm.s32 @p0 $0x1  }
0x13: {  	[smem:$0x3FA3] =	sst s0;
	s0 =	simm.s32 @!p1 $0x0  }
0x14: {  	s2 =	sld [smem:$0x3F87];
	s0 =	simm.s32 @p1 $0x1  }
0x15: {  	[smem:$0x3FA4] =	sst s0;
	s0 =	simm.s32 @!p2 $0x0  }
0x16: {  	s3 =	sld [smem:$0x3FDB];
	s0 =	simm.s32 @p2 $0x1  }
0x17: {  	s4 =	simm.s32 $0x1BF5;
	[smem:$0x3FA6] =	sst s0  }
0x18: {  	s0 =	sld [smem:$0x3F89];
	_ =	swait.ge [sflag:s4], $0x0  }
0x19: {  	s7 =	sld [smem:$0x3F8A]  }
0x1a: {  	s8 =	sadd.s32 $0xFFFFE003, lr  }
0x1b: {  	s9 =	sadd.s32 $0xFFFFFEF7, lr;
	s5 =	simm.s32 $0xFFFFFFFF;
	p2 =	slt.u32 s8, $0xFFFFF086  }
0x1c: {  	p1 =	slt.u32 s9, $0xF7A;
	s5 =	simm.s32 @!p2 $0x0  }
0x1d: {  	s5 =	simm.s32 @p1 $0x1;
	p0 =	seq.s32 s7, s2  }
0x1e: {  	s7 =	smul.u32 @!p0 $0xF7A, s2;
	p2 =	seq.s32 @!p0 s5, $0x0  }
0x1f: {  	s9 =	smul.u32 $0xF7A, s1;
	s8 =	simm.s32 @!p0 $0x1BF5;
	p2 =	por !p2, p0  }
0x20: {  	[sflag:s8] =	ssyncset.s32 @!p0 $0xFFFFF086;
	s6 =	sadd.s32 @!p0 s3, s7;
	s7 =	simm.s32 @!p0 $0x108  }
0x21: {  	s3 =	sadd.s32 s3, s9;
	s6 =	sadd.s32 @!p0 $0x88, s6;
	s7 =	simm.s32 @p2 $0x1082  }
0x22: {  	[simem:s7], [sflag:s8] =	dma.local @!p0 [hbm:s6], $0xF7A  }
0x23: {  	s9 =	sor.u32 $0xD0000000, s2;
	s6 =	simm.s32 $0x108;
	_ =	swait.ge @!p0 [sflag:s8], $0x0  }
0x24: {  	s3 =	sadd.s32 $0x88, s3;
	s6 =	simm.s32 @!p1 $0x1082;
	[sflag:s4] =	ssyncset.s32 $0xFFFFF086  }
0x25: {  	[simem:s6], [sflag:s4] =	dma.local [hbm:s3], $0xF7A  }
0x26: {  	[smem:$0x3F8A] =	sst s1;
	(tag) =	ssettag s2;
	_ =	strace s9  }
0x27: {  	s1 =	sld [smem:$0x3F9A]  }
0x28: {  	s2 =	sld [smem:$0x3F9B]  }
0x29: {  	s4 =	sld [smem:$0x3F9D]  }
0x2a: {  	p0 =	seq.s32 s5, $0x0;
	s5 =	sld [smem:$0x3F9E]  }
0x2b: {  	s6 =	sld [smem:$0x3F9F]  }
0x2c: {  	s7 =	sld [smem:$0x3FA0]  }
0x2d: {  	s3 =	simm.s32 $0x108;
	s8 =	sld [smem:$0x3FA1]  }
0x2e: {  	s3 =	simm.s32 @!p0 $0x1082;
	s9 =	sld [smem:$0x3FA2]  }
0x2f: {  	lr =	sadd.s32 s0, s3;
	s0 =	sld [smem:$0x3F99]  }
0x30: {  	s3 =	sld [smem:$0x3F9C]  }
0x31: {  	[smem:$0x3FA5] =	sst s10  }
0x32: {  	s10 =	sld [smem:$0x3FA3];
	_ =	sdelay $0x3  }
0x33: {  	p0 =	seq.s32 s10, $0x1;
	s10 =	sld [smem:$0x3FA5];
	_ =	sdelay $0x3  }
0x34: {  	[smem:$0x3FA5] =	sst s10  }
0x35: {  	s10 =	sld [smem:$0x3FA4];
	_ =	sdelay $0x3  }
0x36: {  	p1 =	seq.s32 s10, $0x1;
	s10 =	sld [smem:$0x3FA5];
	_ =	sdelay $0x3  }
0x37: {  	[smem:$0x3FA5] =	sst s10  }
0x38: {  	s10 =	sld [smem:$0x3FA6]  }
0x39: {  	_ = 	snop;
	(pc) =	sbr.ind lr, $3  }
0x3a: {  	_ = 	snop  }
0x3b: {  	_ = 	snop  }
0x3c: {  	p2 =	seq.s32 s10, $0x1;
	s10 =	sld [smem:$0x3FA5]  }
0x3d: {  	_ =	shalt  }
0x3e: {  	_ =	shalt  }
0x3f: {  	_ =	shalt  }
0x40: {  	_ =	shalt  }
0x41: {  	_ =	shalt  }
0x42: {  	_ =	shalt  }
0x43: {  	_ =	shalt  }
0x44: {  	_ =	shalt  }
0x45: {  	_ =	shalt  }
0x46: {  	_ =	shalt  }
0x47: {  	_ =	shalt  }
0x48: {  	_ =	shalt  }
0x49: {  	_ =	shalt  }
0x4a: {  	_ =	shalt  }
0x4b: {  	_ =	shalt  }
0x4c: {  	_ =	shalt  }
0x4d: {  	_ =	shalt  }
0x4e: {  	_ =	shalt  }
0x4f: {  	_ =	shalt  }
0x50: {  	_ =	shalt  }
0x51: {  	_ =	shalt  }
0x52: {  	_ =	shalt  }
0x53: {  	_ =	shalt  }
0x54: {  	_ =	shalt  }
0x55: {  	_ =	shalt  }
0x56: {  	_ =	shalt  }
0x57: {  	_ =	shalt  }
0x58: {  	_ =	shalt  }
0x59: {  	_ =	shalt  }
0x5a: {  	_ =	shalt  }
0x5b: {  	_ =	shalt  }
0x5c: {  	_ =	shalt  }
0x5d: {  	_ =	shalt  }
0x5e: {  	_ =	shalt  }
0x5f: {  	_ =	shalt  }
0x60: {  	_ =	shalt  }
0x61: {  	_ =	shalt  }
0x62: {  	_ =	shalt  }
0x63: {  	_ =	shalt  }
0x64: {  	_ =	shalt  }
0x65: {  	_ =	shalt  }
0x66: {  	_ =	shalt  }
0x67: {  	_ =	shalt  }
0x68: {  	_ =	shalt  }
0x69: {  	_ =	shalt  }
0x6a: {  	_ =	shalt  }
0x6b: {  	_ =	shalt  }
0x6c: {  	_ =	shalt  }
0x6d: {  	_ =	shalt  }
0x6e: {  	_ =	shalt  }
0x6f: {  	_ =	shalt  }
0x70: {  	_ =	shalt  }
0x71: {  	_ =	shalt  }
0x72: {  	_ =	shalt  }
0x73: {  	_ =	shalt  }
0x74: {  	_ =	shalt  }
0x75: {  	_ =	shalt  }
0x76: {  	_ =	shalt  }
0x77: {  	_ =	shalt  }
0x78: {  	_ =	shalt  }
0x79: {  	_ =	shalt  }
0x7a: {  	_ =	shalt  }
0x7b: {  	_ =	shalt  }
0x7c: {  	_ =	shalt  }
0x7d: {  	_ =	shalt  }
0x7e: {  	_ =	shalt  }
0x7f: {  	_ =	shalt  }
0x80: {  	_ =	shalt  }
0x81: {  	_ =	shalt  }
0x82: {  	_ =	shalt  }
0x83: {  	_ =	shalt  }
0x84: {  	_ =	shalt  }
0x85: {  	_ =	shalt  }
0x86: {  	_ =	shalt  }
0x87: {  	_ =	shalt  }
.Lfunc_end0:
.L_simem_size_0:
called_computation.3_lowered:
.L_overlay_start_0:
0x88: {  	s2 =	sld [smem:$0x3FD9]  }
0x89: {  	s3 =	sld [smem:$0x3FFE];
	_ =	sdelay $0x1  }
0x8a: {  	s1 =	srdreg.scid  }
0x8b: {  	s0 =	sand.u32 $0x1, s1  }
0x8c: {  	s16 =	sshll.u32 s0, $0xA;
	s2 =	sadd.s32 s3, s2  }
0x8d: {  	s2 =	sadd.s32 s2, s16  }
0x8e: {  	[smem:$0x3FB1] =	sst s2  }
0x8f: {  	_ = 	snop  }
0x90: {  	(tm) =	ssettm $0x1  }
0x91: {  	s17 =	sld [smem:$0x3FFB];
	_ =	sdelay $0x3  }
0x92: {  	_ =	strace s17  }
0x93: {  	s2 =	sld [smem:$0x3FFC];
	_ =	sdelay $0x3  }
0x94: {  	_ =	strace s2  }
0x95: {  	s2 =	sld [smem:$0x3FFD];
	_ =	sdelay $0x3  }
0x96: {  	_ =	strace s2  }
0x97: {  	_ =	strace $0x8FFFFFFF  }
0x98: {  	s18 =	sld [smem:$0x3FDB];
	_ =	sdelay $0x1  }
0x99: {  	s19 =	simm.s32 $_scs_section_size  }
0x9a: {  	s4 =	simm.s32 $_size__tile_overlayer_lowered;
	s5 =	simm.s32 $_tile_overlayer_lowered  }
0x9b: {  	s22 =	simm.s32 $0x1BFF;
	s21 =	sshll.u32 s5, $0x1;
	s2 =	sadd.s32 s19, s18  }
0x9c: {  	s6 =	simm.s32 $0x0;
	s20 =	sshll.u32 s4, $0x1;
	s4 =	sadd.s32 s21, s2  }
0x9d: {  	[timem:s6], [sflag:s22] =	dma.local [hbm:s4], s20  }
0x9e: {  	_ =	swait.ge [sflag:s22], s20  }
0x9f: {  	s3 =	ssub.s32 $0x0, s20;
	[sflag:s22] =	ssyncset.done $0x0  }
0xa0: {  	[sflag:s22] =	ssyncadd.s32 s3;
	_ =	sdelay $0x1  }
0xa1: {  	s23 =	simm.s32 $0x1B8B  }
0xa2: {  	_ =	swait.ge [sflag:s23], $0x1  }
0xa3: {  	[sflag:s23] =	ssyncset.done $0x0  }
0xa4: {  	s25 =	simm.s32 $0x1B8E;
	s24 =	sld [smem:$0x3FFE];
	[sflag:s23] =	ssyncadd.s32 $0xFFFFFFFF  }
0xa5: {  	s26 =	simm.s32 $execute0_lowered;
	[smem:$0x3FD2] =	sst s25  }
0xa6: {  	s4 =	sshll.u32 s26, $0x1;
	_ =	strace $0x8000004F;
	[dreg:$0x1] =	wrdreg $0xFFFFFFFF  }
0xa7: {  	s28 =	simm.s32 $_size_execute0_lowered;
	s2 =	sadd.s32 s2, s4;
	[dreg:$0x0] =	wrdreg $0x0  }
0xa8: {  	s4 =	sshll.u32 s28, $0x1;
	[dreg:$0x2] =	wrdreg s2  }
0xa9: {  	[dreg:$0x3] =	wrdreg s4  }
0xaa: {  	[dreg:$0x4] =	wrdreg $0xC0  }
0xab: {  	_ =	task [dreg:s6], $0x5FFFF  }
0xac: {  	[dreg:$0x1] =	wrdreg $0xFFFFFFFF  }
0xad: {  	[dreg:$0x0] =	wrdreg $0x60  }
0xae: {  	[dreg:$0x2] =	wrdreg s24  }
0xaf: {  	[dreg:$0x3] =	wrdreg $0xA8000  }
0xb0: {  	[dreg:$0x4] =	wrdreg $0x9  }
0xb1: {  	_ =	task.clear_ibuf [dreg:s6], $0x5FFFF;
	_ =	strace $0x9000004F  }
0xb2: {  	s29 =	simm.s32 $0x9;
	_ =	strace $0x80000051  }
0xb3: {  	_ =	swait.ge [sflag:s29], $0x1  }
0xb4: {  	[sflag:s29] =	ssyncadd.s32 $0xFFFFFFFF  }
0xb5: {  	_ =	strace $0x90000051  }
0xb6: {  	_ =	sfence  }
0xb7: {  	s30 =	sld [smem:$0x0];
	_ =	sdelay $0x2  }
0xb8: {  	s31 =	sshll.u32 s1, $0xD;
	s1 =	sshrl.u32 s1, $0x2  }
0xb9: {  	s3 =	sand.u32 $0x4000, s31;
	s1 =	sadd.s32 s1, s30  }
0xba: {  	s0 =	sor.u32 s3, s0;
	s1 =	sshll.u32 s1, $0x11  }
0xbb: {  	s0 =	sor.u32 s1, s0  }
0xbc: {  	s0 =	sadd.s32 $0x8F2B, s0  }
0xbd: {  	[sflag:s0] =	ssyncadd.remote.s32 $0x1  }
0xbe: {  	_ =	sfence.sel $0xFFFF  }
0xbf: {  	[dreg:$0x0] =	wrdreg $0xFFFFFFFF;
	(pc) =	sbr.abs _section_cstart, $3  }
0xc0: {  	[dreg:$0x1] =	wrdreg $0xFFFFFFFF  }
0xc1: {  	_ =	task.clear_ibuf [dreg:s6], $0x2FFFF;
	_ =	strace $0x9FFFFFFF  }
0xc2: {  	(tm) =	ssettm $0x7FFFFFFF  }
0xc3: {  	_ =	shalt  }
tec
execute0_lowered:
.L_overlay_start_1:
0x0: {  	(tag) =	ssettag $0x1  }
0x1: {  	s5 =	rddreg [dreg:$0x0]  }
0x2: {  	s2 =	rddreg [dreg:$0x1]  }
0x3: {  	s0 =	rddreg [dreg:$0x2];
	s3 =	simm.s32 $0x0  }
0x4: {  	s1 =	stileid.u32;
	s4 =	srdreg.scid;
	s17 =	simm.s32 $0x2800  }
0x5: {  	s18 =	simm.s32 $0x6800;
	s19 =	simm.s32 $0x1;
	s20 =	simm.s32 $0x2  }
0x6: {  	s21 =	simm.s32 $0x1380;
	s22 =	simm.s32 $0x2700;
	s23 =	simm.s32 $0x2780  }
0x7: {  	s24 =	simm.s32 $0x0;
	[smem:$0x7FF] =	sst s3;
	s6 =	smul.u32 $0x13C00, s1  }
0x8: {  	s7 =	sand.u32 $0x1, s4;
	s4 =	sadd.s32 $0x91200, s5;
	s10 =	sadd.s32 $0x10200, s5  }
0x9: {  	s11 =	sadd.s32 $0x6200, s5;
	s25 =	sshll.u32 s1, $0x1;
	s12 =	smul.u32 $0x4F000, s1  }
0xa: {  	s28 =	sshll.u32 s1, $0x6;
	_ =	strace $0x80000050;
	s9 =	smul.u32 $0x13C000, s7  }
0xb: {  	s13 =	ssub.s32 $0x2, s7;
	s7 =	sor.u32 s7, s25;
	s8 =	sshrl.u32 s6, $0x3  }
0xc: {  	s26 =	sshrl.u32 s13, $0x1;
	s12 =	sshrl.u32 s12, $0x2;
	s14 =	smul.u32 $0x2800, s7  }
0xd: {  	s29 =	smul.u32 $0x500, s7;
	s8 =	sadd.s32 s8, s5;
	s6 =	sadd.s32 s6, s9  }
0xe: {  	s13 =	ssub.s32 s13, s26;
	s16 =	sadd.s32 s12, s2;
	s6 =	sshrl.u32 s6, $0x3  }
0xf: {  	s30 =	sshrl.u32 s14, $0x3;
	s7 =	sadd.s32 s10, s29;
	s12 =	smax.u32 s13, $0x1  }
0x10: {  	s13 =	sshrl.u32 s16, $0x3;
	s14 =	simm.s32 $0x3;
	s16 =	simm.s32 $0x80  }
0x11: {  	s15 =	sadd.s32 s6, s5;
	s5 =	sadd.s32 $0x1A200, s8;
	s31 =	sadd.s32 $0x280, s30  }
0x12: {  	s6 =	sor.u32 $0x1C03, s28;
	s8 =	sadd.s32 s11, s29;
	s9 =	sadd.s32 s10, s31  }
0x13: {  	s10 =	sadd.s32 s11, s31;
	s11 =	sadd.s32 $0xB8400, s15;
	s15 =	simm.s32 $0x1400  }
.LBB2_1:
0x14: {  	[spmem:s13], [sflag:s6] =	dma.local [hbm:s5], $0x2780  }
0x15: {  	_ =	swait.ge [sflag:s14], $0x2780  }
0x16: {  	[sflag:s14] =	ssyncset.done $0x0  }
0x17: {  	[sflag:s14] =	ssyncadd.s32 $0xFFFFD880  }
0x18: {  	[bflag:$0x0] =	sbarrier.arrive $0xFFFF  }
0x19: {  	[tilespmem:s3], [sflag:$0x3] =	stream.linear.gather [hbm4b:s7+s3], $0x1400, $0x38;
	[tilespmem:$0x1E400] =	vst v63  }
0x1a: {  	_ =	swait.ge [sflag:s14], $0x1400  }
0x1b: {  	[sflag:s14] =	ssyncset.done $0x0  }
0x1c: {  	[sflag:s14] =	ssyncadd.s32 $0xFFFFEC00  }
0x1d: {  	[tilespmem:s15], [sflag:$0x3] =	stream.linear.gather [hbm4b:s8+s3], $0x1400, $0x38;
	[tilespmem:$0x1E400] =	vst v63  }
0x1e: {  	_ =	swait.ge [sflag:s14], $0x1400  }
0x1f: {  	[sflag:s14] =	ssyncset.done $0x0  }
0x20: {  	[sflag:s14] =	ssyncadd.s32 $0xFFFFEC00  }
0x21: {  	[tilespmem:s17], [sflag:$0x1] =	stream.indirect.gather [hbm4b:s4+s16], $0x80, s3, s16, $0xb8;
	[tilespmem:$0x1E400] =	vst v63  }
0x22: {  	s25 =	simm.s32 $0x80  }
0x23: {  	[tilespmem:s18], [sflag:$0x2] =	stream.indirect.gather [hbm4b:s4+s16], $0x80, s25, s16, $0xb8;
	[tilespmem:$0x1E400] =	vst v63  }
0x24: {  	_ =	swait.ge [sflag:s19], $0x4000  }
0x25: {  	[sflag:s19] =	ssyncset.done $0x0  }
0x26: {  	s29 =	simm.s32 $0x1400;
	[sflag:s19] =	ssyncadd.s32 $0xFFFFC000  }
0x27: {  	[spmem:s2] =	stream.indirect.scatter.add.f32 [tilespmem:s17], [sflag:$0x3], $0x80, s29, s16, $0xb8;
	[tilespmem:$0x1E400] =	vst v63  }
0x28: {  	_ =	swait.ge [sflag:s14], $0x4000  }
0x29: {  	[sflag:s14] =	ssyncset.done $0x0  }
0x2a: {  	s30 =	simm.s32 $0x100;
	[sflag:s14] =	ssyncadd.s32 $0xFFFFC000  }
0x2b: {  	[tilespmem:s17], [sflag:$0x1] =	stream.indirect.gather [hbm4b:s4+s16], $0x80, s30, s16, $0xb8;
	[tilespmem:$0x1E400] =	vst v63  }
0x2c: {  	_ =	swait.ge [sflag:s20], $0x4000  }
0x2d: {  	[sflag:s20] =	ssyncset.done $0x0  }
0x2e: {  	s31 =	simm.s32 $0x1480;
	[sflag:s20] =	ssyncadd.s32 $0xFFFFC000  }
0x2f: {  	[spmem:s2] =	stream.indirect.scatter.add.f32 [tilespmem:s18], [sflag:$0x3], $0x80, s31, s16, $0xb8;
	[tilespmem:$0x1E400] =	vst v63  }
0x30: {  	_ =	swait.ge [sflag:s14], $0x4000  }
0x31: {  	s26 =	simm.s32 $0x800;
	s25 =	simm.s32 $0x100;
	[sflag:s14] =	ssyncset.done $0x0  }
.LBB2_2:
0x32: {  	s28 =	sadd.s32 $0x80, s25  }
0x33: {  	[sflag:s14] =	ssyncadd.s32 $0xFFFFC000;
	s29 =	smov.u32 s26;
	s30 =	sadd.s32 $0x400, s26  }
0x34: {  	[tilespmem:s18], [sflag:$0x2] =	stream.indirect.gather [hbm4b:s4+s16], $0x80, s28, s16, $0xb8;
	[tilespmem:$0x1E400] =	vst v63  }
0x35: {  	p0 =	sne.s32 s26, $0x4800;
	_ =	swait.ge [sflag:s19], $0x4000  }
0x36: {  	[sflag:s19] =	ssyncset.done $0x0  }
0x37: {  	s26 =	sadd.s32 $0x1400, s25;
	[sflag:s19] =	ssyncadd.s32 $0xFFFFC000  }
0x38: {  	[spmem:s2] =	stream.indirect.scatter.add.f32 [tilespmem:s17], [sflag:$0x3], $0x80, s26, s16, $0xb8;
	[tilespmem:$0x1E400] =	vst v63  }
0x39: {  	_ =	swait.ge [sflag:s14], $0x4000  }
0x3a: {  	[sflag:s14] =	ssyncset.done $0x0  }
0x3b: {  	s26 =	sadd.s32 $0x100, s25;
	[sflag:s14] =	ssyncadd.s32 $0xFFFFC000  }
0x3c: {  	[tilespmem:s17], [sflag:$0x1] =	stream.indirect.gather [hbm4b:s4+s16], $0x80, s26, s16, $0xb8;
	[tilespmem:$0x1E400] =	vst v63  }
0x3d: {  	_ =	swait.ge [sflag:s20], $0x4000  }
.Ltmp0:
0x3e: {  	[sflag:s20] =	ssyncset.done $0x0;
	(pc) =	sbr.rel @p0 .LBB2_2-.Ltmp0, $4  }
0x3f: {  	s25 =	sadd.s32 $0x1480, s25;
	[sflag:s20] =	ssyncadd.s32 $0xFFFFC000  }
0x40: {  	[spmem:s2] =	stream.indirect.scatter.add.f32 [tilespmem:s18], [sflag:$0x3], $0x80, s25, s16, $0xb8;
	[tilespmem:$0x1E400] =	vst v63  }
0x41: {  	_ =	swait.ge [sflag:s14], $0x4000  }
0x42: {  	s26 =	smov.u32 s30;
	s25 =	sshra.s32 s29, $0x2;
	[sflag:s14] =	ssyncset.done $0x0  }
0x43: {  	s26 =	sadd.s32 $0x80, s25;
	[sflag:s14] =	ssyncadd.s32 $0xFFFFC000  }
0x44: {  	[tilespmem:s18], [sflag:$0x2] =	stream.indirect.gather [hbm4b:s4+s16], $0x80, s26, s16, $0xb8;
	[tilespmem:$0x1E400] =	vst v63  }
0x45: {  	_ =	swait.ge [sflag:s19], $0x4000  }
0x46: {  	[sflag:s19] =	ssyncset.done $0x0  }
0x47: {  	s29 =	sadd.s32 $0x1400, s25;
	[sflag:s19] =	ssyncadd.s32 $0xFFFFC000  }
0x48: {  	[spmem:s2] =	stream.indirect.scatter.add.f32 [tilespmem:s17], [sflag:$0x3], $0x80, s29, s16, $0xb8;
	[tilespmem:$0x1E400] =	vst v63  }
0x49: {  	_ =	swait.ge [sflag:s14], $0x4000  }
0x4a: {  	[sflag:s14] =	ssyncset.done $0x0  }
0x4b: {  	s30 =	sadd.s32 $0x100, s25;
	[sflag:s14] =	ssyncadd.s32 $0xFFFFC000  }
0x4c: {  	[tilespmem:s17], [sflag:$0x1] =	stream.indirect.gather [hbm4b:s4+s16], $0x80, s30, s16, $0xb8;
	[tilespmem:$0x1E400] =	vst v63  }
0x4d: {  	_ =	swait.ge [sflag:s20], $0x4000  }
0x4e: {  	[sflag:s20] =	ssyncset.done $0x0  }
0x4f: {  	s31 =	sadd.s32 $0x1480, s25;
	[sflag:s20] =	ssyncadd.s32 $0xFFFFC000  }
0x50: {  	[spmem:s2] =	stream.indirect.scatter.add.f32 [tilespmem:s18], [sflag:$0x3], $0x80, s31, s16, $0xb8;
	[tilespmem:$0x1E400] =	vst v63  }
0x51: {  	_ =	swait.ge [sflag:s14], $0x4000  }
0x52: {  	[sflag:s14] =	ssyncset.done $0x0  }
0x53: {  	[sflag:s14] =	ssyncadd.s32 $0xFFFFC000  }
0x54: {  	[tilespmem:s18], [sflag:$0x2] =	stream.indirect.gather [hbm4b:s4+s16], $0x80, s21, s16, $0xb8;
	[tilespmem:$0x1E400] =	vst v63  }
0x55: {  	_ =	swait.ge [sflag:s19], $0x4000  }
0x56: {  	[sflag:s19] =	ssyncset.done $0x0  }
0x57: {  	[sflag:s19] =	ssyncadd.s32 $0xFFFFC000  }
0x58: {  	[spmem:s2] =	stream.indirect.scatter.add.f32 [tilespmem:s17], [sflag:$0x3], $0x80, s22, s16, $0xb8;
	[tilespmem:$0x1E400] =	vst v63  }
0x59: {  	_ =	swait.ge [sflag:s14], $0x4000  }
0x5a: {  	[sflag:s14] =	ssyncset.done $0x0  }
0x5b: {  	[sflag:s14] =	ssyncadd.s32 $0xFFFFC000  }
0x5c: {  	_ =	swait.ge [sflag:s20], $0x4000  }
0x5d: {  	[sflag:s20] =	ssyncset.done $0x0  }
0x5e: {  	[sflag:s20] =	ssyncadd.s32 $0xFFFFC000  }
0x5f: {  	[spmem:s2] =	stream.indirect.scatter.add.f32 [tilespmem:s18], [sflag:$0x3], $0x80, s23, s16, $0xb8;
	[tilespmem:$0x1E400] =	vst v63  }
0x60: {  	_ =	swait.ge [sflag:s14], $0x4000  }
0x61: {  	[sflag:s14] =	ssyncset.done $0x0  }
0x62: {  	s26 =	simm.s32 $0x0;
	[sflag:s14] =	ssyncadd.s32 $0xFFFFC000  }
0x63: {  	[tilespmem:s26], [sflag:$0x3] =	stream.linear.gather [hbm4b:s9+s26], $0x1400, $0x38;
	[tilespmem:$0x1E400] =	vst v63  }
0x64: {  	_ =	swait.ge [sflag:s14], $0x1400  }
0x65: {  	[sflag:s14] =	ssyncset.done $0x0  }
0x66: {  	[sflag:s14] =	ssyncadd.s32 $0xFFFFEC00  }
0x67: {  	[tilespmem:s15], [sflag:$0x3] =	stream.linear.gather [hbm4b:s10+s26], $0x1400, $0x38;
	[tilespmem:$0x1E400] =	vst v63  }
0x68: {  	_ =	swait.ge [sflag:s14], $0x1400  }
0x69: {  	[sflag:s14] =	ssyncset.done $0x0  }
0x6a: {  	[sflag:s14] =	ssyncadd.s32 $0xFFFFEC00  }
0x6b: {  	[tilespmem:s17], [sflag:$0x1] =	stream.indirect.gather [hbm4b:s4+s16], $0x80, s26, s16, $0xb8;
	[tilespmem:$0x1E400] =	vst v63  }
0x6c: {  	s28 =	simm.s32 $0x80  }
0x6d: {  	[tilespmem:s18], [sflag:$0x2] =	stream.indirect.gather [hbm4b:s4+s16], $0x80, s28, s16, $0xb8;
	[tilespmem:$0x1E400] =	vst v63  }
0x6e: {  	_ =	swait.ge [sflag:s19], $0x4000  }
0x6f: {  	[sflag:s19] =	ssyncset.done $0x0  }
0x70: {  	s29 =	simm.s32 $0x1400;
	[sflag:s19] =	ssyncadd.s32 $0xFFFFC000  }
0x71: {  	[spmem:s2] =	stream.indirect.scatter.add.f32 [tilespmem:s17], [sflag:$0x3], $0x80, s29, s16, $0xb8;
	[tilespmem:$0x1E400] =	vst v63  }
0x72: {  	_ =	swait.ge [sflag:s14], $0x4000  }
0x73: {  	[sflag:s14] =	ssyncset.done $0x0  }
0x74: {  	s30 =	simm.s32 $0x100;
	[sflag:s14] =	ssyncadd.s32 $0xFFFFC000  }
0x75: {  	[tilespmem:s17], [sflag:$0x1] =	stream.indirect.gather [hbm4b:s4+s16], $0x80, s30, s16, $0xb8;
	[tilespmem:$0x1E400] =	vst v63  }
0x76: {  	_ =	swait.ge [sflag:s20], $0x4000  }
0x77: {  	[sflag:s20] =	ssyncset.done $0x0  }
0x78: {  	s31 =	simm.s32 $0x1480;
	[sflag:s20] =	ssyncadd.s32 $0xFFFFC000  }
0x79: {  	[spmem:s2] =	stream.indirect.scatter.add.f32 [tilespmem:s18], [sflag:$0x3], $0x80, s31, s16, $0xb8;
	[tilespmem:$0x1E400] =	vst v63  }
0x7a: {  	_ =	swait.ge [sflag:s14], $0x4000  }
0x7b: {  	s25 =	simm.s32 $0x100;
	s26 =	simm.s32 $0x800;
	[sflag:s14] =	ssyncset.done $0x0  }
.LBB2_4:
0x7c: {  	s28 =	sadd.s32 $0x80, s25  }
0x7d: {  	[sflag:s14] =	ssyncadd.s32 $0xFFFFC000;
	s29 =	smov.u32 s26;
	s30 =	sadd.s32 $0x400, s26  }
0x7e: {  	[tilespmem:s18], [sflag:$0x2] =	stream.indirect.gather [hbm4b:s4+s16], $0x80, s28, s16, $0xb8;
	[tilespmem:$0x1E400] =	vst v63  }
0x7f: {  	p0 =	sne.s32 s26, $0x4800;
	_ =	swait.ge [sflag:s19], $0x4000  }
0x80: {  	[sflag:s19] =	ssyncset.done $0x0  }
0x81: {  	s26 =	sadd.s32 $0x1400, s25;
	[sflag:s19] =	ssyncadd.s32 $0xFFFFC000  }
0x82: {  	[spmem:s2] =	stream.indirect.scatter.add.f32 [tilespmem:s17], [sflag:$0x3], $0x80, s26, s16, $0xb8;
	[tilespmem:$0x1E400] =	vst v63  }
0x83: {  	_ =	swait.ge [sflag:s14], $0x4000  }
0x84: {  	[sflag:s14] =	ssyncset.done $0x0  }
0x85: {  	s26 =	sadd.s32 $0x100, s25;
	[sflag:s14] =	ssyncadd.s32 $0xFFFFC000  }
0x86: {  	[tilespmem:s17], [sflag:$0x1] =	stream.indirect.gather [hbm4b:s4+s16], $0x80, s26, s16, $0xb8;
	[tilespmem:$0x1E400] =	vst v63  }
0x87: {  	_ =	swait.ge [sflag:s20], $0x4000  }
.Ltmp1:
0x88: {  	[sflag:s20] =	ssyncset.done $0x0;
	(pc) =	sbr.rel @p0 .LBB2_4-.Ltmp1, $4  }
0x89: {  	s25 =	sadd.s32 $0x1480, s25;
	[sflag:s20] =	ssyncadd.s32 $0xFFFFC000  }
0x8a: {  	[spmem:s2] =	stream.indirect.scatter.add.f32 [tilespmem:s18], [sflag:$0x3], $0x80, s25, s16, $0xb8;
	[tilespmem:$0x1E400] =	vst v63  }
0x8b: {  	_ =	swait.ge [sflag:s14], $0x4000  }
0x8c: {  	s26 =	smov.u32 s30;
	s25 =	sshra.s32 s29, $0x2;
	[sflag:s14] =	ssyncset.done $0x0  }
0x8d: {  	s26 =	sadd.s32 $0x80, s25;
	[sflag:s14] =	ssyncadd.s32 $0xFFFFC000  }
0x8e: {  	[tilespmem:s18], [sflag:$0x2] =	stream.indirect.gather [hbm4b:s4+s16], $0x80, s26, s16, $0xb8;
	[tilespmem:$0x1E400] =	vst v63  }
0x8f: {  	_ =	swait.ge [sflag:s19], $0x4000  }
0x90: {  	[sflag:s19] =	ssyncset.done $0x0  }
0x91: {  	s29 =	sadd.s32 $0x1400, s25;
	[sflag:s19] =	ssyncadd.s32 $0xFFFFC000  }
0x92: {  	[spmem:s2] =	stream.indirect.scatter.add.f32 [tilespmem:s17], [sflag:$0x3], $0x80, s29, s16, $0xb8;
	[tilespmem:$0x1E400] =	vst v63  }
0x93: {  	_ =	swait.ge [sflag:s14], $0x4000  }
0x94: {  	[sflag:s14] =	ssyncset.done $0x0  }
0x95: {  	s30 =	sadd.s32 $0x100, s25;
	[sflag:s14] =	ssyncadd.s32 $0xFFFFC000  }
0x96: {  	[tilespmem:s17], [sflag:$0x1] =	stream.indirect.gather [hbm4b:s4+s16], $0x80, s30, s16, $0xb8;
	[tilespmem:$0x1E400] =	vst v63  }
0x97: {  	_ =	swait.ge [sflag:s20], $0x4000  }
0x98: {  	[sflag:s20] =	ssyncset.done $0x0  }
0x99: {  	s31 =	sadd.s32 $0x1480, s25;
	[sflag:s20] =	ssyncadd.s32 $0xFFFFC000  }
0x9a: {  	[spmem:s2] =	stream.indirect.scatter.add.f32 [tilespmem:s18], [sflag:$0x3], $0x80, s31, s16, $0xb8;
	[tilespmem:$0x1E400] =	vst v63  }
0x9b: {  	_ =	swait.ge [sflag:s14], $0x4000  }
0x9c: {  	[sflag:s14] =	ssyncset.done $0x0  }
0x9d: {  	[sflag:s14] =	ssyncadd.s32 $0xFFFFC000  }
0x9e: {  	[tilespmem:s18], [sflag:$0x2] =	stream.indirect.gather [hbm4b:s4+s16], $0x80, s21, s16, $0xb8;
	[tilespmem:$0x1E400] =	vst v63  }
0x9f: {  	_ =	swait.ge [sflag:s19], $0x4000  }
0xa0: {  	[sflag:s19] =	ssyncset.done $0x0  }
0xa1: {  	[sflag:s19] =	ssyncadd.s32 $0xFFFFC000  }
0xa2: {  	[spmem:s2] =	stream.indirect.scatter.add.f32 [tilespmem:s17], [sflag:$0x3], $0x80, s22, s16, $0xb8;
	[tilespmem:$0x1E400] =	vst v63  }
0xa3: {  	_ =	swait.ge [sflag:s14], $0x4000  }
0xa4: {  	[sflag:s14] =	ssyncset.done $0x0  }
0xa5: {  	[sflag:s14] =	ssyncadd.s32 $0xFFFFC000  }
0xa6: {  	_ =	swait.ge [sflag:s20], $0x4000  }
0xa7: {  	[sflag:s20] =	ssyncset.done $0x0  }
0xa8: {  	[sflag:s20] =	ssyncadd.s32 $0xFFFFC000  }
0xa9: {  	[spmem:s2] =	stream.indirect.scatter.add.f32 [tilespmem:s18], [sflag:$0x3], $0x80, s23, s16, $0xb8;
	[tilespmem:$0x1E400] =	vst v63  }
0xaa: {  	_ =	swait.ge [sflag:s14], $0x4000  }
0xab: {  	s24 =	sadd.s32 $0x1, s24;
	[sflag:s14] =	ssyncset.done $0x0  }
0xac: {  	p0 =	sne.s32 s24, s12;
	[sflag:s14] =	ssyncadd.s32 $0xFFFFC000  }
.Ltmp2:
0xad: {  	[bflag:$0x0] =	sbarrier.arrive $0xFFFF;
	(pc) =	sbr.rel @p0 .LBB2_1-.Ltmp2, $4  }
0xae: {  	[hbm:s11], [sflag:s6] =	dma.local [spmem:s13], $0x2780  }
0xaf: {  	_ =	swait.ge [sflag:s14], $0x2780  }
0xb0: {  	[sflag:s14] =	ssyncset.done $0x0  }
0xb1: {  	[sflag:s14] =	ssyncadd.s32 $0xFFFFD880  }
0xb2: {  	_ =	sfence.sel $0x180000  }
0xb3: {  	[bflag:$0x0] =	sbarrier.arrive $0xFFFF  }
0xb4: {  	p0 =	sne.s32 s1, $0x0;
	_ =	strace $0x90000050  }
0xb5: {  	s0 =	sadd.s32 @!p0 $0x100000, s0;
	[bflag:$0x2] =	sbarrier.arrive $0xFFFF  }
0xb6: {  	[sflag:s0] =	ssyncadd.tile.s32 @!p0 $0x1;
	_ =	shalt  }
.Lfunc_end2:
_tile_overlayer_lowered:
.L_overlay_start_2:
0xb7: {  	(tag) =	ssettag $0x2  }
0xb8: {  	s0 =	rddreg [dreg:$0x0];
	s2 =	stileid.u32  }
0xb9: {  	s1 =	rddreg [dreg:$0x1];
	p0 =	sne.s32 s2, $0x0  }
0xba: {  	s3 =	rddreg [dreg:$0x2];
	[bflag:$0x3] =	sbarrier.arrive $0xFFFF;
	s2 =	simm.s32 @!p0 $0x1C03  }
0xbb: {  	[timem:s3], [sflag:s2] =	dma.local @!p0 [hbm:s0], s1  }
0xbc: {  	s0 =	simm.s32 @!p0 $0x3  }
0xbd: {  	_ =	swait.ge @!p0 [sflag:s0], s1  }
0xbe: {  	s1 =	ssub.s32 @!p0 $0x0, s1;
	[sflag:s0] =	ssyncset.done @!p0 $0x0  }
0xbf: {  	[sflag:s0] =	ssyncadd.s32 @!p0 s1  }
0xc0: {  	[bflag:$0x3] =	sbarrier.arrive $0xFFFF  }
0xc1: {  	_ =	shalt  }

</sc_bundles>
